<compile_context>
chip_gen: v7x
topology: tpu7x:2x2x1
jax: 0.10.2.dev20260603
libtpu: 0.0.44.dev20260713+nightly
codegen_flags: <defaults>
</compile_context>

<pallas_src>
import functools

import jax
import jax.numpy as jnp
from jax import lax
from jax.experimental import pallas as pl
from jax.experimental.pallas import tpu as pltpu
from jax.experimental.pallas import tpu_sc as plsc

D0, D1, D2 = 5, 6, 2
NCOMB = D0 * D1 * D2
EMB = 32
N_EDGES = 1600000
L = 16

B = 400


def _make_kernel(num_cores, num_subcores):
  nw = num_cores * num_subcores
  per_w = N_EDGES // nw
  n_chunks = per_w // B
  assert per_w * nw == N_EDGES and n_chunks * B == per_w and B % L == 0

  mesh = plsc.VectorSubcoreMesh(core_axis_name="c", subcore_axis_name="s")

  @functools.partial(
      pl.kernel,
      out_type=jax.ShapeDtypeStruct((N_EDGES, EMB), jnp.float32),
      mesh=mesh,
      compiler_params=pltpu.CompilerParams(needs_layout_passes=False),
      scratch_types=[
          pltpu.VMEM((D0, EMB), jnp.float32),
          pltpu.VMEM((D1, EMB), jnp.float32),
          pltpu.VMEM((D2, EMB), jnp.float32),
          pltpu.VMEM((NCOMB, EMB), jnp.float32),
          pltpu.VMEM((B, 3), jnp.int32),
          pltpu.VMEM((B, EMB), jnp.float32),
      ],
  )
  def edge_encoder(ea_hbm, w0_hbm, w1_hbm, w2_hbm, out_hbm,
                   w0_v, w1_v, w2_v, c_v, e_v, o_v):
    cid = lax.axis_index("c")
    sid = lax.axis_index("s")
    wid = sid * num_cores + cid

    pltpu.sync_copy(w0_hbm, w0_v)
    pltpu.sync_copy(w1_hbm, w1_v)
    pltpu.sync_copy(w2_hbm, w2_v)
    for i0 in range(D0):
      for i1 in range(D1):
        for i2 in range(D2):
          row = (i0 * D1 + i1) * D2 + i2
          for h in range(EMB // L):
            ds = pl.ds(h * L, L)
            c_v[row, ds] = w0_v[i0, ds] + w1_v[i1, ds] + w2_v[i2, ds]

    iota = lax.iota(jnp.int32, L)
    base0 = wid * per_w

    def chunk_body(k, _):
      base = base0 + k * B
      pltpu.sync_copy(ea_hbm.at[pl.ds(base, B), :], e_v)

      def group_body(g, _):
        rows = iota + g * L
        zero = jnp.zeros((L,), jnp.int32)
        e0 = plsc.load_gather(e_v, [rows, zero])
        e1 = plsc.load_gather(e_v, [rows, zero + 1])
        e2 = plsc.load_gather(e_v, [rows, zero + 2])
        c = (e0 * D1 + e1) * D2 + e2
        for d in range(EMB):
          dcol = jnp.full((L,), d, jnp.int32)
          v = plsc.load_gather(c_v, [c, dcol])
          plsc.store_scatter(o_v, [rows, dcol], v)
        return 0

      lax.fori_loop(0, B // L, group_body, 0)
      pltpu.sync_copy(o_v, out_hbm.at[pl.ds(base, B), :])
      return 0

    lax.fori_loop(0, n_chunks, chunk_body, 0)

  return edge_encoder


def kernel(edge_attr, W0, W1, W2):
  info = plsc.get_sparse_core_info()
  fn = _make_kernel(info.num_cores, info.num_subcores)
  return fn(edge_attr.astype(jnp.int32), W0, W1, W2)

# --- scband reference (transcript-rebuilt; emitter-appended) ---
"""Pipeline reference for scband-example-edge-encoder-27513560498428 (READ-ONLY COPY).

The authoritative reference and input builder live on the scoring server;
editing this copy changes nothing except your own understanding.
"""

import jax, jax.numpy as jnp
import numpy as np

FULL_BOND_FEATURE_DIMS = [5, 6, 2]
EMB_DIM = 32
N_EDGES = 1600000

def _xavier_uniform(key, shape):
    fan_in, fan_out = shape[0], shape[1]
    a = float(np.sqrt(6.0 / (fan_in + fan_out)))
    return jax.random.uniform(key, shape, dtype=jnp.float32, minval=-a, maxval=a)

def setup_inputs(seed: int = 0) -> dict:
    key = jax.random.key(seed)
    k_idx, k0, k1, k2 = jax.random.split(key, 4)
    edge_attr = jax.random.randint(k_idx, (N_EDGES, 3), 0, 2, dtype=jnp.int64) if jax.config.jax_enable_x64 else jax.random.randint(k_idx, (N_EDGES, 3), 0, 2, dtype=jnp.int32)
    W0 = _xavier_uniform(k0, (FULL_BOND_FEATURE_DIMS[0], EMB_DIM))
    W1 = _xavier_uniform(k1, (FULL_BOND_FEATURE_DIMS[1], EMB_DIM))
    W2 = _xavier_uniform(k2, (FULL_BOND_FEATURE_DIMS[2], EMB_DIM))
    return {"edge_attr": edge_attr, "W0": W0, "W1": W1, "W2": W2}

def reference(edge_attr, W0, W1, W2):
    # Faithful translation of ExampleEdgeEncoder.forward:
    # bond_embedding = sum_i bond_embedding_list[i](edge_attr[:, i])
    bond_embedding = jnp.take(W0, edge_attr[:, 0], axis=0)
    bond_embedding = bond_embedding + jnp.take(W1, edge_attr[:, 1], axis=0)
    bond_embedding = bond_embedding + jnp.take(W2, edge_attr[:, 2], axis=0)
    return bond_embedding

if __name__ == "__main__":
    import jax
    _d = setup_inputs()
    print(jax.jit(kernel)(*tuple(_d.values())))

</pallas_src>

<mosaic_0001>
#map = affine_map<(d0, d1) -> (0, 0)>
module attributes {stable_mosaic.version = 14 : i64} {
  func.func @edge_encoder(%arg0: i32, %arg1: i32, %arg2: memref<1600000x3xi32, #tpu.memory_space<hbm>>, %arg3: memref<5x32xf32, #tpu.memory_space<hbm>>, %arg4: memref<6x32xf32, #tpu.memory_space<hbm>>, %arg5: memref<2x32xf32, #tpu.memory_space<hbm>>, %arg6: memref<1600000x32xf32, #tpu.memory_space<hbm>>, %arg7: memref<5x32xf32, #tpu.memory_space<vmem>>, %arg8: memref<6x32xf32, #tpu.memory_space<vmem>>, %arg9: memref<2x32xf32, #tpu.memory_space<vmem>>, %arg10: memref<60x32xf32, #tpu.memory_space<vmem>>, %arg11: memref<400x3xi32, #tpu.memory_space<vmem>>, %arg12: memref<400x32xf32, #tpu.memory_space<vmem>>) attributes {dimension_semantics = [#tpu.dimension_semantics<core_parallel>, #tpu.dimension_semantics<subcore_parallel>], iteration_bounds = array<i64: 2, 16>, scalar_prefetch = 0 : i64, scratch_operands = 6 : i64, tpu.core_type = #tpu.core_type<sc_vector_subcore>, window_params = [{transform_indices = #map}, {transform_indices = #map}, {transform_indices = #map}, {transform_indices = #map}, {transform_indices = #map}]} {
    %mul3A = arith.constant 2 : i32
    %mul3A_0 = arith.muli %arg1, %mul3A : i32
    %add3A = arith.addi %mul3A_0, %arg0 : i32
    "tpu.region"() ({
      %run_scoped3A = tpu.sem_alloc : memref<!tpu.dma_semaphore, #tpu.memory_space<semaphore_mem>>
      tpu.enqueue_dma source(%arg3 : memref<5x32xf32, #tpu.memory_space<hbm>>) target(%arg7 : memref<5x32xf32, #tpu.memory_space<vmem>>) target_semaphore(%run_scoped3A : memref<!tpu.dma_semaphore, #tpu.memory_space<semaphore_mem>>)
      tpu.wait_dma2 semaphore(%run_scoped3A : memref<!tpu.dma_semaphore, #tpu.memory_space<semaphore_mem>>) src(%arg3 : memref<5x32xf32, #tpu.memory_space<hbm>>) dst(%arg7 : memref<5x32xf32, #tpu.memory_space<vmem>>)
      tpu.yield
    }) : () -> ()
    "tpu.region"() ({
      %run_scoped3A = tpu.sem_alloc : memref<!tpu.dma_semaphore, #tpu.memory_space<semaphore_mem>>
      tpu.enqueue_dma source(%arg4 : memref<6x32xf32, #tpu.memory_space<hbm>>) target(%arg8 : memref<6x32xf32, #tpu.memory_space<vmem>>) target_semaphore(%run_scoped3A : memref<!tpu.dma_semaphore, #tpu.memory_space<semaphore_mem>>)
      tpu.wait_dma2 semaphore(%run_scoped3A : memref<!tpu.dma_semaphore, #tpu.memory_space<semaphore_mem>>) src(%arg4 : memref<6x32xf32, #tpu.memory_space<hbm>>) dst(%arg8 : memref<6x32xf32, #tpu.memory_space<vmem>>)
      tpu.yield
    }) : () -> ()
    "tpu.region"() ({
      %run_scoped3A = tpu.sem_alloc : memref<!tpu.dma_semaphore, #tpu.memory_space<semaphore_mem>>
      tpu.enqueue_dma source(%arg5 : memref<2x32xf32, #tpu.memory_space<hbm>>) target(%arg9 : memref<2x32xf32, #tpu.memory_space<vmem>>) target_semaphore(%run_scoped3A : memref<!tpu.dma_semaphore, #tpu.memory_space<semaphore_mem>>)
      tpu.wait_dma2 semaphore(%run_scoped3A : memref<!tpu.dma_semaphore, #tpu.memory_space<semaphore_mem>>) src(%arg5 : memref<2x32xf32, #tpu.memory_space<hbm>>) dst(%arg9 : memref<2x32xf32, #tpu.memory_space<vmem>>)
      tpu.yield
    }) : () -> ()
    %get3A = arith.constant 0 : i32
    %get3A_1 = arith.index_cast %get3A : i32 to index
    %get3A_2 = arith.constant 0 : index
    %get3A_3 = tpu.vector_load %arg7[%get3A_1, %get3A_2] {strides = array<i32>} : memref<5x32xf32, #tpu.memory_space<vmem>>, vector<16xf32>,
    %get3A_4 = arith.constant 0 : i32
    %get3A_5 = arith.index_cast %get3A_4 : i32 to index
    %get3A_6 = arith.constant 0 : index
    %get3A_7 = tpu.vector_load %arg8[%get3A_5, %get3A_6] {strides = array<i32>} : memref<6x32xf32, #tpu.memory_space<vmem>>, vector<16xf32>,
    %add3A_8 = arith.addf %get3A_3, %get3A_7 : vector<16xf32>
    %get3A_9 = arith.constant 0 : i32
    %get3A_10 = arith.index_cast %get3A_9 : i32 to index
    %get3A_11 = arith.constant 0 : index
    %get3A_12 = tpu.vector_load %arg9[%get3A_10, %get3A_11] {strides = array<i32>} : memref<2x32xf32, #tpu.memory_space<vmem>>, vector<16xf32>,
    %add3A_13 = arith.addf %add3A_8, %get3A_12 : vector<16xf32>
    %swap3A = arith.constant 0 : i32
    %swap3A_14 = arith.index_cast %swap3A : i32 to index
    %swap3A_15 = arith.constant 0 : index
    %swap3A_16 = tpu.vector_load %arg10[%swap3A_14, %swap3A_15] {strides = array<i32>} : memref<60x32xf32, #tpu.memory_space<vmem>>, vector<16xf32>,
    tpu.vector_store %arg10[%swap3A_14, %swap3A_15], %add3A_13 {strides = array<i32>} : memref<60x32xf32, #tpu.memory_space<vmem>>, vector<16xf32>,
    %get3A_17 = arith.constant 0 : i32
    %get3A_18 = arith.index_cast %get3A_17 : i32 to index
    %get3A_19 = arith.constant 16 : index
    %get3A_20 = tpu.vector_load %arg7[%get3A_18, %get3A_19] {strides = array<i32>} : memref<5x32xf32, #tpu.memory_space<vmem>>, vector<16xf32>,
    %get3A_21 = arith.constant 0 : i32
    %get3A_22 = arith.index_cast %get3A_21 : i32 to index
    %get3A_23 = arith.constant 16 : index
    %get3A_24 = tpu.vector_load %arg8[%get3A_22, %get3A_23] {strides = array<i32>} : memref<6x32xf32, #tpu.memory_space<vmem>>, vector<16xf32>,
    %add3A_25 = arith.addf %get3A_20, %get3A_24 : vector<16xf32>
    %get3A_26 = arith.constant 0 : i32
    %get3A_27 = arith.index_cast %get3A_26 : i32 to index
    %get3A_28 = arith.constant 16 : index
    %get3A_29 = tpu.vector_load %arg9[%get3A_27, %get3A_28] {strides = array<i32>} : memref<2x32xf32, #tpu.memory_space<vmem>>, vector<16xf32>,
    %add3A_30 = arith.addf %add3A_25, %get3A_29 : vector<16xf32>
    %swap3A_31 = arith.constant 0 : i32
    %swap3A_32 = arith.index_cast %swap3A_31 : i32 to index
    %swap3A_33 = arith.constant 16 : index
    %swap3A_34 = tpu.vector_load %arg10[%swap3A_32, %swap3A_33] {strides = array<i32>} : memref<60x32xf32, #tpu.memory_space<vmem>>, vector<16xf32>,
    tpu.vector_store %arg10[%swap3A_32, %swap3A_33], %add3A_30 {strides = array<i32>} : memref<60x32xf32, #tpu.memory_space<vmem>>, vector<16xf32>,
    %get3A_35 = arith.constant 0 : i32
    %get3A_36 = arith.index_cast %get3A_35 : i32 to index
    %get3A_37 = arith.constant 0 : index
    %get3A_38 = tpu.vector_load %arg7[%get3A_36, %get3A_37] {strides = array<i32>} : memref<5x32xf32, #tpu.memory_space<vmem>>, vector<16xf32>,
    %get3A_39 = arith.constant 0 : i32
    %get3A_40 = arith.index_cast %get3A_39 : i32 to index
    %get3A_41 = arith.constant 0 : index
    %get3A_42 = tpu.vector_load %arg8[%get3A_40, %get3A_41] {strides = array<i32>} : memref<6x32xf32, #tpu.memory_space<vmem>>, vector<16xf32>,
    %add3A_43 = arith.addf %get3A_38, %get3A_42 : vector<16xf32>
    %get3A_44 = arith.constant 1 : i32
    %get3A_45 = arith.index_cast %get3A_44 : i32 to index
    %get3A_46 = arith.constant 0 : index
    %get3A_47 = tpu.vector_load %arg9[%get3A_45, %get3A_46] {strides = array<i32>} : memref<2x32xf32, #tpu.memory_space<vmem>>, vector<16xf32>,
    %add3A_48 = arith.addf %add3A_43, %get3A_47 : vector<16xf32>
    %swap3A_49 = arith.constant 1 : i32
    %swap3A_50 = arith.index_cast %swap3A_49 : i32 to index
    %swap3A_51 = arith.constant 0 : index
    %swap3A_52 = tpu.vector_load %arg10[%swap3A_50, %swap3A_51] {strides = array<i32>} : memref<60x32xf32, #tpu.memory_space<vmem>>, vector<16xf32>,
    tpu.vector_store %arg10[%swap3A_50, %swap3A_51], %add3A_48 {strides = array<i32>} : memref<60x32xf32, #tpu.memory_space<vmem>>, vector<16xf32>,
    %get3A_53 = arith.constant 0 : i32
    %get3A_54 = arith.index_cast %get3A_53 : i32 to index
    %get3A_55 = arith.constant 16 : index
    %get3A_56 = tpu.vector_load %arg7[%get3A_54, %get3A_55] {strides = array<i32>} : memref<5x32xf32, #tpu.memory_space<vmem>>, vector<16xf32>,
    %get3A_57 = arith.constant 0 : i32
    %get3A_58 = arith.index_cast %get3A_57 : i32 to index
    %get3A_59 = arith.constant 16 : index
    %get3A_60 = tpu.vector_load %arg8[%get3A_58, %get3A_59] {strides = array<i32>} : memref<6x32xf32, #tpu.memory_space<vmem>>, vector<16xf32>,
    %add3A_61 = arith.addf %get3A_56, %get3A_60 : vector<16xf32>
    %get3A_62 = arith.constant 1 : i32
    %get3A_63 = arith.index_cast %get3A_62 : i32 to index
    %get3A_64 = arith.constant 16 : index
    %get3A_65 = tpu.vector_load %arg9[%get3A_63, %get3A_64] {strides = array<i32>} : memref<2x32xf32, #tpu.memory_space<vmem>>, vector<16xf32>,
    %add3A_66 = arith.addf %add3A_61, %get3A_65 : vector<16xf32>
    %swap3A_67 = arith.constant 1 : i32
    %swap3A_68 = arith.index_cast %swap3A_67 : i32 to index
    %swap3A_69 = arith.constant 16 : index
    %swap3A_70 = tpu.vector_load %arg10[%swap3A_68, %swap3A_69] {strides = array<i32>} : memref<60x32xf32, #tpu.memory_space<vmem>>, vector<16xf32>,
    tpu.vector_store %arg10[%swap3A_68, %swap3A_69], %add3A_66 {strides = array<i32>} : memref<60x32xf32, #tpu.memory_space<vmem>>, vector<16xf32>,
    %get3A_71 = arith.constant 0 : i32
    %get3A_72 = arith.index_cast %get3A_71 : i32 to index
    %get3A_73 = arith.constant 0 : index
    %get3A_74 = tpu.vector_load %arg7[%get3A_72, %get3A_73] {strides = array<i32>} : memref<5x32xf32, #tpu.memory_space<vmem>>, vector<16xf32>,
    %get3A_75 = arith.constant 1 : i32
    %get3A_76 = arith.index_cast %get3A_75 : i32 to index
    %get3A_77 = arith.constant 0 : index
    %get3A_78 = tpu.vector_load %arg8[%get3A_76, %get3A_77] {strides = array<i32>} : memref<6x32xf32, #tpu.memory_space<vmem>>, vector<16xf32>,
    %add3A_79 = arith.addf %get3A_74, %get3A_78 : vector<16xf32>
    %get3A_80 = arith.constant 0 : i32
    %get3A_81 = arith.index_cast %get3A_80 : i32 to index
    %get3A_82 = arith.constant 0 : index
    %get3A_83 = tpu.vector_load %arg9[%get3A_81, %get3A_82] {strides = array<i32>} : memref<2x32xf32, #tpu.memory_space<vmem>>, vector<16xf32>,
    %add3A_84 = arith.addf %add3A_79, %get3A_83 : vector<16xf32>
    %swap3A_85 = arith.constant 2 : i32
    %swap3A_86 = arith.index_cast %swap3A_85 : i32 to index
    %swap3A_87 = arith.constant 0 : index
    %swap3A_88 = tpu.vector_load %arg10[%swap3A_86, %swap3A_87] {strides = array<i32>} : memref<60x32xf32, #tpu.memory_space<vmem>>, vector<16xf32>,
    tpu.vector_store %arg10[%swap3A_86, %swap3A_87], %add3A_84 {strides = array<i32>} : memref<60x32xf32, #tpu.memory_space<vmem>>, vector<16xf32>,
    %get3A_89 = arith.constant 0 : i32
    %get3A_90 = arith.index_cast %get3A_89 : i32 to index
    %get3A_91 = arith.constant 16 : index
    %get3A_92 = tpu.vector_load %arg7[%get3A_90, %get3A_91] {strides = array<i32>} : memref<5x32xf32, #tpu.memory_space<vmem>>, vector<16xf32>,
    %get3A_93 = arith.constant 1 : i32
    %get3A_94 = arith.index_cast %get3A_93 : i32 to index
    %get3A_95 = arith.constant 16 : index
    %get3A_96 = tpu.vector_load %arg8[%get3A_94, %get3A_95] {strides = array<i32>} : memref<6x32xf32, #tpu.memory_space<vmem>>, vector<16xf32>,
    %add3A_97 = arith.addf %get3A_92, %get3A_96 : vector<16xf32>
    %get3A_98 = arith.constant 0 : i32
    %get3A_99 = arith.index_cast %get3A_98 : i32 to index
    %get3A_100 = arith.constant 16 : index
    %get3A_101 = tpu.vector_load %arg9[%get3A_99, %get3A_100] {strides = array<i32>} : memref<2x32xf32, #tpu.memory_space<vmem>>, vector<16xf32>,
    %add3A_102 = arith.addf %add3A_97, %get3A_101 : vector<16xf32>
    %swap3A_103 = arith.constant 2 : i32
    %swap3A_104 = arith.index_cast %swap3A_103 : i32 to index
    %swap3A_105 = arith.constant 16 : index
    %swap3A_106 = tpu.vector_load %arg10[%swap3A_104, %swap3A_105] {strides = array<i32>} : memref<60x32xf32, #tpu.memory_space<vmem>>, vector<16xf32>,
    tpu.vector_store %arg10[%swap3A_104, %swap3A_105], %add3A_102 {strides = array<i32>} : memref<60x32xf32, #tpu.memory_space<vmem>>, vector<16xf32>,
    %get3A_107 = arith.constant 0 : i32
    %get3A_108 = arith.index_cast %get3A_107 : i32 to index
    %get3A_109 = arith.constant 0 : index
    %get3A_110 = tpu.vector_load %arg7[%get3A_108, %get3A_109] {strides = array<i32>} : memref<5x32xf32, #tpu.memory_space<vmem>>, vector<16xf32>,
    %get3A_111 = arith.constant 1 : i32
    %get3A_112 = arith.index_cast %get3A_111 : i32 to index
    %get3A_113 = arith.constant 0 : index
    %get3A_114 = tpu.vector_load %arg8[%get3A_112, %get3A_113] {strides = array<i32>} : memref<6x32xf32, #tpu.memory_space<vmem>>, vector<16xf32>,
    %add3A_115 = arith.addf %get3A_110, %get3A_114 : vector<16xf32>
    %get3A_116 = arith.constant 1 : i32
    %get3A_117 = arith.index_cast %get3A_116 : i32 to index
    %get3A_118 = arith.constant 0 : index
    %get3A_119 = tpu.vector_load %arg9[%get3A_117, %get3A_118] {strides = array<i32>} : memref<2x32xf32, #tpu.memory_space<vmem>>, vector<16xf32>,
    %add3A_120 = arith.addf %add3A_115, %get3A_119 : vector<16xf32>
    %swap3A_121 = arith.constant 3 : i32
    %swap3A_122 = arith.index_cast %swap3A_121 : i32 to index
    %swap3A_123 = arith.constant 0 : index
    %swap3A_124 = tpu.vector_load %arg10[%swap3A_122, %swap3A_123] {strides = array<i32>} : memref<60x32xf32, #tpu.memory_space<vmem>>, vector<16xf32>,
    tpu.vector_store %arg10[%swap3A_122, %swap3A_123], %add3A_120 {strides = array<i32>} : memref<60x32xf32, #tpu.memory_space<vmem>>, vector<16xf32>,
    %get3A_125 = arith.constant 0 : i32
    %get3A_126 = arith.index_cast %get3A_125 : i32 to index
    %get3A_127 = arith.constant 16 : index
    %get3A_128 = tpu.vector_load %arg7[%get3A_126, %get3A_127] {strides = array<i32>} : memref<5x32xf32, #tpu.memory_space<vmem>>, vector<16xf32>,
    %get3A_129 = arith.constant 1 : i32
    %get3A_130 = arith.index_cast %get3A_129 : i32 to index
    %get3A_131 = arith.constant 16 : index
    %get3A_132 = tpu.vector_load %arg8[%get3A_130, %get3A_131] {strides = array<i32>} : memref<6x32xf32, #tpu.memory_space<vmem>>, vector<16xf32>,
    %add3A_133 = arith.addf %get3A_128, %get3A_132 : vector<16xf32>
    %get3A_134 = arith.constant 1 : i32
    %get3A_135 = arith.index_cast %get3A_134 : i32 to index
    %get3A_136 = arith.constant 16 : index
    %get3A_137 = tpu.vector_load %arg9[%get3A_135, %get3A_136] {strides = array<i32>} : memref<2x32xf32, #tpu.memory_space<vmem>>, vector<16xf32>,
    %add3A_138 = arith.addf %add3A_133, %get3A_137 : vector<16xf32>
    %swap3A_139 = arith.constant 3 : i32
    %swap3A_140 = arith.index_cast %swap3A_139 : i32 to index
    %swap3A_141 = arith.constant 16 : index
    %swap3A_142 = tpu.vector_load %arg10[%swap3A_140, %swap3A_141] {strides = array<i32>} : memref<60x32xf32, #tpu.memory_space<vmem>>, vector<16xf32>,
    tpu.vector_store %arg10[%swap3A_140, %swap3A_141], %add3A_138 {strides = array<i32>} : memref<60x32xf32, #tpu.memory_space<vmem>>, vector<16xf32>,
    %get3A_143 = arith.constant 0 : i32
    %get3A_144 = arith.index_cast %get3A_143 : i32 to index
    %get3A_145 = arith.constant 0 : index
    %get3A_146 = tpu.vector_load %arg7[%get3A_144, %get3A_145] {strides = array<i32>} : memref<5x32xf32, #tpu.memory_space<vmem>>, vector<16xf32>,
    %get3A_147 = arith.constant 2 : i32
    %get3A_148 = arith.index_cast %get3A_147 : i32 to index
    %get3A_149 = arith.constant 0 : index
    %get3A_150 = tpu.vector_load %arg8[%get3A_148, %get3A_149] {strides = array<i32>} : memref<6x32xf32, #tpu.memory_space<vmem>>, vector<16xf32>,
    %add3A_151 = arith.addf %get3A_146, %get3A_150 : vector<16xf32>
    %get3A_152 = arith.constant 0 : i32
    %get3A_153 = arith.index_cast %get3A_152 : i32 to index
    %get3A_154 = arith.constant 0 : index
    %get3A_155 = tpu.vector_load %arg9[%get3A_153, %get3A_154] {strides = array<i32>} : memref<2x32xf32, #tpu.memory_space<vmem>>, vector<16xf32>,
    %add3A_156 = arith.addf %add3A_151, %get3A_155 : vector<16xf32>
    %swap3A_157 = arith.constant 4 : i32
    %swap3A_158 = arith.index_cast %swap3A_157 : i32 to index
    %swap3A_159 = arith.constant 0 : index
    %swap3A_160 = tpu.vector_load %arg10[%swap3A_158, %swap3A_159] {strides = array<i32>} : memref<60x32xf32, #tpu.memory_space<vmem>>, vector<16xf32>,
    tpu.vector_store %arg10[%swap3A_158, %swap3A_159], %add3A_156 {strides = array<i32>} : memref<60x32xf32, #tpu.memory_space<vmem>>, vector<16xf32>,
    %get3A_161 = arith.constant 0 : i32
    %get3A_162 = arith.index_cast %get3A_161 : i32 to index
    %get3A_163 = arith.constant 16 : index
    %get3A_164 = tpu.vector_load %arg7[%get3A_162, %get3A_163] {strides = array<i32>} : memref<5x32xf32, #tpu.memory_space<vmem>>, vector<16xf32>,
    %get3A_165 = arith.constant 2 : i32
    %get3A_166 = arith.index_cast %get3A_165 : i32 to index
    %get3A_167 = arith.constant 16 : index
    %get3A_168 = tpu.vector_load %arg8[%get3A_166, %get3A_167] {strides = array<i32>} : memref<6x32xf32, #tpu.memory_space<vmem>>, vector<16xf32>,
    %add3A_169 = arith.addf %get3A_164, %get3A_168 : vector<16xf32>
    %get3A_170 = arith.constant 0 : i32
    %get3A_171 = arith.index_cast %get3A_170 : i32 to index
    %get3A_172 = arith.constant 16 : index
    %get3A_173 = tpu.vector_load %arg9[%get3A_171, %get3A_172] {strides = array<i32>} : memref<2x32xf32, #tpu.memory_space<vmem>>, vector<16xf32>,
    %add3A_174 = arith.addf %add3A_169, %get3A_173 : vector<16xf32>
    %swap3A_175 = arith.constant 4 : i32
    %swap3A_176 = arith.index_cast %swap3A_175 : i32 to index
    %swap3A_177 = arith.constant 16 : index
    %swap3A_178 = tpu.vector_load %arg10[%swap3A_176, %swap3A_177] {strides = array<i32>} : memref<60x32xf32, #tpu.memory_space<vmem>>, vector<16xf32>,
    tpu.vector_store %arg10[%swap3A_176, %swap3A_177], %add3A_174 {strides = array<i32>} : memref<60x32xf32, #tpu.memory_space<vmem>>, vector<16xf32>,
    %get3A_179 = arith.constant 0 : i32
    %get3A_180 = arith.index_cast %get3A_179 : i32 to index
    %get3A_181 = arith.constant 0 : index
    %get3A_182 = tpu.vector_load %arg7[%get3A_180, %get3A_181] {strides = array<i32>} : memref<5x32xf32, #tpu.memory_space<vmem>>, vector<16xf32>,
    %get3A_183 = arith.constant 2 : i32
    %get3A_184 = arith.index_cast %get3A_183 : i32 to index
    %get3A_185 = arith.constant 0 : index
    %get3A_186 = tpu.vector_load %arg8[%get3A_184, %get3A_185] {strides = array<i32>} : memref<6x32xf32, #tpu.memory_space<vmem>>, vector<16xf32>,
    %add3A_187 = arith.addf %get3A_182, %get3A_186 : vector<16xf32>
    %get3A_188 = arith.constant 1 : i32
    %get3A_189 = arith.index_cast %get3A_188 : i32 to index
    %get3A_190 = arith.constant 0 : index
    %get3A_191 = tpu.vector_load %arg9[%get3A_189, %get3A_190] {strides = array<i32>} : memref<2x32xf32, #tpu.memory_space<vmem>>, vector<16xf32>,
    %add3A_192 = arith.addf %add3A_187, %get3A_191 : vector<16xf32>
    %swap3A_193 = arith.constant 5 : i32
    %swap3A_194 = arith.index_cast %swap3A_193 : i32 to index
    %swap3A_195 = arith.constant 0 : index
    %swap3A_196 = tpu.vector_load %arg10[%swap3A_194, %swap3A_195] {strides = array<i32>} : memref<60x32xf32, #tpu.memory_space<vmem>>, vector<16xf32>,
    tpu.vector_store %arg10[%swap3A_194, %swap3A_195], %add3A_192 {strides = array<i32>} : memref<60x32xf32, #tpu.memory_space<vmem>>, vector<16xf32>,
    %get3A_197 = arith.constant 0 : i32
    %get3A_198 = arith.index_cast %get3A_197 : i32 to index
    %get3A_199 = arith.constant 16 : index
    %get3A_200 = tpu.vector_load %arg7[%get3A_198, %get3A_199] {strides = array<i32>} : memref<5x32xf32, #tpu.memory_space<vmem>>, vector<16xf32>,
    %get3A_201 = arith.constant 2 : i32
    %get3A_202 = arith.index_cast %get3A_201 : i32 to index
    %get3A_203 = arith.constant 16 : index
    %get3A_204 = tpu.vector_load %arg8[%get3A_202, %get3A_203] {strides = array<i32>} : memref<6x32xf32, #tpu.memory_space<vmem>>, vector<16xf32>,
    %add3A_205 = arith.addf %get3A_200, %get3A_204 : vector<16xf32>
    %get3A_206 = arith.constant 1 : i32
    %get3A_207 = arith.index_cast %get3A_206 : i32 to index
    %get3A_208 = arith.constant 16 : index
    %get3A_209 = tpu.vector_load %arg9[%get3A_207, %get3A_208] {strides = array<i32>} : memref<2x32xf32, #tpu.memory_space<vmem>>, vector<16xf32>,
    %add3A_210 = arith.addf %add3A_205, %get3A_209 : vector<16xf32>
    %swap3A_211 = arith.constant 5 : i32
    %swap3A_212 = arith.index_cast %swap3A_211 : i32 to index
    %swap3A_213 = arith.constant 16 : index
    %swap3A_214 = tpu.vector_load %arg10[%swap3A_212, %swap3A_213] {strides = array<i32>} : memref<60x32xf32, #tpu.memory_space<vmem>>, vector<16xf32>,
    tpu.vector_store %arg10[%swap3A_212, %swap3A_213], %add3A_210 {strides = array<i32>} : memref<60x32xf32, #tpu.memory_space<vmem>>, vector<16xf32>,
    %get3A_215 = arith.constant 0 : i32
    %get3A_216 = arith.index_cast %get3A_215 : i32 to index
    %get3A_217 = arith.constant 0 : index
    %get3A_218 = tpu.vector_load %arg7[%get3A_216, %get3A_217] {strides = array<i32>} : memref<5x32xf32, #tpu.memory_space<vmem>>, vector<16xf32>,
    %get3A_219 = arith.constant 3 : i32
    %get3A_220 = arith.index_cast %get3A_219 : i32 to index
    %get3A_221 = arith.constant 0 : index
    %get3A_222 = tpu.vector_load %arg8[%get3A_220, %get3A_221] {strides = array<i32>} : memref<6x32xf32, #tpu.memory_space<vmem>>, vector<16xf32>,
    %add3A_223 = arith.addf %get3A_218, %get3A_222 : vector<16xf32>
    %get3A_224 = arith.constant 0 : i32
    %get3A_225 = arith.index_cast %get3A_224 : i32 to index
    %get3A_226 = arith.constant 0 : index
    %get3A_227 = tpu.vector_load %arg9[%get3A_225, %get3A_226] {strides = array<i32>} : memref<2x32xf32, #tpu.memory_space<vmem>>, vector<16xf32>,
    %add3A_228 = arith.addf %add3A_223, %get3A_227 : vector<16xf32>
    %swap3A_229 = arith.constant 6 : i32
    %swap3A_230 = arith.index_cast %swap3A_229 : i32 to index
    %swap3A_231 = arith.constant 0 : index
    %swap3A_232 = tpu.vector_load %arg10[%swap3A_230, %swap3A_231] {strides = array<i32>} : memref<60x32xf32, #tpu.memory_space<vmem>>, vector<16xf32>,
    tpu.vector_store %arg10[%swap3A_230, %swap3A_231], %add3A_228 {strides = array<i32>} : memref<60x32xf32, #tpu.memory_space<vmem>>, vector<16xf32>,
    %get3A_233 = arith.constant 0 : i32
    %get3A_234 = arith.index_cast %get3A_233 : i32 to index
    %get3A_235 = arith.constant 16 : index
    %get3A_236 = tpu.vector_load %arg7[%get3A_234, %get3A_235] {strides = array<i32>} : memref<5x32xf32, #tpu.memory_space<vmem>>, vector<16xf32>,
    %get3A_237 = arith.constant 3 : i32
    %get3A_238 = arith.index_cast %get3A_237 : i32 to index
    %get3A_239 = arith.constant 16 : index
    %get3A_240 = tpu.vector_load %arg8[%get3A_238, %get3A_239] {strides = array<i32>} : memref<6x32xf32, #tpu.memory_space<vmem>>, vector<16xf32>,
    %add3A_241 = arith.addf %get3A_236, %get3A_240 : vector<16xf32>
    %get3A_242 = arith.constant 0 : i32
    %get3A_243 = arith.index_cast %get3A_242 : i32 to index
    %get3A_244 = arith.constant 16 : index
    %get3A_245 = tpu.vector_load %arg9[%get3A_243, %get3A_244] {strides = array<i32>} : memref<2x32xf32, #tpu.memory_space<vmem>>, vector<16xf32>,
    %add3A_246 = arith.addf %add3A_241, %get3A_245 : vector<16xf32>
    %swap3A_247 = arith.constant 6 : i32
    %swap3A_248 = arith.index_cast %swap3A_247 : i32 to index
    %swap3A_249 = arith.constant 16 : index
    %swap3A_250 = tpu.vector_load %arg10[%swap3A_248, %swap3A_249] {strides = array<i32>} : memref<60x32xf32, #tpu.memory_space<vmem>>, vector<16xf32>,
    tpu.vector_store %arg10[%swap3A_248, %swap3A_249], %add3A_246 {strides = array<i32>} : memref<60x32xf32, #tpu.memory_space<vmem>>, vector<16xf32>,
    %get3A_251 = arith.constant 0 : i32
    %get3A_252 = arith.index_cast %get3A_251 : i32 to index
    %get3A_253 = arith.constant 0 : index
    %get3A_254 = tpu.vector_load %arg7[%get3A_252, %get3A_253] {strides = array<i32>} : memref<5x32xf32, #tpu.memory_space<vmem>>, vector<16xf32>,
    %get3A_255 = arith.constant 3 : i32
    %get3A_256 = arith.index_cast %get3A_255 : i32 to index
    %get3A_257 = arith.constant 0 : index
    %get3A_258 = tpu.vector_load %arg8[%get3A_256, %get3A_257] {strides = array<i32>} : memref<6x32xf32, #tpu.memory_space<vmem>>, vector<16xf32>,
    %add3A_259 = arith.addf %get3A_254, %get3A_258 : vector<16xf32>
    %get3A_260 = arith.constant 1 : i32
    %get3A_261 = arith.index_cast %get3A_260 : i32 to index
    %get3A_262 = arith.constant 0 : index
    %get3A_263 = tpu.vector_load %arg9[%get3A_261, %get3A_262] {strides = array<i32>} : memref<2x32xf32, #tpu.memory_space<vmem>>, vector<16xf32>,
    %add3A_264 = arith.addf %add3A_259, %get3A_263 : vector<16xf32>
    %swap3A_265 = arith.constant 7 : i32
    %swap3A_266 = arith.index_cast %swap3A_265 : i32 to index
    %swap3A_267 = arith.constant 0 : index
    %swap3A_268 = tpu.vector_load %arg10[%swap3A_266, %swap3A_267] {strides = array<i32>} : memref<60x32xf32, #tpu.memory_space<vmem>>, vector<16xf32>,
    tpu.vector_store %arg10[%swap3A_266, %swap3A_267], %add3A_264 {strides = array<i32>} : memref<60x32xf32, #tpu.memory_space<vmem>>, vector<16xf32>,
    %get3A_269 = arith.constant 0 : i32
    %get3A_270 = arith.index_cast %get3A_269 : i32 to index
    %get3A_271 = arith.constant 16 : index
    %get3A_272 = tpu.vector_load %arg7[%get3A_270, %get3A_271] {strides = array<i32>} : memref<5x32xf32, #tpu.memory_space<vmem>>, vector<16xf32>,
    %get3A_273 = arith.constant 3 : i32
    %get3A_274 = arith.index_cast %get3A_273 : i32 to index
    %get3A_275 = arith.constant 16 : index
    %get3A_276 = tpu.vector_load %arg8[%get3A_274, %get3A_275] {strides = array<i32>} : memref<6x32xf32, #tpu.memory_space<vmem>>, vector<16xf32>,
    %add3A_277 = arith.addf %get3A_272, %get3A_276 : vector<16xf32>
    %get3A_278 = arith.constant 1 : i32
    %get3A_279 = arith.index_cast %get3A_278 : i32 to index
    %get3A_280 = arith.constant 16 : index
    %get3A_281 = tpu.vector_load %arg9[%get3A_279, %get3A_280] {strides = array<i32>} : memref<2x32xf32, #tpu.memory_space<vmem>>, vector<16xf32>,
    %add3A_282 = arith.addf %add3A_277, %get3A_281 : vector<16xf32>
    %swap3A_283 = arith.constant 7 : i32
    %swap3A_284 = arith.index_cast %swap3A_283 : i32 to index
    %swap3A_285 = arith.constant 16 : index
    %swap3A_286 = tpu.vector_load %arg10[%swap3A_284, %swap3A_285] {strides = array<i32>} : memref<60x32xf32, #tpu.memory_space<vmem>>, vector<16xf32>,
    tpu.vector_store %arg10[%swap3A_284, %swap3A_285], %add3A_282 {strides = array<i32>} : memref<60x32xf32, #tpu.memory_space<vmem>>, vector<16xf32>,
    %get3A_287 = arith.constant 0 : i32
    %get3A_288 = arith.index_cast %get3A_287 : i32 to index
    %get3A_289 = arith.constant 0 : index
    %get3A_290 = tpu.vector_load %arg7[%get3A_288, %get3A_289] {strides = array<i32>} : memref<5x32xf32, #tpu.memory_space<vmem>>, vector<16xf32>,
    %get3A_291 = arith.constant 4 : i32
    %get3A_292 = arith.index_cast %get3A_291 : i32 to index
    %get3A_293 = arith.constant 0 : index
    %get3A_294 = tpu.vector_load %arg8[%get3A_292, %get3A_293] {strides = array<i32>} : memref<6x32xf32, #tpu.memory_space<vmem>>, vector<16xf32>,
    %add3A_295 = arith.addf %get3A_290, %get3A_294 : vector<16xf32>
    %get3A_296 = arith.constant 0 : i32
    %get3A_297 = arith.index_cast %get3A_296 : i32 to index
    %get3A_298 = arith.constant 0 : index
    %get3A_299 = tpu.vector_load %arg9[%get3A_297, %get3A_298] {strides = array<i32>} : memref<2x32xf32, #tpu.memory_space<vmem>>, vector<16xf32>,
    %add3A_300 = arith.addf %add3A_295, %get3A_299 : vector<16xf32>
    %swap3A_301 = arith.constant 8 : i32
    %swap3A_302 = arith.index_cast %swap3A_301 : i32 to index
    %swap3A_303 = arith.constant 0 : index
    %swap3A_304 = tpu.vector_load %arg10[%swap3A_302, %swap3A_303] {strides = array<i32>} : memref<60x32xf32, #tpu.memory_space<vmem>>, vector<16xf32>,
    tpu.vector_store %arg10[%swap3A_302, %swap3A_303], %add3A_300 {strides = array<i32>} : memref<60x32xf32, #tpu.memory_space<vmem>>, vector<16xf32>,
    %get3A_305 = arith.constant 0 : i32
    %get3A_306 = arith.index_cast %get3A_305 : i32 to index
    %get3A_307 = arith.constant 16 : index
    %get3A_308 = tpu.vector_load %arg7[%get3A_306, %get3A_307] {strides = array<i32>} : memref<5x32xf32, #tpu.memory_space<vmem>>, vector<16xf32>,
    %get3A_309 = arith.constant 4 : i32
    %get3A_310 = arith.index_cast %get3A_309 : i32 to index
    %get3A_311 = arith.constant 16 : index
    %get3A_312 = tpu.vector_load %arg8[%get3A_310, %get3A_311] {strides = array<i32>} : memref<6x32xf32, #tpu.memory_space<vmem>>, vector<16xf32>,
    %add3A_313 = arith.addf %get3A_308, %get3A_312 : vector<16xf32>
    %get3A_314 = arith.constant 0 : i32
    %get3A_315 = arith.index_cast %get3A_314 : i32 to index
    %get3A_316 = arith.constant 16 : index
    %get3A_317 = tpu.vector_load %arg9[%get3A_315, %get3A_316] {strides = array<i32>} : memref<2x32xf32, #tpu.memory_space<vmem>>, vector<16xf32>,
    %add3A_318 = arith.addf %add3A_313, %get3A_317 : vector<16xf32>
    %swap3A_319 = arith.constant 8 : i32
    %swap3A_320 = arith.index_cast %swap3A_319 : i32 to index
    %swap3A_321 = arith.constant 16 : index
    %swap3A_322 = tpu.vector_load %arg10[%swap3A_320, %swap3A_321] {strides = array<i32>} : memref<60x32xf32, #tpu.memory_space<vmem>>, vector<16xf32>,
    tpu.vector_store %arg10[%swap3A_320, %swap3A_321], %add3A_318 {strides = array<i32>} : memref<60x32xf32, #tpu.memory_space<vmem>>, vector<16xf32>,
    %get3A_323 = arith.constant 0 : i32
    %get3A_324 = arith.index_cast %get3A_323 : i32 to index
    %get3A_325 = arith.constant 0 : index
    %get3A_326 = tpu.vector_load %arg7[%get3A_324, %get3A_325] {strides = array<i32>} : memref<5x32xf32, #tpu.memory_space<vmem>>, vector<16xf32>,
    %get3A_327 = arith.constant 4 : i32
    %get3A_328 = arith.index_cast %get3A_327 : i32 to index
    %get3A_329 = arith.constant 0 : index
    %get3A_330 = tpu.vector_load %arg8[%get3A_328, %get3A_329] {strides = array<i32>} : memref<6x32xf32, #tpu.memory_space<vmem>>, vector<16xf32>,
    %add3A_331 = arith.addf %get3A_326, %get3A_330 : vector<16xf32>
    %get3A_332 = arith.constant 1 : i32
    %get3A_333 = arith.index_cast %get3A_332 : i32 to index
    %get3A_334 = arith.constant 0 : index
    %get3A_335 = tpu.vector_load %arg9[%get3A_333, %get3A_334] {strides = array<i32>} : memref<2x32xf32, #tpu.memory_space<vmem>>, vector<16xf32>,
    %add3A_336 = arith.addf %add3A_331, %get3A_335 : vector<16xf32>
    %swap3A_337 = arith.constant 9 : i32
    %swap3A_338 = arith.index_cast %swap3A_337 : i32 to index
    %swap3A_339 = arith.constant 0 : index
    %swap3A_340 = tpu.vector_load %arg10[%swap3A_338, %swap3A_339] {strides = array<i32>} : memref<60x32xf32, #tpu.memory_space<vmem>>, vector<16xf32>,
    tpu.vector_store %arg10[%swap3A_338, %swap3A_339], %add3A_336 {strides = array<i32>} : memref<60x32xf32, #tpu.memory_space<vmem>>, vector<16xf32>,
    %get3A_341 = arith.constant 0 : i32
    %get3A_342 = arith.index_cast %get3A_341 : i32 to index
    %get3A_343 = arith.constant 16 : index
    %get3A_344 = tpu.vector_load %arg7[%get3A_342, %get3A_343] {strides = array<i32>} : memref<5x32xf32, #tpu.memory_space<vmem>>, vector<16xf32>,
    %get3A_345 = arith.constant 4 : i32
    %get3A_346 = arith.index_cast %get3A_345 : i32 to index
    %get3A_347 = arith.constant 16 : index
    %get3A_348 = tpu.vector_load %arg8[%get3A_346, %get3A_347] {strides = array<i32>} : memref<6x32xf32, #tpu.memory_space<vmem>>, vector<16xf32>,
    %add3A_349 = arith.addf %get3A_344, %get3A_348 : vector<16xf32>
    %get3A_350 = arith.constant 1 : i32
    %get3A_351 = arith.index_cast %get3A_350 : i32 to index
    %get3A_352 = arith.constant 16 : index
    %get3A_353 = tpu.vector_load %arg9[%get3A_351, %get3A_352] {strides = array<i32>} : memref<2x32xf32, #tpu.memory_space<vmem>>, vector<16xf32>,
    %add3A_354 = arith.addf %add3A_349, %get3A_353 : vector<16xf32>
    %swap3A_355 = arith.constant 9 : i32
    %swap3A_356 = arith.index_cast %swap3A_355 : i32 to index
    %swap3A_357 = arith.constant 16 : index
    %swap3A_358 = tpu.vector_load %arg10[%swap3A_356, %swap3A_357] {strides = array<i32>} : memref<60x32xf32, #tpu.memory_space<vmem>>, vector<16xf32>,
    tpu.vector_store %arg10[%swap3A_356, %swap3A_357], %add3A_354 {strides = array<i32>} : memref<60x32xf32, #tpu.memory_space<vmem>>, vector<16xf32>,
    %get3A_359 = arith.constant 0 : i32
    %get3A_360 = arith.index_cast %get3A_359 : i32 to index
    %get3A_361 = arith.constant 0 : index
    %get3A_362 = tpu.vector_load %arg7[%get3A_360, %get3A_361] {strides = array<i32>} : memref<5x32xf32, #tpu.memory_space<vmem>>, vector<16xf32>,
    %get3A_363 = arith.constant 5 : i32
    %get3A_364 = arith.index_cast %get3A_363 : i32 to index
    %get3A_365 = arith.constant 0 : index
    %get3A_366 = tpu.vector_load %arg8[%get3A_364, %get3A_365] {strides = array<i32>} : memref<6x32xf32, #tpu.memory_space<vmem>>, vector<16xf32>,
    %add3A_367 = arith.addf %get3A_362, %get3A_366 : vector<16xf32>
    %get3A_368 = arith.constant 0 : i32
    %get3A_369 = arith.index_cast %get3A_368 : i32 to index
    %get3A_370 = arith.constant 0 : index
    %get3A_371 = tpu.vector_load %arg9[%get3A_369, %get3A_370] {strides = array<i32>} : memref<2x32xf32, #tpu.memory_space<vmem>>, vector<16xf32>,
    %add3A_372 = arith.addf %add3A_367, %get3A_371 : vector<16xf32>
    %swap3A_373 = arith.constant 10 : i32
    %swap3A_374 = arith.index_cast %swap3A_373 : i32 to index
    %swap3A_375 = arith.constant 0 : index
    %swap3A_376 = tpu.vector_load %arg10[%swap3A_374, %swap3A_375] {strides = array<i32>} : memref<60x32xf32, #tpu.memory_space<vmem>>, vector<16xf32>,
    tpu.vector_store %arg10[%swap3A_374, %swap3A_375], %add3A_372 {strides = array<i32>} : memref<60x32xf32, #tpu.memory_space<vmem>>, vector<16xf32>,
    %get3A_377 = arith.constant 0 : i32
    %get3A_378 = arith.index_cast %get3A_377 : i32 to index
    %get3A_379 = arith.constant 16 : index
    %get3A_380 = tpu.vector_load %arg7[%get3A_378, %get3A_379] {strides = array<i32>} : memref<5x32xf32, #tpu.memory_space<vmem>>, vector<16xf32>,
    %get3A_381 = arith.constant 5 : i32
    %get3A_382 = arith.index_cast %get3A_381 : i32 to index
    %get3A_383 = arith.constant 16 : index
    %get3A_384 = tpu.vector_load %arg8[%get3A_382, %get3A_383] {strides = array<i32>} : memref<6x32xf32, #tpu.memory_space<vmem>>, vector<16xf32>,
    %add3A_385 = arith.addf %get3A_380, %get3A_384 : vector<16xf32>
    %get3A_386 = arith.constant 0 : i32
    %get3A_387 = arith.index_cast %get3A_386 : i32 to index
    %get3A_388 = arith.constant 16 : index
    %get3A_389 = tpu.vector_load %arg9[%get3A_387, %get3A_388] {strides = array<i32>} : memref<2x32xf32, #tpu.memory_space<vmem>>, vector<16xf32>,
    %add3A_390 = arith.addf %add3A_385, %get3A_389 : vector<16xf32>
    %swap3A_391 = arith.constant 10 : i32
    %swap3A_392 = arith.index_cast %swap3A_391 : i32 to index
    %swap3A_393 = arith.constant 16 : index
    %swap3A_394 = tpu.vector_load %arg10[%swap3A_392, %swap3A_393] {strides = array<i32>} : memref<60x32xf32, #tpu.memory_space<vmem>>, vector<16xf32>,
    tpu.vector_store %arg10[%swap3A_392, %swap3A_393], %add3A_390 {strides = array<i32>} : memref<60x32xf32, #tpu.memory_space<vmem>>, vector<16xf32>,
    %get3A_395 = arith.constant 0 : i32
    %get3A_396 = arith.index_cast %get3A_395 : i32 to index
    %get3A_397 = arith.constant 0 : index
    %get3A_398 = tpu.vector_load %arg7[%get3A_396, %get3A_397] {strides = array<i32>} : memref<5x32xf32, #tpu.memory_space<vmem>>, vector<16xf32>,
    %get3A_399 = arith.constant 5 : i32
    %get3A_400 = arith.index_cast %get3A_399 : i32 to index
    %get3A_401 = arith.constant 0 : index
    %get3A_402 = tpu.vector_load %arg8[%get3A_400, %get3A_401] {strides = array<i32>} : memref<6x32xf32, #tpu.memory_space<vmem>>, vector<16xf32>,
    %add3A_403 = arith.addf %get3A_398, %get3A_402 : vector<16xf32>
    %get3A_404 = arith.constant 1 : i32
    %get3A_405 = arith.index_cast %get3A_404 : i32 to index
    %get3A_406 = arith.constant 0 : index
    %get3A_407 = tpu.vector_load %arg9[%get3A_405, %get3A_406] {strides = array<i32>} : memref<2x32xf32, #tpu.memory_space<vmem>>, vector<16xf32>,
    %add3A_408 = arith.addf %add3A_403, %get3A_407 : vector<16xf32>
    %swap3A_409 = arith.constant 11 : i32
    %swap3A_410 = arith.index_cast %swap3A_409 : i32 to index
    %swap3A_411 = arith.constant 0 : index
    %swap3A_412 = tpu.vector_load %arg10[%swap3A_410, %swap3A_411] {strides = array<i32>} : memref<60x32xf32, #tpu.memory_space<vmem>>, vector<16xf32>,
    tpu.vector_store %arg10[%swap3A_410, %swap3A_411], %add3A_408 {strides = array<i32>} : memref<60x32xf32, #tpu.memory_space<vmem>>, vector<16xf32>,
    %get3A_413 = arith.constant 0 : i32
    %get3A_414 = arith.index_cast %get3A_413 : i32 to index
    %get3A_415 = arith.constant 16 : index
    %get3A_416 = tpu.vector_load %arg7[%get3A_414, %get3A_415] {strides = array<i32>} : memref<5x32xf32, #tpu.memory_space<vmem>>, vector<16xf32>,
    %get3A_417 = arith.constant 5 : i32
    %get3A_418 = arith.index_cast %get3A_417 : i32 to index
    %get3A_419 = arith.constant 16 : index
    %get3A_420 = tpu.vector_load %arg8[%get3A_418, %get3A_419] {strides = array<i32>} : memref<6x32xf32, #tpu.memory_space<vmem>>, vector<16xf32>,
    %add3A_421 = arith.addf %get3A_416, %get3A_420 : vector<16xf32>
    %get3A_422 = arith.constant 1 : i32
    %get3A_423 = arith.index_cast %get3A_422 : i32 to index
    %get3A_424 = arith.constant 16 : index
    %get3A_425 = tpu.vector_load %arg9[%get3A_423, %get3A_424] {strides = array<i32>} : memref<2x32xf32, #tpu.memory_space<vmem>>, vector<16xf32>,
    %add3A_426 = arith.addf %add3A_421, %get3A_425 : vector<16xf32>
    %swap3A_427 = arith.constant 11 : i32
    %swap3A_428 = arith.index_cast %swap3A_427 : i32 to index
    %swap3A_429 = arith.constant 16 : index
    %swap3A_430 = tpu.vector_load %arg10[%swap3A_428, %swap3A_429] {strides = array<i32>} : memref<60x32xf32, #tpu.memory_space<vmem>>, vector<16xf32>,
    tpu.vector_store %arg10[%swap3A_428, %swap3A_429], %add3A_426 {strides = array<i32>} : memref<60x32xf32, #tpu.memory_space<vmem>>, vector<16xf32>,
    %get3A_431 = arith.constant 1 : i32
    %get3A_432 = arith.index_cast %get3A_431 : i32 to index
    %get3A_433 = arith.constant 0 : index
    %get3A_434 = tpu.vector_load %arg7[%get3A_432, %get3A_433] {strides = array<i32>} : memref<5x32xf32, #tpu.memory_space<vmem>>, vector<16xf32>,
    %get3A_435 = arith.constant 0 : i32
    %get3A_436 = arith.index_cast %get3A_435 : i32 to index
    %get3A_437 = arith.constant 0 : index
    %get3A_438 = tpu.vector_load %arg8[%get3A_436, %get3A_437] {strides = array<i32>} : memref<6x32xf32, #tpu.memory_space<vmem>>, vector<16xf32>,
    %add3A_439 = arith.addf %get3A_434, %get3A_438 : vector<16xf32>
    %get3A_440 = arith.constant 0 : i32
    %get3A_441 = arith.index_cast %get3A_440 : i32 to index
    %get3A_442 = arith.constant 0 : index
    %get3A_443 = tpu.vector_load %arg9[%get3A_441, %get3A_442] {strides = array<i32>} : memref<2x32xf32, #tpu.memory_space<vmem>>, vector<16xf32>,
    %add3A_444 = arith.addf %add3A_439, %get3A_443 : vector<16xf32>
    %swap3A_445 = arith.constant 12 : i32
    %swap3A_446 = arith.index_cast %swap3A_445 : i32 to index
    %swap3A_447 = arith.constant 0 : index
    %swap3A_448 = tpu.vector_load %arg10[%swap3A_446, %swap3A_447] {strides = array<i32>} : memref<60x32xf32, #tpu.memory_space<vmem>>, vector<16xf32>,
    tpu.vector_store %arg10[%swap3A_446, %swap3A_447], %add3A_444 {strides = array<i32>} : memref<60x32xf32, #tpu.memory_space<vmem>>, vector<16xf32>,
    %get3A_449 = arith.constant 1 : i32
    %get3A_450 = arith.index_cast %get3A_449 : i32 to index
    %get3A_451 = arith.constant 16 : index
    %get3A_452 = tpu.vector_load %arg7[%get3A_450, %get3A_451] {strides = array<i32>} : memref<5x32xf32, #tpu.memory_space<vmem>>, vector<16xf32>,
    %get3A_453 = arith.constant 0 : i32
    %get3A_454 = arith.index_cast %get3A_453 : i32 to index
    %get3A_455 = arith.constant 16 : index
    %get3A_456 = tpu.vector_load %arg8[%get3A_454, %get3A_455] {strides = array<i32>} : memref<6x32xf32, #tpu.memory_space<vmem>>, vector<16xf32>,
    %add3A_457 = arith.addf %get3A_452, %get3A_456 : vector<16xf32>
    %get3A_458 = arith.constant 0 : i32
    %get3A_459 = arith.index_cast %get3A_458 : i32 to index
    %get3A_460 = arith.constant 16 : index
    %get3A_461 = tpu.vector_load %arg9[%get3A_459, %get3A_460] {strides = array<i32>} : memref<2x32xf32, #tpu.memory_space<vmem>>, vector<16xf32>,
    %add3A_462 = arith.addf %add3A_457, %get3A_461 : vector<16xf32>
    %swap3A_463 = arith.constant 12 : i32
    %swap3A_464 = arith.index_cast %swap3A_463 : i32 to index
    %swap3A_465 = arith.constant 16 : index
    %swap3A_466 = tpu.vector_load %arg10[%swap3A_464, %swap3A_465] {strides = array<i32>} : memref<60x32xf32, #tpu.memory_space<vmem>>, vector<16xf32>,
    tpu.vector_store %arg10[%swap3A_464, %swap3A_465], %add3A_462 {strides = array<i32>} : memref<60x32xf32, #tpu.memory_space<vmem>>, vector<16xf32>,
    %get3A_467 = arith.constant 1 : i32
    %get3A_468 = arith.index_cast %get3A_467 : i32 to index
    %get3A_469 = arith.constant 0 : index
    %get3A_470 = tpu.vector_load %arg7[%get3A_468, %get3A_469] {strides = array<i32>} : memref<5x32xf32, #tpu.memory_space<vmem>>, vector<16xf32>,
    %get3A_471 = arith.constant 0 : i32
    %get3A_472 = arith.index_cast %get3A_471 : i32 to index
    %get3A_473 = arith.constant 0 : index
    %get3A_474 = tpu.vector_load %arg8[%get3A_472, %get3A_473] {strides = array<i32>} : memref<6x32xf32, #tpu.memory_space<vmem>>, vector<16xf32>,
    %add3A_475 = arith.addf %get3A_470, %get3A_474 : vector<16xf32>
    %get3A_476 = arith.constant 1 : i32
    %get3A_477 = arith.index_cast %get3A_476 : i32 to index
    %get3A_478 = arith.constant 0 : index
    %get3A_479 = tpu.vector_load %arg9[%get3A_477, %get3A_478] {strides = array<i32>} : memref<2x32xf32, #tpu.memory_space<vmem>>, vector<16xf32>,
    %add3A_480 = arith.addf %add3A_475, %get3A_479 : vector<16xf32>
    %swap3A_481 = arith.constant 13 : i32
    %swap3A_482 = arith.index_cast %swap3A_481 : i32 to index
    %swap3A_483 = arith.constant 0 : index
    %swap3A_484 = tpu.vector_load %arg10[%swap3A_482, %swap3A_483] {strides = array<i32>} : memref<60x32xf32, #tpu.memory_space<vmem>>, vector<16xf32>,
    tpu.vector_store %arg10[%swap3A_482, %swap3A_483], %add3A_480 {strides = array<i32>} : memref<60x32xf32, #tpu.memory_space<vmem>>, vector<16xf32>,
    %get3A_485 = arith.constant 1 : i32
    %get3A_486 = arith.index_cast %get3A_485 : i32 to index
    %get3A_487 = arith.constant 16 : index
    %get3A_488 = tpu.vector_load %arg7[%get3A_486, %get3A_487] {strides = array<i32>} : memref<5x32xf32, #tpu.memory_space<vmem>>, vector<16xf32>,
    %get3A_489 = arith.constant 0 : i32
    %get3A_490 = arith.index_cast %get3A_489 : i32 to index
    %get3A_491 = arith.constant 16 : index
    %get3A_492 = tpu.vector_load %arg8[%get3A_490, %get3A_491] {strides = array<i32>} : memref<6x32xf32, #tpu.memory_space<vmem>>, vector<16xf32>,
    %add3A_493 = arith.addf %get3A_488, %get3A_492 : vector<16xf32>
    %get3A_494 = arith.constant 1 : i32
    %get3A_495 = arith.index_cast %get3A_494 : i32 to index
    %get3A_496 = arith.constant 16 : index
    %get3A_497 = tpu.vector_load %arg9[%get3A_495, %get3A_496] {strides = array<i32>} : memref<2x32xf32, #tpu.memory_space<vmem>>, vector<16xf32>,
    %add3A_498 = arith.addf %add3A_493, %get3A_497 : vector<16xf32>
    %swap3A_499 = arith.constant 13 : i32
    %swap3A_500 = arith.index_cast %swap3A_499 : i32 to index
    %swap3A_501 = arith.constant 16 : index
    %swap3A_502 = tpu.vector_load %arg10[%swap3A_500, %swap3A_501] {strides = array<i32>} : memref<60x32xf32, #tpu.memory_space<vmem>>, vector<16xf32>,
    tpu.vector_store %arg10[%swap3A_500, %swap3A_501], %add3A_498 {strides = array<i32>} : memref<60x32xf32, #tpu.memory_space<vmem>>, vector<16xf32>,
    %get3A_503 = arith.constant 1 : i32
    %get3A_504 = arith.index_cast %get3A_503 : i32 to index
    %get3A_505 = arith.constant 0 : index
    %get3A_506 = tpu.vector_load %arg7[%get3A_504, %get3A_505] {strides = array<i32>} : memref<5x32xf32, #tpu.memory_space<vmem>>, vector<16xf32>,
    %get3A_507 = arith.constant 1 : i32
    %get3A_508 = arith.index_cast %get3A_507 : i32 to index
    %get3A_509 = arith.constant 0 : index
    %get3A_510 = tpu.vector_load %arg8[%get3A_508, %get3A_509] {strides = array<i32>} : memref<6x32xf32, #tpu.memory_space<vmem>>, vector<16xf32>,
    %add3A_511 = arith.addf %get3A_506, %get3A_510 : vector<16xf32>
    %get3A_512 = arith.constant 0 : i32
    %get3A_513 = arith.index_cast %get3A_512 : i32 to index
    %get3A_514 = arith.constant 0 : index
    %get3A_515 = tpu.vector_load %arg9[%get3A_513, %get3A_514] {strides = array<i32>} : memref<2x32xf32, #tpu.memory_space<vmem>>, vector<16xf32>,
    %add3A_516 = arith.addf %add3A_511, %get3A_515 : vector<16xf32>
    %swap3A_517 = arith.constant 14 : i32
    %swap3A_518 = arith.index_cast %swap3A_517 : i32 to index
    %swap3A_519 = arith.constant 0 : index
    %swap3A_520 = tpu.vector_load %arg10[%swap3A_518, %swap3A_519] {strides = array<i32>} : memref<60x32xf32, #tpu.memory_space<vmem>>, vector<16xf32>,
    tpu.vector_store %arg10[%swap3A_518, %swap3A_519], %add3A_516 {strides = array<i32>} : memref<60x32xf32, #tpu.memory_space<vmem>>, vector<16xf32>,
    %get3A_521 = arith.constant 1 : i32
    %get3A_522 = arith.index_cast %get3A_521 : i32 to index
    %get3A_523 = arith.constant 16 : index
    %get3A_524 = tpu.vector_load %arg7[%get3A_522, %get3A_523] {strides = array<i32>} : memref<5x32xf32, #tpu.memory_space<vmem>>, vector<16xf32>,
    %get3A_525 = arith.constant 1 : i32
    %get3A_526 = arith.index_cast %get3A_525 : i32 to index
    %get3A_527 = arith.constant 16 : index
    %get3A_528 = tpu.vector_load %arg8[%get3A_526, %get3A_527] {strides = array<i32>} : memref<6x32xf32, #tpu.memory_space<vmem>>, vector<16xf32>,
    %add3A_529 = arith.addf %get3A_524, %get3A_528 : vector<16xf32>
    %get3A_530 = arith.constant 0 : i32
    %get3A_531 = arith.index_cast %get3A_530 : i32 to index
    %get3A_532 = arith.constant 16 : index
    %get3A_533 = tpu.vector_load %arg9[%get3A_531, %get3A_532] {strides = array<i32>} : memref<2x32xf32, #tpu.memory_space<vmem>>, vector<16xf32>,
    %add3A_534 = arith.addf %add3A_529, %get3A_533 : vector<16xf32>
    %swap3A_535 = arith.constant 14 : i32
    %swap3A_536 = arith.index_cast %swap3A_535 : i32 to index
    %swap3A_537 = arith.constant 16 : index
    %swap3A_538 = tpu.vector_load %arg10[%swap3A_536, %swap3A_537] {strides = array<i32>} : memref<60x32xf32, #tpu.memory_space<vmem>>, vector<16xf32>,
    tpu.vector_store %arg10[%swap3A_536, %swap3A_537], %add3A_534 {strides = array<i32>} : memref<60x32xf32, #tpu.memory_space<vmem>>, vector<16xf32>,
    %get3A_539 = arith.constant 1 : i32
    %get3A_540 = arith.index_cast %get3A_539 : i32 to index
    %get3A_541 = arith.constant 0 : index
    %get3A_542 = tpu.vector_load %arg7[%get3A_540, %get3A_541] {strides = array<i32>} : memref<5x32xf32, #tpu.memory_space<vmem>>, vector<16xf32>,
    %get3A_543 = arith.constant 1 : i32
    %get3A_544 = arith.index_cast %get3A_543 : i32 to index
    %get3A_545 = arith.constant 0 : index
    %get3A_546 = tpu.vector_load %arg8[%get3A_544, %get3A_545] {strides = array<i32>} : memref<6x32xf32, #tpu.memory_space<vmem>>, vector<16xf32>,
    %add3A_547 = arith.addf %get3A_542, %get3A_546 : vector<16xf32>
    %get3A_548 = arith.constant 1 : i32
    %get3A_549 = arith.index_cast %get3A_548 : i32 to index
    %get3A_550 = arith.constant 0 : index
    %get3A_551 = tpu.vector_load %arg9[%get3A_549, %get3A_550] {strides = array<i32>} : memref<2x32xf32, #tpu.memory_space<vmem>>, vector<16xf32>,
    %add3A_552 = arith.addf %add3A_547, %get3A_551 : vector<16xf32>
    %swap3A_553 = arith.constant 15 : i32
    %swap3A_554 = arith.index_cast %swap3A_553 : i32 to index
    %swap3A_555 = arith.constant 0 : index
    %swap3A_556 = tpu.vector_load %arg10[%swap3A_554, %swap3A_555] {strides = array<i32>} : memref<60x32xf32, #tpu.memory_space<vmem>>, vector<16xf32>,
    tpu.vector_store %arg10[%swap3A_554, %swap3A_555], %add3A_552 {strides = array<i32>} : memref<60x32xf32, #tpu.memory_space<vmem>>, vector<16xf32>,
    %get3A_557 = arith.constant 1 : i32
    %get3A_558 = arith.index_cast %get3A_557 : i32 to index
    %get3A_559 = arith.constant 16 : index
    %get3A_560 = tpu.vector_load %arg7[%get3A_558, %get3A_559] {strides = array<i32>} : memref<5x32xf32, #tpu.memory_space<vmem>>, vector<16xf32>,
    %get3A_561 = arith.constant 1 : i32
    %get3A_562 = arith.index_cast %get3A_561 : i32 to index
    %get3A_563 = arith.constant 16 : index
    %get3A_564 = tpu.vector_load %arg8[%get3A_562, %get3A_563] {strides = array<i32>} : memref<6x32xf32, #tpu.memory_space<vmem>>, vector<16xf32>,
    %add3A_565 = arith.addf %get3A_560, %get3A_564 : vector<16xf32>
    %get3A_566 = arith.constant 1 : i32
    %get3A_567 = arith.index_cast %get3A_566 : i32 to index
    %get3A_568 = arith.constant 16 : index
    %get3A_569 = tpu.vector_load %arg9[%get3A_567, %get3A_568] {strides = array<i32>} : memref<2x32xf32, #tpu.memory_space<vmem>>, vector<16xf32>,
    %add3A_570 = arith.addf %add3A_565, %get3A_569 : vector<16xf32>
    %swap3A_571 = arith.constant 15 : i32
    %swap3A_572 = arith.index_cast %swap3A_571 : i32 to index
    %swap3A_573 = arith.constant 16 : index
    %swap3A_574 = tpu.vector_load %arg10[%swap3A_572, %swap3A_573] {strides = array<i32>} : memref<60x32xf32, #tpu.memory_space<vmem>>, vector<16xf32>,
    tpu.vector_store %arg10[%swap3A_572, %swap3A_573], %add3A_570 {strides = array<i32>} : memref<60x32xf32, #tpu.memory_space<vmem>>, vector<16xf32>,
    %get3A_575 = arith.constant 1 : i32
    %get3A_576 = arith.index_cast %get3A_575 : i32 to index
    %get3A_577 = arith.constant 0 : index
    %get3A_578 = tpu.vector_load %arg7[%get3A_576, %get3A_577] {strides = array<i32>} : memref<5x32xf32, #tpu.memory_space<vmem>>, vector<16xf32>,
    %get3A_579 = arith.constant 2 : i32
    %get3A_580 = arith.index_cast %get3A_579 : i32 to index
    %get3A_581 = arith.constant 0 : index
    %get3A_582 = tpu.vector_load %arg8[%get3A_580, %get3A_581] {strides = array<i32>} : memref<6x32xf32, #tpu.memory_space<vmem>>, vector<16xf32>,
    %add3A_583 = arith.addf %get3A_578, %get3A_582 : vector<16xf32>
    %get3A_584 = arith.constant 0 : i32
    %get3A_585 = arith.index_cast %get3A_584 : i32 to index
    %get3A_586 = arith.constant 0 : index
    %get3A_587 = tpu.vector_load %arg9[%get3A_585, %get3A_586] {strides = array<i32>} : memref<2x32xf32, #tpu.memory_space<vmem>>, vector<16xf32>,
    %add3A_588 = arith.addf %add3A_583, %get3A_587 : vector<16xf32>
    %swap3A_589 = arith.constant 16 : i32
    %swap3A_590 = arith.index_cast %swap3A_589 : i32 to index
    %swap3A_591 = arith.constant 0 : index
    %swap3A_592 = tpu.vector_load %arg10[%swap3A_590, %swap3A_591] {strides = array<i32>} : memref<60x32xf32, #tpu.memory_space<vmem>>, vector<16xf32>,
    tpu.vector_store %arg10[%swap3A_590, %swap3A_591], %add3A_588 {strides = array<i32>} : memref<60x32xf32, #tpu.memory_space<vmem>>, vector<16xf32>,
    %get3A_593 = arith.constant 1 : i32
    %get3A_594 = arith.index_cast %get3A_593 : i32 to index
    %get3A_595 = arith.constant 16 : index
    %get3A_596 = tpu.vector_load %arg7[%get3A_594, %get3A_595] {strides = array<i32>} : memref<5x32xf32, #tpu.memory_space<vmem>>, vector<16xf32>,
    %get3A_597 = arith.constant 2 : i32
    %get3A_598 = arith.index_cast %get3A_597 : i32 to index
    %get3A_599 = arith.constant 16 : index
    %get3A_600 = tpu.vector_load %arg8[%get3A_598, %get3A_599] {strides = array<i32>} : memref<6x32xf32, #tpu.memory_space<vmem>>, vector<16xf32>,
    %add3A_601 = arith.addf %get3A_596, %get3A_600 : vector<16xf32>
    %get3A_602 = arith.constant 0 : i32
    %get3A_603 = arith.index_cast %get3A_602 : i32 to index
    %get3A_604 = arith.constant 16 : index
    %get3A_605 = tpu.vector_load %arg9[%get3A_603, %get3A_604] {strides = array<i32>} : memref<2x32xf32, #tpu.memory_space<vmem>>, vector<16xf32>,
    %add3A_606 = arith.addf %add3A_601, %get3A_605 : vector<16xf32>
    %swap3A_607 = arith.constant 16 : i32
    %swap3A_608 = arith.index_cast %swap3A_607 : i32 to index
    %swap3A_609 = arith.constant 16 : index
    %swap3A_610 = tpu.vector_load %arg10[%swap3A_608, %swap3A_609] {strides = array<i32>} : memref<60x32xf32, #tpu.memory_space<vmem>>, vector<16xf32>,
    tpu.vector_store %arg10[%swap3A_608, %swap3A_609], %add3A_606 {strides = array<i32>} : memref<60x32xf32, #tpu.memory_space<vmem>>, vector<16xf32>,
    %get3A_611 = arith.constant 1 : i32
    %get3A_612 = arith.index_cast %get3A_611 : i32 to index
    %get3A_613 = arith.constant 0 : index
    %get3A_614 = tpu.vector_load %arg7[%get3A_612, %get3A_613] {strides = array<i32>} : memref<5x32xf32, #tpu.memory_space<vmem>>, vector<16xf32>,
    %get3A_615 = arith.constant 2 : i32
    %get3A_616 = arith.index_cast %get3A_615 : i32 to index
    %get3A_617 = arith.constant 0 : index
    %get3A_618 = tpu.vector_load %arg8[%get3A_616, %get3A_617] {strides = array<i32>} : memref<6x32xf32, #tpu.memory_space<vmem>>, vector<16xf32>,
    %add3A_619 = arith.addf %get3A_614, %get3A_618 : vector<16xf32>
    %get3A_620 = arith.constant 1 : i32
    %get3A_621 = arith.index_cast %get3A_620 : i32 to index
    %get3A_622 = arith.constant 0 : index
    %get3A_623 = tpu.vector_load %arg9[%get3A_621, %get3A_622] {strides = array<i32>} : memref<2x32xf32, #tpu.memory_space<vmem>>, vector<16xf32>,
    %add3A_624 = arith.addf %add3A_619, %get3A_623 : vector<16xf32>
    %swap3A_625 = arith.constant 17 : i32
    %swap3A_626 = arith.index_cast %swap3A_625 : i32 to index
    %swap3A_627 = arith.constant 0 : index
    %swap3A_628 = tpu.vector_load %arg10[%swap3A_626, %swap3A_627] {strides = array<i32>} : memref<60x32xf32, #tpu.memory_space<vmem>>, vector<16xf32>,
    tpu.vector_store %arg10[%swap3A_626, %swap3A_627], %add3A_624 {strides = array<i32>} : memref<60x32xf32, #tpu.memory_space<vmem>>, vector<16xf32>,
    %get3A_629 = arith.constant 1 : i32
    %get3A_630 = arith.index_cast %get3A_629 : i32 to index
    %get3A_631 = arith.constant 16 : index
    %get3A_632 = tpu.vector_load %arg7[%get3A_630, %get3A_631] {strides = array<i32>} : memref<5x32xf32, #tpu.memory_space<vmem>>, vector<16xf32>,
    %get3A_633 = arith.constant 2 : i32
    %get3A_634 = arith.index_cast %get3A_633 : i32 to index
    %get3A_635 = arith.constant 16 : index
    %get3A_636 = tpu.vector_load %arg8[%get3A_634, %get3A_635] {strides = array<i32>} : memref<6x32xf32, #tpu.memory_space<vmem>>, vector<16xf32>,
    %add3A_637 = arith.addf %get3A_632, %get3A_636 : vector<16xf32>
    %get3A_638 = arith.constant 1 : i32
    %get3A_639 = arith.index_cast %get3A_638 : i32 to index
    %get3A_640 = arith.constant 16 : index
    %get3A_641 = tpu.vector_load %arg9[%get3A_639, %get3A_640] {strides = array<i32>} : memref<2x32xf32, #tpu.memory_space<vmem>>, vector<16xf32>,
    %add3A_642 = arith.addf %add3A_637, %get3A_641 : vector<16xf32>
    %swap3A_643 = arith.constant 17 : i32
    %swap3A_644 = arith.index_cast %swap3A_643 : i32 to index
    %swap3A_645 = arith.constant 16 : index
    %swap3A_646 = tpu.vector_load %arg10[%swap3A_644, %swap3A_645] {strides = array<i32>} : memref<60x32xf32, #tpu.memory_space<vmem>>, vector<16xf32>,
    tpu.vector_store %arg10[%swap3A_644, %swap3A_645], %add3A_642 {strides = array<i32>} : memref<60x32xf32, #tpu.memory_space<vmem>>, vector<16xf32>,
    %get3A_647 = arith.constant 1 : i32
    %get3A_648 = arith.index_cast %get3A_647 : i32 to index
    %get3A_649 = arith.constant 0 : index
    %get3A_650 = tpu.vector_load %arg7[%get3A_648, %get3A_649] {strides = array<i32>} : memref<5x32xf32, #tpu.memory_space<vmem>>, vector<16xf32>,
    %get3A_651 = arith.constant 3 : i32
    %get3A_652 = arith.index_cast %get3A_651 : i32 to index
    %get3A_653 = arith.constant 0 : index
    %get3A_654 = tpu.vector_load %arg8[%get3A_652, %get3A_653] {strides = array<i32>} : memref<6x32xf32, #tpu.memory_space<vmem>>, vector<16xf32>,
    %add3A_655 = arith.addf %get3A_650, %get3A_654 : vector<16xf32>
    %get3A_656 = arith.constant 0 : i32
    %get3A_657 = arith.index_cast %get3A_656 : i32 to index
    %get3A_658 = arith.constant 0 : index
    %get3A_659 = tpu.vector_load %arg9[%get3A_657, %get3A_658] {strides = array<i32>} : memref<2x32xf32, #tpu.memory_space<vmem>>, vector<16xf32>,
    %add3A_660 = arith.addf %add3A_655, %get3A_659 : vector<16xf32>
    %swap3A_661 = arith.constant 18 : i32
    %swap3A_662 = arith.index_cast %swap3A_661 : i32 to index
    %swap3A_663 = arith.constant 0 : index
    %swap3A_664 = tpu.vector_load %arg10[%swap3A_662, %swap3A_663] {strides = array<i32>} : memref<60x32xf32, #tpu.memory_space<vmem>>, vector<16xf32>,
    tpu.vector_store %arg10[%swap3A_662, %swap3A_663], %add3A_660 {strides = array<i32>} : memref<60x32xf32, #tpu.memory_space<vmem>>, vector<16xf32>,
    %get3A_665 = arith.constant 1 : i32
    %get3A_666 = arith.index_cast %get3A_665 : i32 to index
    %get3A_667 = arith.constant 16 : index
    %get3A_668 = tpu.vector_load %arg7[%get3A_666, %get3A_667] {strides = array<i32>} : memref<5x32xf32, #tpu.memory_space<vmem>>, vector<16xf32>,
    %get3A_669 = arith.constant 3 : i32
    %get3A_670 = arith.index_cast %get3A_669 : i32 to index
    %get3A_671 = arith.constant 16 : index
    %get3A_672 = tpu.vector_load %arg8[%get3A_670, %get3A_671] {strides = array<i32>} : memref<6x32xf32, #tpu.memory_space<vmem>>, vector<16xf32>,
    %add3A_673 = arith.addf %get3A_668, %get3A_672 : vector<16xf32>
    %get3A_674 = arith.constant 0 : i32
    %get3A_675 = arith.index_cast %get3A_674 : i32 to index
    %get3A_676 = arith.constant 16 : index
    %get3A_677 = tpu.vector_load %arg9[%get3A_675, %get3A_676] {strides = array<i32>} : memref<2x32xf32, #tpu.memory_space<vmem>>, vector<16xf32>,
    %add3A_678 = arith.addf %add3A_673, %get3A_677 : vector<16xf32>
    %swap3A_679 = arith.constant 18 : i32
    %swap3A_680 = arith.index_cast %swap3A_679 : i32 to index
    %swap3A_681 = arith.constant 16 : index
    %swap3A_682 = tpu.vector_load %arg10[%swap3A_680, %swap3A_681] {strides = array<i32>} : memref<60x32xf32, #tpu.memory_space<vmem>>, vector<16xf32>,
    tpu.vector_store %arg10[%swap3A_680, %swap3A_681], %add3A_678 {strides = array<i32>} : memref<60x32xf32, #tpu.memory_space<vmem>>, vector<16xf32>,
    %get3A_683 = arith.constant 1 : i32
    %get3A_684 = arith.index_cast %get3A_683 : i32 to index
    %get3A_685 = arith.constant 0 : index
    %get3A_686 = tpu.vector_load %arg7[%get3A_684, %get3A_685] {strides = array<i32>} : memref<5x32xf32, #tpu.memory_space<vmem>>, vector<16xf32>,
    %get3A_687 = arith.constant 3 : i32
    %get3A_688 = arith.index_cast %get3A_687 : i32 to index
    %get3A_689 = arith.constant 0 : index
    %get3A_690 = tpu.vector_load %arg8[%get3A_688, %get3A_689] {strides = array<i32>} : memref<6x32xf32, #tpu.memory_space<vmem>>, vector<16xf32>,
    %add3A_691 = arith.addf %get3A_686, %get3A_690 : vector<16xf32>
    %get3A_692 = arith.constant 1 : i32
    %get3A_693 = arith.index_cast %get3A_692 : i32 to index
    %get3A_694 = arith.constant 0 : index
    %get3A_695 = tpu.vector_load %arg9[%get3A_693, %get3A_694] {strides = array<i32>} : memref<2x32xf32, #tpu.memory_space<vmem>>, vector<16xf32>,
    %add3A_696 = arith.addf %add3A_691, %get3A_695 : vector<16xf32>
    %swap3A_697 = arith.constant 19 : i32
    %swap3A_698 = arith.index_cast %swap3A_697 : i32 to index
    %swap3A_699 = arith.constant 0 : index
    %swap3A_700 = tpu.vector_load %arg10[%swap3A_698, %swap3A_699] {strides = array<i32>} : memref<60x32xf32, #tpu.memory_space<vmem>>, vector<16xf32>,
    tpu.vector_store %arg10[%swap3A_698, %swap3A_699], %add3A_696 {strides = array<i32>} : memref<60x32xf32, #tpu.memory_space<vmem>>, vector<16xf32>,
    %get3A_701 = arith.constant 1 : i32
    %get3A_702 = arith.index_cast %get3A_701 : i32 to index
    %get3A_703 = arith.constant 16 : index
    %get3A_704 = tpu.vector_load %arg7[%get3A_702, %get3A_703] {strides = array<i32>} : memref<5x32xf32, #tpu.memory_space<vmem>>, vector<16xf32>,
    %get3A_705 = arith.constant 3 : i32
    %get3A_706 = arith.index_cast %get3A_705 : i32 to index
    %get3A_707 = arith.constant 16 : index
    %get3A_708 = tpu.vector_load %arg8[%get3A_706, %get3A_707] {strides = array<i32>} : memref<6x32xf32, #tpu.memory_space<vmem>>, vector<16xf32>,
    %add3A_709 = arith.addf %get3A_704, %get3A_708 : vector<16xf32>
    %get3A_710 = arith.constant 1 : i32
    %get3A_711 = arith.index_cast %get3A_710 : i32 to index
    %get3A_712 = arith.constant 16 : index
    %get3A_713 = tpu.vector_load %arg9[%get3A_711, %get3A_712] {strides = array<i32>} : memref<2x32xf32, #tpu.memory_space<vmem>>, vector<16xf32>,
    %add3A_714 = arith.addf %add3A_709, %get3A_713 : vector<16xf32>
    %swap3A_715 = arith.constant 19 : i32
    %swap3A_716 = arith.index_cast %swap3A_715 : i32 to index
    %swap3A_717 = arith.constant 16 : index
    %swap3A_718 = tpu.vector_load %arg10[%swap3A_716, %swap3A_717] {strides = array<i32>} : memref<60x32xf32, #tpu.memory_space<vmem>>, vector<16xf32>,
    tpu.vector_store %arg10[%swap3A_716, %swap3A_717], %add3A_714 {strides = array<i32>} : memref<60x32xf32, #tpu.memory_space<vmem>>, vector<16xf32>,
    %get3A_719 = arith.constant 1 : i32
    %get3A_720 = arith.index_cast %get3A_719 : i32 to index
    %get3A_721 = arith.constant 0 : index
    %get3A_722 = tpu.vector_load %arg7[%get3A_720, %get3A_721] {strides = array<i32>} : memref<5x32xf32, #tpu.memory_space<vmem>>, vector<16xf32>,
    %get3A_723 = arith.constant 4 : i32
    %get3A_724 = arith.index_cast %get3A_723 : i32 to index
    %get3A_725 = arith.constant 0 : index
    %get3A_726 = tpu.vector_load %arg8[%get3A_724, %get3A_725] {strides = array<i32>} : memref<6x32xf32, #tpu.memory_space<vmem>>, vector<16xf32>,
    %add3A_727 = arith.addf %get3A_722, %get3A_726 : vector<16xf32>
    %get3A_728 = arith.constant 0 : i32
    %get3A_729 = arith.index_cast %get3A_728 : i32 to index
    %get3A_730 = arith.constant 0 : index
    %get3A_731 = tpu.vector_load %arg9[%get3A_729, %get3A_730] {strides = array<i32>} : memref<2x32xf32, #tpu.memory_space<vmem>>, vector<16xf32>,
    %add3A_732 = arith.addf %add3A_727, %get3A_731 : vector<16xf32>
    %swap3A_733 = arith.constant 20 : i32
    %swap3A_734 = arith.index_cast %swap3A_733 : i32 to index
    %swap3A_735 = arith.constant 0 : index
    %swap3A_736 = tpu.vector_load %arg10[%swap3A_734, %swap3A_735] {strides = array<i32>} : memref<60x32xf32, #tpu.memory_space<vmem>>, vector<16xf32>,
    tpu.vector_store %arg10[%swap3A_734, %swap3A_735], %add3A_732 {strides = array<i32>} : memref<60x32xf32, #tpu.memory_space<vmem>>, vector<16xf32>,
    %get3A_737 = arith.constant 1 : i32
    %get3A_738 = arith.index_cast %get3A_737 : i32 to index
    %get3A_739 = arith.constant 16 : index
    %get3A_740 = tpu.vector_load %arg7[%get3A_738, %get3A_739] {strides = array<i32>} : memref<5x32xf32, #tpu.memory_space<vmem>>, vector<16xf32>,
    %get3A_741 = arith.constant 4 : i32
    %get3A_742 = arith.index_cast %get3A_741 : i32 to index
    %get3A_743 = arith.constant 16 : index
    %get3A_744 = tpu.vector_load %arg8[%get3A_742, %get3A_743] {strides = array<i32>} : memref<6x32xf32, #tpu.memory_space<vmem>>, vector<16xf32>,
    %add3A_745 = arith.addf %get3A_740, %get3A_744 : vector<16xf32>
    %get3A_746 = arith.constant 0 : i32
    %get3A_747 = arith.index_cast %get3A_746 : i32 to index
    %get3A_748 = arith.constant 16 : index
    %get3A_749 = tpu.vector_load %arg9[%get3A_747, %get3A_748] {strides = array<i32>} : memref<2x32xf32, #tpu.memory_space<vmem>>, vector<16xf32>,
    %add3A_750 = arith.addf %add3A_745, %get3A_749 : vector<16xf32>
    %swap3A_751 = arith.constant 20 : i32
    %swap3A_752 = arith.index_cast %swap3A_751 : i32 to index
    %swap3A_753 = arith.constant 16 : index
    %swap3A_754 = tpu.vector_load %arg10[%swap3A_752, %swap3A_753] {strides = array<i32>} : memref<60x32xf32, #tpu.memory_space<vmem>>, vector<16xf32>,
    tpu.vector_store %arg10[%swap3A_752, %swap3A_753], %add3A_750 {strides = array<i32>} : memref<60x32xf32, #tpu.memory_space<vmem>>, vector<16xf32>,
    %get3A_755 = arith.constant 1 : i32
    %get3A_756 = arith.index_cast %get3A_755 : i32 to index
    %get3A_757 = arith.constant 0 : index
    %get3A_758 = tpu.vector_load %arg7[%get3A_756, %get3A_757] {strides = array<i32>} : memref<5x32xf32, #tpu.memory_space<vmem>>, vector<16xf32>,
    %get3A_759 = arith.constant 4 : i32
    %get3A_760 = arith.index_cast %get3A_759 : i32 to index
    %get3A_761 = arith.constant 0 : index
    %get3A_762 = tpu.vector_load %arg8[%get3A_760, %get3A_761] {strides = array<i32>} : memref<6x32xf32, #tpu.memory_space<vmem>>, vector<16xf32>,
    %add3A_763 = arith.addf %get3A_758, %get3A_762 : vector<16xf32>
    %get3A_764 = arith.constant 1 : i32
    %get3A_765 = arith.index_cast %get3A_764 : i32 to index
    %get3A_766 = arith.constant 0 : index
    %get3A_767 = tpu.vector_load %arg9[%get3A_765, %get3A_766] {strides = array<i32>} : memref<2x32xf32, #tpu.memory_space<vmem>>, vector<16xf32>,
    %add3A_768 = arith.addf %add3A_763, %get3A_767 : vector<16xf32>
    %swap3A_769 = arith.constant 21 : i32
    %swap3A_770 = arith.index_cast %swap3A_769 : i32 to index
    %swap3A_771 = arith.constant 0 : index
    %swap3A_772 = tpu.vector_load %arg10[%swap3A_770, %swap3A_771] {strides = array<i32>} : memref<60x32xf32, #tpu.memory_space<vmem>>, vector<16xf32>,
    tpu.vector_store %arg10[%swap3A_770, %swap3A_771], %add3A_768 {strides = array<i32>} : memref<60x32xf32, #tpu.memory_space<vmem>>, vector<16xf32>,
    %get3A_773 = arith.constant 1 : i32
    %get3A_774 = arith.index_cast %get3A_773 : i32 to index
    %get3A_775 = arith.constant 16 : index
    %get3A_776 = tpu.vector_load %arg7[%get3A_774, %get3A_775] {strides = array<i32>} : memref<5x32xf32, #tpu.memory_space<vmem>>, vector<16xf32>,
    %get3A_777 = arith.constant 4 : i32
    %get3A_778 = arith.index_cast %get3A_777 : i32 to index
    %get3A_779 = arith.constant 16 : index
    %get3A_780 = tpu.vector_load %arg8[%get3A_778, %get3A_779] {strides = array<i32>} : memref<6x32xf32, #tpu.memory_space<vmem>>, vector<16xf32>,
    %add3A_781 = arith.addf %get3A_776, %get3A_780 : vector<16xf32>
    %get3A_782 = arith.constant 1 : i32
    %get3A_783 = arith.index_cast %get3A_782 : i32 to index
    %get3A_784 = arith.constant 16 : index
    %get3A_785 = tpu.vector_load %arg9[%get3A_783, %get3A_784] {strides = array<i32>} : memref<2x32xf32, #tpu.memory_space<vmem>>, vector<16xf32>,
    %add3A_786 = arith.addf %add3A_781, %get3A_785 : vector<16xf32>
    %swap3A_787 = arith.constant 21 : i32
    %swap3A_788 = arith.index_cast %swap3A_787 : i32 to index
    %swap3A_789 = arith.constant 16 : index
    %swap3A_790 = tpu.vector_load %arg10[%swap3A_788, %swap3A_789] {strides = array<i32>} : memref<60x32xf32, #tpu.memory_space<vmem>>, vector<16xf32>,
    tpu.vector_store %arg10[%swap3A_788, %swap3A_789], %add3A_786 {strides = array<i32>} : memref<60x32xf32, #tpu.memory_space<vmem>>, vector<16xf32>,
    %get3A_791 = arith.constant 1 : i32
    %get3A_792 = arith.index_cast %get3A_791 : i32 to index
    %get3A_793 = arith.constant 0 : index
    %get3A_794 = tpu.vector_load %arg7[%get3A_792, %get3A_793] {strides = array<i32>} : memref<5x32xf32, #tpu.memory_space<vmem>>, vector<16xf32>,
    %get3A_795 = arith.constant 5 : i32
    %get3A_796 = arith.index_cast %get3A_795 : i32 to index
    %get3A_797 = arith.constant 0 : index
    %get3A_798 = tpu.vector_load %arg8[%get3A_796, %get3A_797] {strides = array<i32>} : memref<6x32xf32, #tpu.memory_space<vmem>>, vector<16xf32>,
    %add3A_799 = arith.addf %get3A_794, %get3A_798 : vector<16xf32>
    %get3A_800 = arith.constant 0 : i32
    %get3A_801 = arith.index_cast %get3A_800 : i32 to index
    %get3A_802 = arith.constant 0 : index
    %get3A_803 = tpu.vector_load %arg9[%get3A_801, %get3A_802] {strides = array<i32>} : memref<2x32xf32, #tpu.memory_space<vmem>>, vector<16xf32>,
    %add3A_804 = arith.addf %add3A_799, %get3A_803 : vector<16xf32>
    %swap3A_805 = arith.constant 22 : i32
    %swap3A_806 = arith.index_cast %swap3A_805 : i32 to index
    %swap3A_807 = arith.constant 0 : index
    %swap3A_808 = tpu.vector_load %arg10[%swap3A_806, %swap3A_807] {strides = array<i32>} : memref<60x32xf32, #tpu.memory_space<vmem>>, vector<16xf32>,
    tpu.vector_store %arg10[%swap3A_806, %swap3A_807], %add3A_804 {strides = array<i32>} : memref<60x32xf32, #tpu.memory_space<vmem>>, vector<16xf32>,
    %get3A_809 = arith.constant 1 : i32
    %get3A_810 = arith.index_cast %get3A_809 : i32 to index
    %get3A_811 = arith.constant 16 : index
    %get3A_812 = tpu.vector_load %arg7[%get3A_810, %get3A_811] {strides = array<i32>} : memref<5x32xf32, #tpu.memory_space<vmem>>, vector<16xf32>,
    %get3A_813 = arith.constant 5 : i32
    %get3A_814 = arith.index_cast %get3A_813 : i32 to index
    %get3A_815 = arith.constant 16 : index
    %get3A_816 = tpu.vector_load %arg8[%get3A_814, %get3A_815] {strides = array<i32>} : memref<6x32xf32, #tpu.memory_space<vmem>>, vector<16xf32>,
    %add3A_817 = arith.addf %get3A_812, %get3A_816 : vector<16xf32>
    %get3A_818 = arith.constant 0 : i32
    %get3A_819 = arith.index_cast %get3A_818 : i32 to index
    %get3A_820 = arith.constant 16 : index
    %get3A_821 = tpu.vector_load %arg9[%get3A_819, %get3A_820] {strides = array<i32>} : memref<2x32xf32, #tpu.memory_space<vmem>>, vector<16xf32>,
    %add3A_822 = arith.addf %add3A_817, %get3A_821 : vector<16xf32>
    %swap3A_823 = arith.constant 22 : i32
    %swap3A_824 = arith.index_cast %swap3A_823 : i32 to index
    %swap3A_825 = arith.constant 16 : index
    %swap3A_826 = tpu.vector_load %arg10[%swap3A_824, %swap3A_825] {strides = array<i32>} : memref<60x32xf32, #tpu.memory_space<vmem>>, vector<16xf32>,
    tpu.vector_store %arg10[%swap3A_824, %swap3A_825], %add3A_822 {strides = array<i32>} : memref<60x32xf32, #tpu.memory_space<vmem>>, vector<16xf32>,
    %get3A_827 = arith.constant 1 : i32
    %get3A_828 = arith.index_cast %get3A_827 : i32 to index
    %get3A_829 = arith.constant 0 : index
    %get3A_830 = tpu.vector_load %arg7[%get3A_828, %get3A_829] {strides = array<i32>} : memref<5x32xf32, #tpu.memory_space<vmem>>, vector<16xf32>,
    %get3A_831 = arith.constant 5 : i32
    %get3A_832 = arith.index_cast %get3A_831 : i32 to index
    %get3A_833 = arith.constant 0 : index
    %get3A_834 = tpu.vector_load %arg8[%get3A_832, %get3A_833] {strides = array<i32>} : memref<6x32xf32, #tpu.memory_space<vmem>>, vector<16xf32>,
    %add3A_835 = arith.addf %get3A_830, %get3A_834 : vector<16xf32>
    %get3A_836 = arith.constant 1 : i32
    %get3A_837 = arith.index_cast %get3A_836 : i32 to index
    %get3A_838 = arith.constant 0 : index
    %get3A_839 = tpu.vector_load %arg9[%get3A_837, %get3A_838] {strides = array<i32>} : memref<2x32xf32, #tpu.memory_space<vmem>>, vector<16xf32>,
    %add3A_840 = arith.addf %add3A_835, %get3A_839 : vector<16xf32>
    %swap3A_841 = arith.constant 23 : i32
    %swap3A_842 = arith.index_cast %swap3A_841 : i32 to index
    %swap3A_843 = arith.constant 0 : index
    %swap3A_844 = tpu.vector_load %arg10[%swap3A_842, %swap3A_843] {strides = array<i32>} : memref<60x32xf32, #tpu.memory_space<vmem>>, vector<16xf32>,
    tpu.vector_store %arg10[%swap3A_842, %swap3A_843], %add3A_840 {strides = array<i32>} : memref<60x32xf32, #tpu.memory_space<vmem>>, vector<16xf32>,
    %get3A_845 = arith.constant 1 : i32
    %get3A_846 = arith.index_cast %get3A_845 : i32 to index
    %get3A_847 = arith.constant 16 : index
    %get3A_848 = tpu.vector_load %arg7[%get3A_846, %get3A_847] {strides = array<i32>} : memref<5x32xf32, #tpu.memory_space<vmem>>, vector<16xf32>,
    %get3A_849 = arith.constant 5 : i32
    %get3A_850 = arith.index_cast %get3A_849 : i32 to index
    %get3A_851 = arith.constant 16 : index
    %get3A_852 = tpu.vector_load %arg8[%get3A_850, %get3A_851] {strides = array<i32>} : memref<6x32xf32, #tpu.memory_space<vmem>>, vector<16xf32>,
    %add3A_853 = arith.addf %get3A_848, %get3A_852 : vector<16xf32>
    %get3A_854 = arith.constant 1 : i32
    %get3A_855 = arith.index_cast %get3A_854 : i32 to index
    %get3A_856 = arith.constant 16 : index
    %get3A_857 = tpu.vector_load %arg9[%get3A_855, %get3A_856] {strides = array<i32>} : memref<2x32xf32, #tpu.memory_space<vmem>>, vector<16xf32>,
    %add3A_858 = arith.addf %add3A_853, %get3A_857 : vector<16xf32>
    %swap3A_859 = arith.constant 23 : i32
    %swap3A_860 = arith.index_cast %swap3A_859 : i32 to index
    %swap3A_861 = arith.constant 16 : index
    %swap3A_862 = tpu.vector_load %arg10[%swap3A_860, %swap3A_861] {strides = array<i32>} : memref<60x32xf32, #tpu.memory_space<vmem>>, vector<16xf32>,
    tpu.vector_store %arg10[%swap3A_860, %swap3A_861], %add3A_858 {strides = array<i32>} : memref<60x32xf32, #tpu.memory_space<vmem>>, vector<16xf32>,
    %get3A_863 = arith.constant 2 : i32
    %get3A_864 = arith.index_cast %get3A_863 : i32 to index
    %get3A_865 = arith.constant 0 : index
    %get3A_866 = tpu.vector_load %arg7[%get3A_864, %get3A_865] {strides = array<i32>} : memref<5x32xf32, #tpu.memory_space<vmem>>, vector<16xf32>,
    %get3A_867 = arith.constant 0 : i32
    %get3A_868 = arith.index_cast %get3A_867 : i32 to index
    %get3A_869 = arith.constant 0 : index
    %get3A_870 = tpu.vector_load %arg8[%get3A_868, %get3A_869] {strides = array<i32>} : memref<6x32xf32, #tpu.memory_space<vmem>>, vector<16xf32>,
    %add3A_871 = arith.addf %get3A_866, %get3A_870 : vector<16xf32>
    %get3A_872 = arith.constant 0 : i32
    %get3A_873 = arith.index_cast %get3A_872 : i32 to index
    %get3A_874 = arith.constant 0 : index
    %get3A_875 = tpu.vector_load %arg9[%get3A_873, %get3A_874] {strides = array<i32>} : memref<2x32xf32, #tpu.memory_space<vmem>>, vector<16xf32>,
    %add3A_876 = arith.addf %add3A_871, %get3A_875 : vector<16xf32>
    %swap3A_877 = arith.constant 24 : i32
    %swap3A_878 = arith.index_cast %swap3A_877 : i32 to index
    %swap3A_879 = arith.constant 0 : index
    %swap3A_880 = tpu.vector_load %arg10[%swap3A_878, %swap3A_879] {strides = array<i32>} : memref<60x32xf32, #tpu.memory_space<vmem>>, vector<16xf32>,
    tpu.vector_store %arg10[%swap3A_878, %swap3A_879], %add3A_876 {strides = array<i32>} : memref<60x32xf32, #tpu.memory_space<vmem>>, vector<16xf32>,
    %get3A_881 = arith.constant 2 : i32
    %get3A_882 = arith.index_cast %get3A_881 : i32 to index
    %get3A_883 = arith.constant 16 : index
    %get3A_884 = tpu.vector_load %arg7[%get3A_882, %get3A_883] {strides = array<i32>} : memref<5x32xf32, #tpu.memory_space<vmem>>, vector<16xf32>,
    %get3A_885 = arith.constant 0 : i32
    %get3A_886 = arith.index_cast %get3A_885 : i32 to index
    %get3A_887 = arith.constant 16 : index
    %get3A_888 = tpu.vector_load %arg8[%get3A_886, %get3A_887] {strides = array<i32>} : memref<6x32xf32, #tpu.memory_space<vmem>>, vector<16xf32>,
    %add3A_889 = arith.addf %get3A_884, %get3A_888 : vector<16xf32>
    %get3A_890 = arith.constant 0 : i32
    %get3A_891 = arith.index_cast %get3A_890 : i32 to index
    %get3A_892 = arith.constant 16 : index
    %get3A_893 = tpu.vector_load %arg9[%get3A_891, %get3A_892] {strides = array<i32>} : memref<2x32xf32, #tpu.memory_space<vmem>>, vector<16xf32>,
    %add3A_894 = arith.addf %add3A_889, %get3A_893 : vector<16xf32>
    %swap3A_895 = arith.constant 24 : i32
    %swap3A_896 = arith.index_cast %swap3A_895 : i32 to index
    %swap3A_897 = arith.constant 16 : index
    %swap3A_898 = tpu.vector_load %arg10[%swap3A_896, %swap3A_897] {strides = array<i32>} : memref<60x32xf32, #tpu.memory_space<vmem>>, vector<16xf32>,
    tpu.vector_store %arg10[%swap3A_896, %swap3A_897], %add3A_894 {strides = array<i32>} : memref<60x32xf32, #tpu.memory_space<vmem>>, vector<16xf32>,
    %get3A_899 = arith.constant 2 : i32
    %get3A_900 = arith.index_cast %get3A_899 : i32 to index
    %get3A_901 = arith.constant 0 : index
    %get3A_902 = tpu.vector_load %arg7[%get3A_900, %get3A_901] {strides = array<i32>} : memref<5x32xf32, #tpu.memory_space<vmem>>, vector<16xf32>,
    %get3A_903 = arith.constant 0 : i32
    %get3A_904 = arith.index_cast %get3A_903 : i32 to index
    %get3A_905 = arith.constant 0 : index
    %get3A_906 = tpu.vector_load %arg8[%get3A_904, %get3A_905] {strides = array<i32>} : memref<6x32xf32, #tpu.memory_space<vmem>>, vector<16xf32>,
    %add3A_907 = arith.addf %get3A_902, %get3A_906 : vector<16xf32>
    %get3A_908 = arith.constant 1 : i32
    %get3A_909 = arith.index_cast %get3A_908 : i32 to index
    %get3A_910 = arith.constant 0 : index
    %get3A_911 = tpu.vector_load %arg9[%get3A_909, %get3A_910] {strides = array<i32>} : memref<2x32xf32, #tpu.memory_space<vmem>>, vector<16xf32>,
    %add3A_912 = arith.addf %add3A_907, %get3A_911 : vector<16xf32>
    %swap3A_913 = arith.constant 25 : i32
    %swap3A_914 = arith.index_cast %swap3A_913 : i32 to index
    %swap3A_915 = arith.constant 0 : index
    %swap3A_916 = tpu.vector_load %arg10[%swap3A_914, %swap3A_915] {strides = array<i32>} : memref<60x32xf32, #tpu.memory_space<vmem>>, vector<16xf32>,
    tpu.vector_store %arg10[%swap3A_914, %swap3A_915], %add3A_912 {strides = array<i32>} : memref<60x32xf32, #tpu.memory_space<vmem>>, vector<16xf32>,
    %get3A_917 = arith.constant 2 : i32
    %get3A_918 = arith.index_cast %get3A_917 : i32 to index
    %get3A_919 = arith.constant 16 : index
    %get3A_920 = tpu.vector_load %arg7[%get3A_918, %get3A_919] {strides = array<i32>} : memref<5x32xf32, #tpu.memory_space<vmem>>, vector<16xf32>,
    %get3A_921 = arith.constant 0 : i32
    %get3A_922 = arith.index_cast %get3A_921 : i32 to index
    %get3A_923 = arith.constant 16 : index
    %get3A_924 = tpu.vector_load %arg8[%get3A_922, %get3A_923] {strides = array<i32>} : memref<6x32xf32, #tpu.memory_space<vmem>>, vector<16xf32>,
    %add3A_925 = arith.addf %get3A_920, %get3A_924 : vector<16xf32>
    %get3A_926 = arith.constant 1 : i32
    %get3A_927 = arith.index_cast %get3A_926 : i32 to index
    %get3A_928 = arith.constant 16 : index
    %get3A_929 = tpu.vector_load %arg9[%get3A_927, %get3A_928] {strides = array<i32>} : memref<2x32xf32, #tpu.memory_space<vmem>>, vector<16xf32>,
    %add3A_930 = arith.addf %add3A_925, %get3A_929 : vector<16xf32>
    %swap3A_931 = arith.constant 25 : i32
    %swap3A_932 = arith.index_cast %swap3A_931 : i32 to index
    %swap3A_933 = arith.constant 16 : index
    %swap3A_934 = tpu.vector_load %arg10[%swap3A_932, %swap3A_933] {strides = array<i32>} : memref<60x32xf32, #tpu.memory_space<vmem>>, vector<16xf32>,
    tpu.vector_store %arg10[%swap3A_932, %swap3A_933], %add3A_930 {strides = array<i32>} : memref<60x32xf32, #tpu.memory_space<vmem>>, vector<16xf32>,
    %get3A_935 = arith.constant 2 : i32
    %get3A_936 = arith.index_cast %get3A_935 : i32 to index
    %get3A_937 = arith.constant 0 : index
    %get3A_938 = tpu.vector_load %arg7[%get3A_936, %get3A_937] {strides = array<i32>} : memref<5x32xf32, #tpu.memory_space<vmem>>, vector<16xf32>,
    %get3A_939 = arith.constant 1 : i32
    %get3A_940 = arith.index_cast %get3A_939 : i32 to index
    %get3A_941 = arith.constant 0 : index
    %get3A_942 = tpu.vector_load %arg8[%get3A_940, %get3A_941] {strides = array<i32>} : memref<6x32xf32, #tpu.memory_space<vmem>>, vector<16xf32>,
    %add3A_943 = arith.addf %get3A_938, %get3A_942 : vector<16xf32>
    %get3A_944 = arith.constant 0 : i32
    %get3A_945 = arith.index_cast %get3A_944 : i32 to index
    %get3A_946 = arith.constant 0 : index
    %get3A_947 = tpu.vector_load %arg9[%get3A_945, %get3A_946] {strides = array<i32>} : memref<2x32xf32, #tpu.memory_space<vmem>>, vector<16xf32>,
    %add3A_948 = arith.addf %add3A_943, %get3A_947 : vector<16xf32>
    %swap3A_949 = arith.constant 26 : i32
    %swap3A_950 = arith.index_cast %swap3A_949 : i32 to index
    %swap3A_951 = arith.constant 0 : index
    %swap3A_952 = tpu.vector_load %arg10[%swap3A_950, %swap3A_951] {strides = array<i32>} : memref<60x32xf32, #tpu.memory_space<vmem>>, vector<16xf32>,
    tpu.vector_store %arg10[%swap3A_950, %swap3A_951], %add3A_948 {strides = array<i32>} : memref<60x32xf32, #tpu.memory_space<vmem>>, vector<16xf32>,
    %get3A_953 = arith.constant 2 : i32
    %get3A_954 = arith.index_cast %get3A_953 : i32 to index
    %get3A_955 = arith.constant 16 : index
    %get3A_956 = tpu.vector_load %arg7[%get3A_954, %get3A_955] {strides = array<i32>} : memref<5x32xf32, #tpu.memory_space<vmem>>, vector<16xf32>,
    %get3A_957 = arith.constant 1 : i32
    %get3A_958 = arith.index_cast %get3A_957 : i32 to index
    %get3A_959 = arith.constant 16 : index
    %get3A_960 = tpu.vector_load %arg8[%get3A_958, %get3A_959] {strides = array<i32>} : memref<6x32xf32, #tpu.memory_space<vmem>>, vector<16xf32>,
    %add3A_961 = arith.addf %get3A_956, %get3A_960 : vector<16xf32>
    %get3A_962 = arith.constant 0 : i32
    %get3A_963 = arith.index_cast %get3A_962 : i32 to index
    %get3A_964 = arith.constant 16 : index
    %get3A_965 = tpu.vector_load %arg9[%get3A_963, %get3A_964] {strides = array<i32>} : memref<2x32xf32, #tpu.memory_space<vmem>>, vector<16xf32>,
    %add3A_966 = arith.addf %add3A_961, %get3A_965 : vector<16xf32>
    %swap3A_967 = arith.constant 26 : i32
    %swap3A_968 = arith.index_cast %swap3A_967 : i32 to index
    %swap3A_969 = arith.constant 16 : index
    %swap3A_970 = tpu.vector_load %arg10[%swap3A_968, %swap3A_969] {strides = array<i32>} : memref<60x32xf32, #tpu.memory_space<vmem>>, vector<16xf32>,
    tpu.vector_store %arg10[%swap3A_968, %swap3A_969], %add3A_966 {strides = array<i32>} : memref<60x32xf32, #tpu.memory_space<vmem>>, vector<16xf32>,
    %get3A_971 = arith.constant 2 : i32
    %get3A_972 = arith.index_cast %get3A_971 : i32 to index
    %get3A_973 = arith.constant 0 : index
    %get3A_974 = tpu.vector_load %arg7[%get3A_972, %get3A_973] {strides = array<i32>} : memref<5x32xf32, #tpu.memory_space<vmem>>, vector<16xf32>,
    %get3A_975 = arith.constant 1 : i32
    %get3A_976 = arith.index_cast %get3A_975 : i32 to index
    %get3A_977 = arith.constant 0 : index
    %get3A_978 = tpu.vector_load %arg8[%get3A_976, %get3A_977] {strides = array<i32>} : memref<6x32xf32, #tpu.memory_space<vmem>>, vector<16xf32>,
    %add3A_979 = arith.addf %get3A_974, %get3A_978 : vector<16xf32>
    %get3A_980 = arith.constant 1 : i32
    %get3A_981 = arith.index_cast %get3A_980 : i32 to index
    %get3A_982 = arith.constant 0 : index
    %get3A_983 = tpu.vector_load %arg9[%get3A_981, %get3A_982] {strides = array<i32>} : memref<2x32xf32, #tpu.memory_space<vmem>>, vector<16xf32>,
    %add3A_984 = arith.addf %add3A_979, %get3A_983 : vector<16xf32>
    %swap3A_985 = arith.constant 27 : i32
    %swap3A_986 = arith.index_cast %swap3A_985 : i32 to index
    %swap3A_987 = arith.constant 0 : index
    %swap3A_988 = tpu.vector_load %arg10[%swap3A_986, %swap3A_987] {strides = array<i32>} : memref<60x32xf32, #tpu.memory_space<vmem>>, vector<16xf32>,
    tpu.vector_store %arg10[%swap3A_986, %swap3A_987], %add3A_984 {strides = array<i32>} : memref<60x32xf32, #tpu.memory_space<vmem>>, vector<16xf32>,
    %get3A_989 = arith.constant 2 : i32
    %get3A_990 = arith.index_cast %get3A_989 : i32 to index
    %get3A_991 = arith.constant 16 : index
    %get3A_992 = tpu.vector_load %arg7[%get3A_990, %get3A_991] {strides = array<i32>} : memref<5x32xf32, #tpu.memory_space<vmem>>, vector<16xf32>,
    %get3A_993 = arith.constant 1 : i32
    %get3A_994 = arith.index_cast %get3A_993 : i32 to index
    %get3A_995 = arith.constant 16 : index
    %get3A_996 = tpu.vector_load %arg8[%get3A_994, %get3A_995] {strides = array<i32>} : memref<6x32xf32, #tpu.memory_space<vmem>>, vector<16xf32>,
    %add3A_997 = arith.addf %get3A_992, %get3A_996 : vector<16xf32>
    %get3A_998 = arith.constant 1 : i32
    %get3A_999 = arith.index_cast %get3A_998 : i32 to index
    %get3A_1000 = arith.constant 16 : index
    %get3A_1001 = tpu.vector_load %arg9[%get3A_999, %get3A_1000] {strides = array<i32>} : memref<2x32xf32, #tpu.memory_space<vmem>>, vector<16xf32>,
    %add3A_1002 = arith.addf %add3A_997, %get3A_1001 : vector<16xf32>
    %swap3A_1003 = arith.constant 27 : i32
    %swap3A_1004 = arith.index_cast %swap3A_1003 : i32 to index
    %swap3A_1005 = arith.constant 16 : index
    %swap3A_1006 = tpu.vector_load %arg10[%swap3A_1004, %swap3A_1005] {strides = array<i32>} : memref<60x32xf32, #tpu.memory_space<vmem>>, vector<16xf32>,
    tpu.vector_store %arg10[%swap3A_1004, %swap3A_1005], %add3A_1002 {strides = array<i32>} : memref<60x32xf32, #tpu.memory_space<vmem>>, vector<16xf32>,
    %get3A_1007 = arith.constant 2 : i32
    %get3A_1008 = arith.index_cast %get3A_1007 : i32 to index
    %get3A_1009 = arith.constant 0 : index
    %get3A_1010 = tpu.vector_load %arg7[%get3A_1008, %get3A_1009] {strides = array<i32>} : memref<5x32xf32, #tpu.memory_space<vmem>>, vector<16xf32>,
    %get3A_1011 = arith.constant 2 : i32
    %get3A_1012 = arith.index_cast %get3A_1011 : i32 to index
    %get3A_1013 = arith.constant 0 : index
    %get3A_1014 = tpu.vector_load %arg8[%get3A_1012, %get3A_1013] {strides = array<i32>} : memref<6x32xf32, #tpu.memory_space<vmem>>, vector<16xf32>,
    %add3A_1015 = arith.addf %get3A_1010, %get3A_1014 : vector<16xf32>
    %get3A_1016 = arith.constant 0 : i32
    %get3A_1017 = arith.index_cast %get3A_1016 : i32 to index
    %get3A_1018 = arith.constant 0 : index
    %get3A_1019 = tpu.vector_load %arg9[%get3A_1017, %get3A_1018] {strides = array<i32>} : memref<2x32xf32, #tpu.memory_space<vmem>>, vector<16xf32>,
    %add3A_1020 = arith.addf %add3A_1015, %get3A_1019 : vector<16xf32>
    %swap3A_1021 = arith.constant 28 : i32
    %swap3A_1022 = arith.index_cast %swap3A_1021 : i32 to index
    %swap3A_1023 = arith.constant 0 : index
    %swap3A_1024 = tpu.vector_load %arg10[%swap3A_1022, %swap3A_1023] {strides = array<i32>} : memref<60x32xf32, #tpu.memory_space<vmem>>, vector<16xf32>,
    tpu.vector_store %arg10[%swap3A_1022, %swap3A_1023], %add3A_1020 {strides = array<i32>} : memref<60x32xf32, #tpu.memory_space<vmem>>, vector<16xf32>,
    %get3A_1025 = arith.constant 2 : i32
    %get3A_1026 = arith.index_cast %get3A_1025 : i32 to index
    %get3A_1027 = arith.constant 16 : index
    %get3A_1028 = tpu.vector_load %arg7[%get3A_1026, %get3A_1027] {strides = array<i32>} : memref<5x32xf32, #tpu.memory_space<vmem>>, vector<16xf32>,
    %get3A_1029 = arith.constant 2 : i32
    %get3A_1030 = arith.index_cast %get3A_1029 : i32 to index
    %get3A_1031 = arith.constant 16 : index
    %get3A_1032 = tpu.vector_load %arg8[%get3A_1030, %get3A_1031] {strides = array<i32>} : memref<6x32xf32, #tpu.memory_space<vmem>>, vector<16xf32>,
    %add3A_1033 = arith.addf %get3A_1028, %get3A_1032 : vector<16xf32>
    %get3A_1034 = arith.constant 0 : i32
    %get3A_1035 = arith.index_cast %get3A_1034 : i32 to index
    %get3A_1036 = arith.constant 16 : index
    %get3A_1037 = tpu.vector_load %arg9[%get3A_1035, %get3A_1036] {strides = array<i32>} : memref<2x32xf32, #tpu.memory_space<vmem>>, vector<16xf32>,
    %add3A_1038 = arith.addf %add3A_1033, %get3A_1037 : vector<16xf32>
    %swap3A_1039 = arith.constant 28 : i32
    %swap3A_1040 = arith.index_cast %swap3A_1039 : i32 to index
    %swap3A_1041 = arith.constant 16 : index
    %swap3A_1042 = tpu.vector_load %arg10[%swap3A_1040, %swap3A_1041] {strides = array<i32>} : memref<60x32xf32, #tpu.memory_space<vmem>>, vector<16xf32>,
    tpu.vector_store %arg10[%swap3A_1040, %swap3A_1041], %add3A_1038 {strides = array<i32>} : memref<60x32xf32, #tpu.memory_space<vmem>>, vector<16xf32>,
    %get3A_1043 = arith.constant 2 : i32
    %get3A_1044 = arith.index_cast %get3A_1043 : i32 to index
    %get3A_1045 = arith.constant 0 : index
    %get3A_1046 = tpu.vector_load %arg7[%get3A_1044, %get3A_1045] {strides = array<i32>} : memref<5x32xf32, #tpu.memory_space<vmem>>, vector<16xf32>,
    %get3A_1047 = arith.constant 2 : i32
    %get3A_1048 = arith.index_cast %get3A_1047 : i32 to index
    %get3A_1049 = arith.constant 0 : index
    %get3A_1050 = tpu.vector_load %arg8[%get3A_1048, %get3A_1049] {strides = array<i32>} : memref<6x32xf32, #tpu.memory_space<vmem>>, vector<16xf32>,
    %add3A_1051 = arith.addf %get3A_1046, %get3A_1050 : vector<16xf32>
    %get3A_1052 = arith.constant 1 : i32
    %get3A_1053 = arith.index_cast %get3A_1052 : i32 to index
    %get3A_1054 = arith.constant 0 : index
    %get3A_1055 = tpu.vector_load %arg9[%get3A_1053, %get3A_1054] {strides = array<i32>} : memref<2x32xf32, #tpu.memory_space<vmem>>, vector<16xf32>,
    %add3A_1056 = arith.addf %add3A_1051, %get3A_1055 : vector<16xf32>
    %swap3A_1057 = arith.constant 29 : i32
    %swap3A_1058 = arith.index_cast %swap3A_1057 : i32 to index
    %swap3A_1059 = arith.constant 0 : index
    %swap3A_1060 = tpu.vector_load %arg10[%swap3A_1058, %swap3A_1059] {strides = array<i32>} : memref<60x32xf32, #tpu.memory_space<vmem>>, vector<16xf32>,
    tpu.vector_store %arg10[%swap3A_1058, %swap3A_1059], %add3A_1056 {strides = array<i32>} : memref<60x32xf32, #tpu.memory_space<vmem>>, vector<16xf32>,
    %get3A_1061 = arith.constant 2 : i32
    %get3A_1062 = arith.index_cast %get3A_1061 : i32 to index
    %get3A_1063 = arith.constant 16 : index
    %get3A_1064 = tpu.vector_load %arg7[%get3A_1062, %get3A_1063] {strides = array<i32>} : memref<5x32xf32, #tpu.memory_space<vmem>>, vector<16xf32>,
    %get3A_1065 = arith.constant 2 : i32
    %get3A_1066 = arith.index_cast %get3A_1065 : i32 to index
    %get3A_1067 = arith.constant 16 : index
    %get3A_1068 = tpu.vector_load %arg8[%get3A_1066, %get3A_1067] {strides = array<i32>} : memref<6x32xf32, #tpu.memory_space<vmem>>, vector<16xf32>,
    %add3A_1069 = arith.addf %get3A_1064, %get3A_1068 : vector<16xf32>
    %get3A_1070 = arith.constant 1 : i32
    %get3A_1071 = arith.index_cast %get3A_1070 : i32 to index
    %get3A_1072 = arith.constant 16 : index
    %get3A_1073 = tpu.vector_load %arg9[%get3A_1071, %get3A_1072] {strides = array<i32>} : memref<2x32xf32, #tpu.memory_space<vmem>>, vector<16xf32>,
    %add3A_1074 = arith.addf %add3A_1069, %get3A_1073 : vector<16xf32>
    %swap3A_1075 = arith.constant 29 : i32
    %swap3A_1076 = arith.index_cast %swap3A_1075 : i32 to index
    %swap3A_1077 = arith.constant 16 : index
    %swap3A_1078 = tpu.vector_load %arg10[%swap3A_1076, %swap3A_1077] {strides = array<i32>} : memref<60x32xf32, #tpu.memory_space<vmem>>, vector<16xf32>,
    tpu.vector_store %arg10[%swap3A_1076, %swap3A_1077], %add3A_1074 {strides = array<i32>} : memref<60x32xf32, #tpu.memory_space<vmem>>, vector<16xf32>,
    %get3A_1079 = arith.constant 2 : i32
    %get3A_1080 = arith.index_cast %get3A_1079 : i32 to index
    %get3A_1081 = arith.constant 0 : index
    %get3A_1082 = tpu.vector_load %arg7[%get3A_1080, %get3A_1081] {strides = array<i32>} : memref<5x32xf32, #tpu.memory_space<vmem>>, vector<16xf32>,
    %get3A_1083 = arith.constant 3 : i32
    %get3A_1084 = arith.index_cast %get3A_1083 : i32 to index
    %get3A_1085 = arith.constant 0 : index
    %get3A_1086 = tpu.vector_load %arg8[%get3A_1084, %get3A_1085] {strides = array<i32>} : memref<6x32xf32, #tpu.memory_space<vmem>>, vector<16xf32>,
    %add3A_1087 = arith.addf %get3A_1082, %get3A_1086 : vector<16xf32>
    %get3A_1088 = arith.constant 0 : i32
    %get3A_1089 = arith.index_cast %get3A_1088 : i32 to index
    %get3A_1090 = arith.constant 0 : index
    %get3A_1091 = tpu.vector_load %arg9[%get3A_1089, %get3A_1090] {strides = array<i32>} : memref<2x32xf32, #tpu.memory_space<vmem>>, vector<16xf32>,
    %add3A_1092 = arith.addf %add3A_1087, %get3A_1091 : vector<16xf32>
    %swap3A_1093 = arith.constant 30 : i32
    %swap3A_1094 = arith.index_cast %swap3A_1093 : i32 to index
    %swap3A_1095 = arith.constant 0 : index
    %swap3A_1096 = tpu.vector_load %arg10[%swap3A_1094, %swap3A_1095] {strides = array<i32>} : memref<60x32xf32, #tpu.memory_space<vmem>>, vector<16xf32>,
    tpu.vector_store %arg10[%swap3A_1094, %swap3A_1095], %add3A_1092 {strides = array<i32>} : memref<60x32xf32, #tpu.memory_space<vmem>>, vector<16xf32>,
    %get3A_1097 = arith.constant 2 : i32
    %get3A_1098 = arith.index_cast %get3A_1097 : i32 to index
    %get3A_1099 = arith.constant 16 : index
    %get3A_1100 = tpu.vector_load %arg7[%get3A_1098, %get3A_1099] {strides = array<i32>} : memref<5x32xf32, #tpu.memory_space<vmem>>, vector<16xf32>,
    %get3A_1101 = arith.constant 3 : i32
    %get3A_1102 = arith.index_cast %get3A_1101 : i32 to index
    %get3A_1103 = arith.constant 16 : index
    %get3A_1104 = tpu.vector_load %arg8[%get3A_1102, %get3A_1103] {strides = array<i32>} : memref<6x32xf32, #tpu.memory_space<vmem>>, vector<16xf32>,
    %add3A_1105 = arith.addf %get3A_1100, %get3A_1104 : vector<16xf32>
    %get3A_1106 = arith.constant 0 : i32
    %get3A_1107 = arith.index_cast %get3A_1106 : i32 to index
    %get3A_1108 = arith.constant 16 : index
    %get3A_1109 = tpu.vector_load %arg9[%get3A_1107, %get3A_1108] {strides = array<i32>} : memref<2x32xf32, #tpu.memory_space<vmem>>, vector<16xf32>,
    %add3A_1110 = arith.addf %add3A_1105, %get3A_1109 : vector<16xf32>
    %swap3A_1111 = arith.constant 30 : i32
    %swap3A_1112 = arith.index_cast %swap3A_1111 : i32 to index
    %swap3A_1113 = arith.constant 16 : index
    %swap3A_1114 = tpu.vector_load %arg10[%swap3A_1112, %swap3A_1113] {strides = array<i32>} : memref<60x32xf32, #tpu.memory_space<vmem>>, vector<16xf32>,
    tpu.vector_store %arg10[%swap3A_1112, %swap3A_1113], %add3A_1110 {strides = array<i32>} : memref<60x32xf32, #tpu.memory_space<vmem>>, vector<16xf32>,
    %get3A_1115 = arith.constant 2 : i32
    %get3A_1116 = arith.index_cast %get3A_1115 : i32 to index
    %get3A_1117 = arith.constant 0 : index
    %get3A_1118 = tpu.vector_load %arg7[%get3A_1116, %get3A_1117] {strides = array<i32>} : memref<5x32xf32, #tpu.memory_space<vmem>>, vector<16xf32>,
    %get3A_1119 = arith.constant 3 : i32
    %get3A_1120 = arith.index_cast %get3A_1119 : i32 to index
    %get3A_1121 = arith.constant 0 : index
    %get3A_1122 = tpu.vector_load %arg8[%get3A_1120, %get3A_1121] {strides = array<i32>} : memref<6x32xf32, #tpu.memory_space<vmem>>, vector<16xf32>,
    %add3A_1123 = arith.addf %get3A_1118, %get3A_1122 : vector<16xf32>
    %get3A_1124 = arith.constant 1 : i32
    %get3A_1125 = arith.index_cast %get3A_1124 : i32 to index
    %get3A_1126 = arith.constant 0 : index
    %get3A_1127 = tpu.vector_load %arg9[%get3A_1125, %get3A_1126] {strides = array<i32>} : memref<2x32xf32, #tpu.memory_space<vmem>>, vector<16xf32>,
    %add3A_1128 = arith.addf %add3A_1123, %get3A_1127 : vector<16xf32>
    %swap3A_1129 = arith.constant 31 : i32
    %swap3A_1130 = arith.index_cast %swap3A_1129 : i32 to index
    %swap3A_1131 = arith.constant 0 : index
    %swap3A_1132 = tpu.vector_load %arg10[%swap3A_1130, %swap3A_1131] {strides = array<i32>} : memref<60x32xf32, #tpu.memory_space<vmem>>, vector<16xf32>,
    tpu.vector_store %arg10[%swap3A_1130, %swap3A_1131], %add3A_1128 {strides = array<i32>} : memref<60x32xf32, #tpu.memory_space<vmem>>, vector<16xf32>,
    %get3A_1133 = arith.constant 2 : i32
    %get3A_1134 = arith.index_cast %get3A_1133 : i32 to index
    %get3A_1135 = arith.constant 16 : index
    %get3A_1136 = tpu.vector_load %arg7[%get3A_1134, %get3A_1135] {strides = array<i32>} : memref<5x32xf32, #tpu.memory_space<vmem>>, vector<16xf32>,
    %get3A_1137 = arith.constant 3 : i32
    %get3A_1138 = arith.index_cast %get3A_1137 : i32 to index
    %get3A_1139 = arith.constant 16 : index
    %get3A_1140 = tpu.vector_load %arg8[%get3A_1138, %get3A_1139] {strides = array<i32>} : memref<6x32xf32, #tpu.memory_space<vmem>>, vector<16xf32>,
    %add3A_1141 = arith.addf %get3A_1136, %get3A_1140 : vector<16xf32>
    %get3A_1142 = arith.constant 1 : i32
    %get3A_1143 = arith.index_cast %get3A_1142 : i32 to index
    %get3A_1144 = arith.constant 16 : index
    %get3A_1145 = tpu.vector_load %arg9[%get3A_1143, %get3A_1144] {strides = array<i32>} : memref<2x32xf32, #tpu.memory_space<vmem>>, vector<16xf32>,
    %add3A_1146 = arith.addf %add3A_1141, %get3A_1145 : vector<16xf32>
    %swap3A_1147 = arith.constant 31 : i32
    %swap3A_1148 = arith.index_cast %swap3A_1147 : i32 to index
    %swap3A_1149 = arith.constant 16 : index
    %swap3A_1150 = tpu.vector_load %arg10[%swap3A_1148, %swap3A_1149] {strides = array<i32>} : memref<60x32xf32, #tpu.memory_space<vmem>>, vector<16xf32>,
    tpu.vector_store %arg10[%swap3A_1148, %swap3A_1149], %add3A_1146 {strides = array<i32>} : memref<60x32xf32, #tpu.memory_space<vmem>>, vector<16xf32>,
    %get3A_1151 = arith.constant 2 : i32
    %get3A_1152 = arith.index_cast %get3A_1151 : i32 to index
    %get3A_1153 = arith.constant 0 : index
    %get3A_1154 = tpu.vector_load %arg7[%get3A_1152, %get3A_1153] {strides = array<i32>} : memref<5x32xf32, #tpu.memory_space<vmem>>, vector<16xf32>,
    %get3A_1155 = arith.constant 4 : i32
    %get3A_1156 = arith.index_cast %get3A_1155 : i32 to index
    %get3A_1157 = arith.constant 0 : index
    %get3A_1158 = tpu.vector_load %arg8[%get3A_1156, %get3A_1157] {strides = array<i32>} : memref<6x32xf32, #tpu.memory_space<vmem>>, vector<16xf32>,
    %add3A_1159 = arith.addf %get3A_1154, %get3A_1158 : vector<16xf32>
    %get3A_1160 = arith.constant 0 : i32
    %get3A_1161 = arith.index_cast %get3A_1160 : i32 to index
    %get3A_1162 = arith.constant 0 : index
    %get3A_1163 = tpu.vector_load %arg9[%get3A_1161, %get3A_1162] {strides = array<i32>} : memref<2x32xf32, #tpu.memory_space<vmem>>, vector<16xf32>,
    %add3A_1164 = arith.addf %add3A_1159, %get3A_1163 : vector<16xf32>
    %swap3A_1165 = arith.constant 32 : i32
    %swap3A_1166 = arith.index_cast %swap3A_1165 : i32 to index
    %swap3A_1167 = arith.constant 0 : index
    %swap3A_1168 = tpu.vector_load %arg10[%swap3A_1166, %swap3A_1167] {strides = array<i32>} : memref<60x32xf32, #tpu.memory_space<vmem>>, vector<16xf32>,
    tpu.vector_store %arg10[%swap3A_1166, %swap3A_1167], %add3A_1164 {strides = array<i32>} : memref<60x32xf32, #tpu.memory_space<vmem>>, vector<16xf32>,
    %get3A_1169 = arith.constant 2 : i32
    %get3A_1170 = arith.index_cast %get3A_1169 : i32 to index
    %get3A_1171 = arith.constant 16 : index
    %get3A_1172 = tpu.vector_load %arg7[%get3A_1170, %get3A_1171] {strides = array<i32>} : memref<5x32xf32, #tpu.memory_space<vmem>>, vector<16xf32>,
    %get3A_1173 = arith.constant 4 : i32
    %get3A_1174 = arith.index_cast %get3A_1173 : i32 to index
    %get3A_1175 = arith.constant 16 : index
    %get3A_1176 = tpu.vector_load %arg8[%get3A_1174, %get3A_1175] {strides = array<i32>} : memref<6x32xf32, #tpu.memory_space<vmem>>, vector<16xf32>,
    %add3A_1177 = arith.addf %get3A_1172, %get3A_1176 : vector<16xf32>
    %get3A_1178 = arith.constant 0 : i32
    %get3A_1179 = arith.index_cast %get3A_1178 : i32 to index
    %get3A_1180 = arith.constant 16 : index
    %get3A_1181 = tpu.vector_load %arg9[%get3A_1179, %get3A_1180] {strides = array<i32>} : memref<2x32xf32, #tpu.memory_space<vmem>>, vector<16xf32>,
    %add3A_1182 = arith.addf %add3A_1177, %get3A_1181 : vector<16xf32>
    %swap3A_1183 = arith.constant 32 : i32
    %swap3A_1184 = arith.index_cast %swap3A_1183 : i32 to index
    %swap3A_1185 = arith.constant 16 : index
    %swap3A_1186 = tpu.vector_load %arg10[%swap3A_1184, %swap3A_1185] {strides = array<i32>} : memref<60x32xf32, #tpu.memory_space<vmem>>, vector<16xf32>,
    tpu.vector_store %arg10[%swap3A_1184, %swap3A_1185], %add3A_1182 {strides = array<i32>} : memref<60x32xf32, #tpu.memory_space<vmem>>, vector<16xf32>,
    %get3A_1187 = arith.constant 2 : i32
    %get3A_1188 = arith.index_cast %get3A_1187 : i32 to index
    %get3A_1189 = arith.constant 0 : index
    %get3A_1190 = tpu.vector_load %arg7[%get3A_1188, %get3A_1189] {strides = array<i32>} : memref<5x32xf32, #tpu.memory_space<vmem>>, vector<16xf32>,
    %get3A_1191 = arith.constant 4 : i32
    %get3A_1192 = arith.index_cast %get3A_1191 : i32 to index
    %get3A_1193 = arith.constant 0 : index
    %get3A_1194 = tpu.vector_load %arg8[%get3A_1192, %get3A_1193] {strides = array<i32>} : memref<6x32xf32, #tpu.memory_space<vmem>>, vector<16xf32>,
    %add3A_1195 = arith.addf %get3A_1190, %get3A_1194 : vector<16xf32>
    %get3A_1196 = arith.constant 1 : i32
    %get3A_1197 = arith.index_cast %get3A_1196 : i32 to index
    %get3A_1198 = arith.constant 0 : index
    %get3A_1199 = tpu.vector_load %arg9[%get3A_1197, %get3A_1198] {strides = array<i32>} : memref<2x32xf32, #tpu.memory_space<vmem>>, vector<16xf32>,
    %add3A_1200 = arith.addf %add3A_1195, %get3A_1199 : vector<16xf32>
    %swap3A_1201 = arith.constant 33 : i32
    %swap3A_1202 = arith.index_cast %swap3A_1201 : i32 to index
    %swap3A_1203 = arith.constant 0 : index
    %swap3A_1204 = tpu.vector_load %arg10[%swap3A_1202, %swap3A_1203] {strides = array<i32>} : memref<60x32xf32, #tpu.memory_space<vmem>>, vector<16xf32>,
    tpu.vector_store %arg10[%swap3A_1202, %swap3A_1203], %add3A_1200 {strides = array<i32>} : memref<60x32xf32, #tpu.memory_space<vmem>>, vector<16xf32>,
    %get3A_1205 = arith.constant 2 : i32
    %get3A_1206 = arith.index_cast %get3A_1205 : i32 to index
    %get3A_1207 = arith.constant 16 : index
    %get3A_1208 = tpu.vector_load %arg7[%get3A_1206, %get3A_1207] {strides = array<i32>} : memref<5x32xf32, #tpu.memory_space<vmem>>, vector<16xf32>,
    %get3A_1209 = arith.constant 4 : i32
    %get3A_1210 = arith.index_cast %get3A_1209 : i32 to index
    %get3A_1211 = arith.constant 16 : index
    %get3A_1212 = tpu.vector_load %arg8[%get3A_1210, %get3A_1211] {strides = array<i32>} : memref<6x32xf32, #tpu.memory_space<vmem>>, vector<16xf32>,
    %add3A_1213 = arith.addf %get3A_1208, %get3A_1212 : vector<16xf32>
    %get3A_1214 = arith.constant 1 : i32
    %get3A_1215 = arith.index_cast %get3A_1214 : i32 to index
    %get3A_1216 = arith.constant 16 : index
    %get3A_1217 = tpu.vector_load %arg9[%get3A_1215, %get3A_1216] {strides = array<i32>} : memref<2x32xf32, #tpu.memory_space<vmem>>, vector<16xf32>,
    %add3A_1218 = arith.addf %add3A_1213, %get3A_1217 : vector<16xf32>
    %swap3A_1219 = arith.constant 33 : i32
    %swap3A_1220 = arith.index_cast %swap3A_1219 : i32 to index
    %swap3A_1221 = arith.constant 16 : index
    %swap3A_1222 = tpu.vector_load %arg10[%swap3A_1220, %swap3A_1221] {strides = array<i32>} : memref<60x32xf32, #tpu.memory_space<vmem>>, vector<16xf32>,
    tpu.vector_store %arg10[%swap3A_1220, %swap3A_1221], %add3A_1218 {strides = array<i32>} : memref<60x32xf32, #tpu.memory_space<vmem>>, vector<16xf32>,
    %get3A_1223 = arith.constant 2 : i32
    %get3A_1224 = arith.index_cast %get3A_1223 : i32 to index
    %get3A_1225 = arith.constant 0 : index
    %get3A_1226 = tpu.vector_load %arg7[%get3A_1224, %get3A_1225] {strides = array<i32>} : memref<5x32xf32, #tpu.memory_space<vmem>>, vector<16xf32>,
    %get3A_1227 = arith.constant 5 : i32
    %get3A_1228 = arith.index_cast %get3A_1227 : i32 to index
    %get3A_1229 = arith.constant 0 : index
    %get3A_1230 = tpu.vector_load %arg8[%get3A_1228, %get3A_1229] {strides = array<i32>} : memref<6x32xf32, #tpu.memory_space<vmem>>, vector<16xf32>,
    %add3A_1231 = arith.addf %get3A_1226, %get3A_1230 : vector<16xf32>
    %get3A_1232 = arith.constant 0 : i32
    %get3A_1233 = arith.index_cast %get3A_1232 : i32 to index
    %get3A_1234 = arith.constant 0 : index
    %get3A_1235 = tpu.vector_load %arg9[%get3A_1233, %get3A_1234] {strides = array<i32>} : memref<2x32xf32, #tpu.memory_space<vmem>>, vector<16xf32>,
    %add3A_1236 = arith.addf %add3A_1231, %get3A_1235 : vector<16xf32>
    %swap3A_1237 = arith.constant 34 : i32
    %swap3A_1238 = arith.index_cast %swap3A_1237 : i32 to index
    %swap3A_1239 = arith.constant 0 : index
    %swap3A_1240 = tpu.vector_load %arg10[%swap3A_1238, %swap3A_1239] {strides = array<i32>} : memref<60x32xf32, #tpu.memory_space<vmem>>, vector<16xf32>,
    tpu.vector_store %arg10[%swap3A_1238, %swap3A_1239], %add3A_1236 {strides = array<i32>} : memref<60x32xf32, #tpu.memory_space<vmem>>, vector<16xf32>,
    %get3A_1241 = arith.constant 2 : i32
    %get3A_1242 = arith.index_cast %get3A_1241 : i32 to index
    %get3A_1243 = arith.constant 16 : index
    %get3A_1244 = tpu.vector_load %arg7[%get3A_1242, %get3A_1243] {strides = array<i32>} : memref<5x32xf32, #tpu.memory_space<vmem>>, vector<16xf32>,
    %get3A_1245 = arith.constant 5 : i32
    %get3A_1246 = arith.index_cast %get3A_1245 : i32 to index
    %get3A_1247 = arith.constant 16 : index
    %get3A_1248 = tpu.vector_load %arg8[%get3A_1246, %get3A_1247] {strides = array<i32>} : memref<6x32xf32, #tpu.memory_space<vmem>>, vector<16xf32>,
    %add3A_1249 = arith.addf %get3A_1244, %get3A_1248 : vector<16xf32>
    %get3A_1250 = arith.constant 0 : i32
    %get3A_1251 = arith.index_cast %get3A_1250 : i32 to index
    %get3A_1252 = arith.constant 16 : index
    %get3A_1253 = tpu.vector_load %arg9[%get3A_1251, %get3A_1252] {strides = array<i32>} : memref<2x32xf32, #tpu.memory_space<vmem>>, vector<16xf32>,
    %add3A_1254 = arith.addf %add3A_1249, %get3A_1253 : vector<16xf32>
    %swap3A_1255 = arith.constant 34 : i32
    %swap3A_1256 = arith.index_cast %swap3A_1255 : i32 to index
    %swap3A_1257 = arith.constant 16 : index
    %swap3A_1258 = tpu.vector_load %arg10[%swap3A_1256, %swap3A_1257] {strides = array<i32>} : memref<60x32xf32, #tpu.memory_space<vmem>>, vector<16xf32>,
    tpu.vector_store %arg10[%swap3A_1256, %swap3A_1257], %add3A_1254 {strides = array<i32>} : memref<60x32xf32, #tpu.memory_space<vmem>>, vector<16xf32>,
    %get3A_1259 = arith.constant 2 : i32
    %get3A_1260 = arith.index_cast %get3A_1259 : i32 to index
    %get3A_1261 = arith.constant 0 : index
    %get3A_1262 = tpu.vector_load %arg7[%get3A_1260, %get3A_1261] {strides = array<i32>} : memref<5x32xf32, #tpu.memory_space<vmem>>, vector<16xf32>,
    %get3A_1263 = arith.constant 5 : i32
    %get3A_1264 = arith.index_cast %get3A_1263 : i32 to index
    %get3A_1265 = arith.constant 0 : index
    %get3A_1266 = tpu.vector_load %arg8[%get3A_1264, %get3A_1265] {strides = array<i32>} : memref<6x32xf32, #tpu.memory_space<vmem>>, vector<16xf32>,
    %add3A_1267 = arith.addf %get3A_1262, %get3A_1266 : vector<16xf32>
    %get3A_1268 = arith.constant 1 : i32
    %get3A_1269 = arith.index_cast %get3A_1268 : i32 to index
    %get3A_1270 = arith.constant 0 : index
    %get3A_1271 = tpu.vector_load %arg9[%get3A_1269, %get3A_1270] {strides = array<i32>} : memref<2x32xf32, #tpu.memory_space<vmem>>, vector<16xf32>,
    %add3A_1272 = arith.addf %add3A_1267, %get3A_1271 : vector<16xf32>
    %swap3A_1273 = arith.constant 35 : i32
    %swap3A_1274 = arith.index_cast %swap3A_1273 : i32 to index
    %swap3A_1275 = arith.constant 0 : index
    %swap3A_1276 = tpu.vector_load %arg10[%swap3A_1274, %swap3A_1275] {strides = array<i32>} : memref<60x32xf32, #tpu.memory_space<vmem>>, vector<16xf32>,
    tpu.vector_store %arg10[%swap3A_1274, %swap3A_1275], %add3A_1272 {strides = array<i32>} : memref<60x32xf32, #tpu.memory_space<vmem>>, vector<16xf32>,
    %get3A_1277 = arith.constant 2 : i32
    %get3A_1278 = arith.index_cast %get3A_1277 : i32 to index
    %get3A_1279 = arith.constant 16 : index
    %get3A_1280 = tpu.vector_load %arg7[%get3A_1278, %get3A_1279] {strides = array<i32>} : memref<5x32xf32, #tpu.memory_space<vmem>>, vector<16xf32>,
    %get3A_1281 = arith.constant 5 : i32
    %get3A_1282 = arith.index_cast %get3A_1281 : i32 to index
    %get3A_1283 = arith.constant 16 : index
    %get3A_1284 = tpu.vector_load %arg8[%get3A_1282, %get3A_1283] {strides = array<i32>} : memref<6x32xf32, #tpu.memory_space<vmem>>, vector<16xf32>,
    %add3A_1285 = arith.addf %get3A_1280, %get3A_1284 : vector<16xf32>
    %get3A_1286 = arith.constant 1 : i32
    %get3A_1287 = arith.index_cast %get3A_1286 : i32 to index
    %get3A_1288 = arith.constant 16 : index
    %get3A_1289 = tpu.vector_load %arg9[%get3A_1287, %get3A_1288] {strides = array<i32>} : memref<2x32xf32, #tpu.memory_space<vmem>>, vector<16xf32>,
    %add3A_1290 = arith.addf %add3A_1285, %get3A_1289 : vector<16xf32>
    %swap3A_1291 = arith.constant 35 : i32
    %swap3A_1292 = arith.index_cast %swap3A_1291 : i32 to index
    %swap3A_1293 = arith.constant 16 : index
    %swap3A_1294 = tpu.vector_load %arg10[%swap3A_1292, %swap3A_1293] {strides = array<i32>} : memref<60x32xf32, #tpu.memory_space<vmem>>, vector<16xf32>,
    tpu.vector_store %arg10[%swap3A_1292, %swap3A_1293], %add3A_1290 {strides = array<i32>} : memref<60x32xf32, #tpu.memory_space<vmem>>, vector<16xf32>,
    %get3A_1295 = arith.constant 3 : i32
    %get3A_1296 = arith.index_cast %get3A_1295 : i32 to index
    %get3A_1297 = arith.constant 0 : index
    %get3A_1298 = tpu.vector_load %arg7[%get3A_1296, %get3A_1297] {strides = array<i32>} : memref<5x32xf32, #tpu.memory_space<vmem>>, vector<16xf32>,
    %get3A_1299 = arith.constant 0 : i32
    %get3A_1300 = arith.index_cast %get3A_1299 : i32 to index
    %get3A_1301 = arith.constant 0 : index
    %get3A_1302 = tpu.vector_load %arg8[%get3A_1300, %get3A_1301] {strides = array<i32>} : memref<6x32xf32, #tpu.memory_space<vmem>>, vector<16xf32>,
    %add3A_1303 = arith.addf %get3A_1298, %get3A_1302 : vector<16xf32>
    %get3A_1304 = arith.constant 0 : i32
    %get3A_1305 = arith.index_cast %get3A_1304 : i32 to index
    %get3A_1306 = arith.constant 0 : index
    %get3A_1307 = tpu.vector_load %arg9[%get3A_1305, %get3A_1306] {strides = array<i32>} : memref<2x32xf32, #tpu.memory_space<vmem>>, vector<16xf32>,
    %add3A_1308 = arith.addf %add3A_1303, %get3A_1307 : vector<16xf32>
    %swap3A_1309 = arith.constant 36 : i32
    %swap3A_1310 = arith.index_cast %swap3A_1309 : i32 to index
    %swap3A_1311 = arith.constant 0 : index
    %swap3A_1312 = tpu.vector_load %arg10[%swap3A_1310, %swap3A_1311] {strides = array<i32>} : memref<60x32xf32, #tpu.memory_space<vmem>>, vector<16xf32>,
    tpu.vector_store %arg10[%swap3A_1310, %swap3A_1311], %add3A_1308 {strides = array<i32>} : memref<60x32xf32, #tpu.memory_space<vmem>>, vector<16xf32>,
    %get3A_1313 = arith.constant 3 : i32
    %get3A_1314 = arith.index_cast %get3A_1313 : i32 to index
    %get3A_1315 = arith.constant 16 : index
    %get3A_1316 = tpu.vector_load %arg7[%get3A_1314, %get3A_1315] {strides = array<i32>} : memref<5x32xf32, #tpu.memory_space<vmem>>, vector<16xf32>,
    %get3A_1317 = arith.constant 0 : i32
    %get3A_1318 = arith.index_cast %get3A_1317 : i32 to index
    %get3A_1319 = arith.constant 16 : index
    %get3A_1320 = tpu.vector_load %arg8[%get3A_1318, %get3A_1319] {strides = array<i32>} : memref<6x32xf32, #tpu.memory_space<vmem>>, vector<16xf32>,
    %add3A_1321 = arith.addf %get3A_1316, %get3A_1320 : vector<16xf32>
    %get3A_1322 = arith.constant 0 : i32
    %get3A_1323 = arith.index_cast %get3A_1322 : i32 to index
    %get3A_1324 = arith.constant 16 : index
    %get3A_1325 = tpu.vector_load %arg9[%get3A_1323, %get3A_1324] {strides = array<i32>} : memref<2x32xf32, #tpu.memory_space<vmem>>, vector<16xf32>,
    %add3A_1326 = arith.addf %add3A_1321, %get3A_1325 : vector<16xf32>
    %swap3A_1327 = arith.constant 36 : i32
    %swap3A_1328 = arith.index_cast %swap3A_1327 : i32 to index
    %swap3A_1329 = arith.constant 16 : index
    %swap3A_1330 = tpu.vector_load %arg10[%swap3A_1328, %swap3A_1329] {strides = array<i32>} : memref<60x32xf32, #tpu.memory_space<vmem>>, vector<16xf32>,
    tpu.vector_store %arg10[%swap3A_1328, %swap3A_1329], %add3A_1326 {strides = array<i32>} : memref<60x32xf32, #tpu.memory_space<vmem>>, vector<16xf32>,
    %get3A_1331 = arith.constant 3 : i32
    %get3A_1332 = arith.index_cast %get3A_1331 : i32 to index
    %get3A_1333 = arith.constant 0 : index
    %get3A_1334 = tpu.vector_load %arg7[%get3A_1332, %get3A_1333] {strides = array<i32>} : memref<5x32xf32, #tpu.memory_space<vmem>>, vector<16xf32>,
    %get3A_1335 = arith.constant 0 : i32
    %get3A_1336 = arith.index_cast %get3A_1335 : i32 to index
    %get3A_1337 = arith.constant 0 : index
    %get3A_1338 = tpu.vector_load %arg8[%get3A_1336, %get3A_1337] {strides = array<i32>} : memref<6x32xf32, #tpu.memory_space<vmem>>, vector<16xf32>,
    %add3A_1339 = arith.addf %get3A_1334, %get3A_1338 : vector<16xf32>
    %get3A_1340 = arith.constant 1 : i32
    %get3A_1341 = arith.index_cast %get3A_1340 : i32 to index
    %get3A_1342 = arith.constant 0 : index
    %get3A_1343 = tpu.vector_load %arg9[%get3A_1341, %get3A_1342] {strides = array<i32>} : memref<2x32xf32, #tpu.memory_space<vmem>>, vector<16xf32>,
    %add3A_1344 = arith.addf %add3A_1339, %get3A_1343 : vector<16xf32>
    %swap3A_1345 = arith.constant 37 : i32
    %swap3A_1346 = arith.index_cast %swap3A_1345 : i32 to index
    %swap3A_1347 = arith.constant 0 : index
    %swap3A_1348 = tpu.vector_load %arg10[%swap3A_1346, %swap3A_1347] {strides = array<i32>} : memref<60x32xf32, #tpu.memory_space<vmem>>, vector<16xf32>,
    tpu.vector_store %arg10[%swap3A_1346, %swap3A_1347], %add3A_1344 {strides = array<i32>} : memref<60x32xf32, #tpu.memory_space<vmem>>, vector<16xf32>,
    %get3A_1349 = arith.constant 3 : i32
    %get3A_1350 = arith.index_cast %get3A_1349 : i32 to index
    %get3A_1351 = arith.constant 16 : index
    %get3A_1352 = tpu.vector_load %arg7[%get3A_1350, %get3A_1351] {strides = array<i32>} : memref<5x32xf32, #tpu.memory_space<vmem>>, vector<16xf32>,
    %get3A_1353 = arith.constant 0 : i32
    %get3A_1354 = arith.index_cast %get3A_1353 : i32 to index
    %get3A_1355 = arith.constant 16 : index
    %get3A_1356 = tpu.vector_load %arg8[%get3A_1354, %get3A_1355] {strides = array<i32>} : memref<6x32xf32, #tpu.memory_space<vmem>>, vector<16xf32>,
    %add3A_1357 = arith.addf %get3A_1352, %get3A_1356 : vector<16xf32>
    %get3A_1358 = arith.constant 1 : i32
    %get3A_1359 = arith.index_cast %get3A_1358 : i32 to index
    %get3A_1360 = arith.constant 16 : index
    %get3A_1361 = tpu.vector_load %arg9[%get3A_1359, %get3A_1360] {strides = array<i32>} : memref<2x32xf32, #tpu.memory_space<vmem>>, vector<16xf32>,
    %add3A_1362 = arith.addf %add3A_1357, %get3A_1361 : vector<16xf32>
    %swap3A_1363 = arith.constant 37 : i32
    %swap3A_1364 = arith.index_cast %swap3A_1363 : i32 to index
    %swap3A_1365 = arith.constant 16 : index
    %swap3A_1366 = tpu.vector_load %arg10[%swap3A_1364, %swap3A_1365] {strides = array<i32>} : memref<60x32xf32, #tpu.memory_space<vmem>>, vector<16xf32>,
    tpu.vector_store %arg10[%swap3A_1364, %swap3A_1365], %add3A_1362 {strides = array<i32>} : memref<60x32xf32, #tpu.memory_space<vmem>>, vector<16xf32>,
    %get3A_1367 = arith.constant 3 : i32
    %get3A_1368 = arith.index_cast %get3A_1367 : i32 to index
    %get3A_1369 = arith.constant 0 : index
    %get3A_1370 = tpu.vector_load %arg7[%get3A_1368, %get3A_1369] {strides = array<i32>} : memref<5x32xf32, #tpu.memory_space<vmem>>, vector<16xf32>,
    %get3A_1371 = arith.constant 1 : i32
    %get3A_1372 = arith.index_cast %get3A_1371 : i32 to index
    %get3A_1373 = arith.constant 0 : index
    %get3A_1374 = tpu.vector_load %arg8[%get3A_1372, %get3A_1373] {strides = array<i32>} : memref<6x32xf32, #tpu.memory_space<vmem>>, vector<16xf32>,
    %add3A_1375 = arith.addf %get3A_1370, %get3A_1374 : vector<16xf32>
    %get3A_1376 = arith.constant 0 : i32
    %get3A_1377 = arith.index_cast %get3A_1376 : i32 to index
    %get3A_1378 = arith.constant 0 : index
    %get3A_1379 = tpu.vector_load %arg9[%get3A_1377, %get3A_1378] {strides = array<i32>} : memref<2x32xf32, #tpu.memory_space<vmem>>, vector<16xf32>,
    %add3A_1380 = arith.addf %add3A_1375, %get3A_1379 : vector<16xf32>
    %swap3A_1381 = arith.constant 38 : i32
    %swap3A_1382 = arith.index_cast %swap3A_1381 : i32 to index
    %swap3A_1383 = arith.constant 0 : index
    %swap3A_1384 = tpu.vector_load %arg10[%swap3A_1382, %swap3A_1383] {strides = array<i32>} : memref<60x32xf32, #tpu.memory_space<vmem>>, vector<16xf32>,
    tpu.vector_store %arg10[%swap3A_1382, %swap3A_1383], %add3A_1380 {strides = array<i32>} : memref<60x32xf32, #tpu.memory_space<vmem>>, vector<16xf32>,
    %get3A_1385 = arith.constant 3 : i32
    %get3A_1386 = arith.index_cast %get3A_1385 : i32 to index
    %get3A_1387 = arith.constant 16 : index
    %get3A_1388 = tpu.vector_load %arg7[%get3A_1386, %get3A_1387] {strides = array<i32>} : memref<5x32xf32, #tpu.memory_space<vmem>>, vector<16xf32>,
    %get3A_1389 = arith.constant 1 : i32
    %get3A_1390 = arith.index_cast %get3A_1389 : i32 to index
    %get3A_1391 = arith.constant 16 : index
    %get3A_1392 = tpu.vector_load %arg8[%get3A_1390, %get3A_1391] {strides = array<i32>} : memref<6x32xf32, #tpu.memory_space<vmem>>, vector<16xf32>,
    %add3A_1393 = arith.addf %get3A_1388, %get3A_1392 : vector<16xf32>
    %get3A_1394 = arith.constant 0 : i32
    %get3A_1395 = arith.index_cast %get3A_1394 : i32 to index
    %get3A_1396 = arith.constant 16 : index
    %get3A_1397 = tpu.vector_load %arg9[%get3A_1395, %get3A_1396] {strides = array<i32>} : memref<2x32xf32, #tpu.memory_space<vmem>>, vector<16xf32>,
    %add3A_1398 = arith.addf %add3A_1393, %get3A_1397 : vector<16xf32>
    %swap3A_1399 = arith.constant 38 : i32
    %swap3A_1400 = arith.index_cast %swap3A_1399 : i32 to index
    %swap3A_1401 = arith.constant 16 : index
    %swap3A_1402 = tpu.vector_load %arg10[%swap3A_1400, %swap3A_1401] {strides = array<i32>} : memref<60x32xf32, #tpu.memory_space<vmem>>, vector<16xf32>,
    tpu.vector_store %arg10[%swap3A_1400, %swap3A_1401], %add3A_1398 {strides = array<i32>} : memref<60x32xf32, #tpu.memory_space<vmem>>, vector<16xf32>,
    %get3A_1403 = arith.constant 3 : i32
    %get3A_1404 = arith.index_cast %get3A_1403 : i32 to index
    %get3A_1405 = arith.constant 0 : index
    %get3A_1406 = tpu.vector_load %arg7[%get3A_1404, %get3A_1405] {strides = array<i32>} : memref<5x32xf32, #tpu.memory_space<vmem>>, vector<16xf32>,
    %get3A_1407 = arith.constant 1 : i32
    %get3A_1408 = arith.index_cast %get3A_1407 : i32 to index
    %get3A_1409 = arith.constant 0 : index
    %get3A_1410 = tpu.vector_load %arg8[%get3A_1408, %get3A_1409] {strides = array<i32>} : memref<6x32xf32, #tpu.memory_space<vmem>>, vector<16xf32>,
    %add3A_1411 = arith.addf %get3A_1406, %get3A_1410 : vector<16xf32>
    %get3A_1412 = arith.constant 1 : i32
    %get3A_1413 = arith.index_cast %get3A_1412 : i32 to index
    %get3A_1414 = arith.constant 0 : index
    %get3A_1415 = tpu.vector_load %arg9[%get3A_1413, %get3A_1414] {strides = array<i32>} : memref<2x32xf32, #tpu.memory_space<vmem>>, vector<16xf32>,
    %add3A_1416 = arith.addf %add3A_1411, %get3A_1415 : vector<16xf32>
    %swap3A_1417 = arith.constant 39 : i32
    %swap3A_1418 = arith.index_cast %swap3A_1417 : i32 to index
    %swap3A_1419 = arith.constant 0 : index
    %swap3A_1420 = tpu.vector_load %arg10[%swap3A_1418, %swap3A_1419] {strides = array<i32>} : memref<60x32xf32, #tpu.memory_space<vmem>>, vector<16xf32>,
    tpu.vector_store %arg10[%swap3A_1418, %swap3A_1419], %add3A_1416 {strides = array<i32>} : memref<60x32xf32, #tpu.memory_space<vmem>>, vector<16xf32>,
    %get3A_1421 = arith.constant 3 : i32
    %get3A_1422 = arith.index_cast %get3A_1421 : i32 to index
    %get3A_1423 = arith.constant 16 : index
    %get3A_1424 = tpu.vector_load %arg7[%get3A_1422, %get3A_1423] {strides = array<i32>} : memref<5x32xf32, #tpu.memory_space<vmem>>, vector<16xf32>,
    %get3A_1425 = arith.constant 1 : i32
    %get3A_1426 = arith.index_cast %get3A_1425 : i32 to index
    %get3A_1427 = arith.constant 16 : index
    %get3A_1428 = tpu.vector_load %arg8[%get3A_1426, %get3A_1427] {strides = array<i32>} : memref<6x32xf32, #tpu.memory_space<vmem>>, vector<16xf32>,
    %add3A_1429 = arith.addf %get3A_1424, %get3A_1428 : vector<16xf32>
    %get3A_1430 = arith.constant 1 : i32
    %get3A_1431 = arith.index_cast %get3A_1430 : i32 to index
    %get3A_1432 = arith.constant 16 : index
    %get3A_1433 = tpu.vector_load %arg9[%get3A_1431, %get3A_1432] {strides = array<i32>} : memref<2x32xf32, #tpu.memory_space<vmem>>, vector<16xf32>,
    %add3A_1434 = arith.addf %add3A_1429, %get3A_1433 : vector<16xf32>
    %swap3A_1435 = arith.constant 39 : i32
    %swap3A_1436 = arith.index_cast %swap3A_1435 : i32 to index
    %swap3A_1437 = arith.constant 16 : index
    %swap3A_1438 = tpu.vector_load %arg10[%swap3A_1436, %swap3A_1437] {strides = array<i32>} : memref<60x32xf32, #tpu.memory_space<vmem>>, vector<16xf32>,
    tpu.vector_store %arg10[%swap3A_1436, %swap3A_1437], %add3A_1434 {strides = array<i32>} : memref<60x32xf32, #tpu.memory_space<vmem>>, vector<16xf32>,
    %get3A_1439 = arith.constant 3 : i32
    %get3A_1440 = arith.index_cast %get3A_1439 : i32 to index
    %get3A_1441 = arith.constant 0 : index
    %get3A_1442 = tpu.vector_load %arg7[%get3A_1440, %get3A_1441] {strides = array<i32>} : memref<5x32xf32, #tpu.memory_space<vmem>>, vector<16xf32>,
    %get3A_1443 = arith.constant 2 : i32
    %get3A_1444 = arith.index_cast %get3A_1443 : i32 to index
    %get3A_1445 = arith.constant 0 : index
    %get3A_1446 = tpu.vector_load %arg8[%get3A_1444, %get3A_1445] {strides = array<i32>} : memref<6x32xf32, #tpu.memory_space<vmem>>, vector<16xf32>,
    %add3A_1447 = arith.addf %get3A_1442, %get3A_1446 : vector<16xf32>
    %get3A_1448 = arith.constant 0 : i32
    %get3A_1449 = arith.index_cast %get3A_1448 : i32 to index
    %get3A_1450 = arith.constant 0 : index
    %get3A_1451 = tpu.vector_load %arg9[%get3A_1449, %get3A_1450] {strides = array<i32>} : memref<2x32xf32, #tpu.memory_space<vmem>>, vector<16xf32>,
    %add3A_1452 = arith.addf %add3A_1447, %get3A_1451 : vector<16xf32>
    %swap3A_1453 = arith.constant 40 : i32
    %swap3A_1454 = arith.index_cast %swap3A_1453 : i32 to index
    %swap3A_1455 = arith.constant 0 : index
    %swap3A_1456 = tpu.vector_load %arg10[%swap3A_1454, %swap3A_1455] {strides = array<i32>} : memref<60x32xf32, #tpu.memory_space<vmem>>, vector<16xf32>,
    tpu.vector_store %arg10[%swap3A_1454, %swap3A_1455], %add3A_1452 {strides = array<i32>} : memref<60x32xf32, #tpu.memory_space<vmem>>, vector<16xf32>,
    %get3A_1457 = arith.constant 3 : i32
    %get3A_1458 = arith.index_cast %get3A_1457 : i32 to index
    %get3A_1459 = arith.constant 16 : index
    %get3A_1460 = tpu.vector_load %arg7[%get3A_1458, %get3A_1459] {strides = array<i32>} : memref<5x32xf32, #tpu.memory_space<vmem>>, vector<16xf32>,
    %get3A_1461 = arith.constant 2 : i32
    %get3A_1462 = arith.index_cast %get3A_1461 : i32 to index
    %get3A_1463 = arith.constant 16 : index
    %get3A_1464 = tpu.vector_load %arg8[%get3A_1462, %get3A_1463] {strides = array<i32>} : memref<6x32xf32, #tpu.memory_space<vmem>>, vector<16xf32>,
    %add3A_1465 = arith.addf %get3A_1460, %get3A_1464 : vector<16xf32>
    %get3A_1466 = arith.constant 0 : i32
    %get3A_1467 = arith.index_cast %get3A_1466 : i32 to index
    %get3A_1468 = arith.constant 16 : index
    %get3A_1469 = tpu.vector_load %arg9[%get3A_1467, %get3A_1468] {strides = array<i32>} : memref<2x32xf32, #tpu.memory_space<vmem>>, vector<16xf32>,
    %add3A_1470 = arith.addf %add3A_1465, %get3A_1469 : vector<16xf32>
    %swap3A_1471 = arith.constant 40 : i32
    %swap3A_1472 = arith.index_cast %swap3A_1471 : i32 to index
    %swap3A_1473 = arith.constant 16 : index
    %swap3A_1474 = tpu.vector_load %arg10[%swap3A_1472, %swap3A_1473] {strides = array<i32>} : memref<60x32xf32, #tpu.memory_space<vmem>>, vector<16xf32>,
    tpu.vector_store %arg10[%swap3A_1472, %swap3A_1473], %add3A_1470 {strides = array<i32>} : memref<60x32xf32, #tpu.memory_space<vmem>>, vector<16xf32>,
    %get3A_1475 = arith.constant 3 : i32
    %get3A_1476 = arith.index_cast %get3A_1475 : i32 to index
    %get3A_1477 = arith.constant 0 : index
    %get3A_1478 = tpu.vector_load %arg7[%get3A_1476, %get3A_1477] {strides = array<i32>} : memref<5x32xf32, #tpu.memory_space<vmem>>, vector<16xf32>,
    %get3A_1479 = arith.constant 2 : i32
    %get3A_1480 = arith.index_cast %get3A_1479 : i32 to index
    %get3A_1481 = arith.constant 0 : index
    %get3A_1482 = tpu.vector_load %arg8[%get3A_1480, %get3A_1481] {strides = array<i32>} : memref<6x32xf32, #tpu.memory_space<vmem>>, vector<16xf32>,
    %add3A_1483 = arith.addf %get3A_1478, %get3A_1482 : vector<16xf32>
    %get3A_1484 = arith.constant 1 : i32
    %get3A_1485 = arith.index_cast %get3A_1484 : i32 to index
    %get3A_1486 = arith.constant 0 : index
    %get3A_1487 = tpu.vector_load %arg9[%get3A_1485, %get3A_1486] {strides = array<i32>} : memref<2x32xf32, #tpu.memory_space<vmem>>, vector<16xf32>,
    %add3A_1488 = arith.addf %add3A_1483, %get3A_1487 : vector<16xf32>
    %swap3A_1489 = arith.constant 41 : i32
    %swap3A_1490 = arith.index_cast %swap3A_1489 : i32 to index
    %swap3A_1491 = arith.constant 0 : index
    %swap3A_1492 = tpu.vector_load %arg10[%swap3A_1490, %swap3A_1491] {strides = array<i32>} : memref<60x32xf32, #tpu.memory_space<vmem>>, vector<16xf32>,
    tpu.vector_store %arg10[%swap3A_1490, %swap3A_1491], %add3A_1488 {strides = array<i32>} : memref<60x32xf32, #tpu.memory_space<vmem>>, vector<16xf32>,
    %get3A_1493 = arith.constant 3 : i32
    %get3A_1494 = arith.index_cast %get3A_1493 : i32 to index
    %get3A_1495 = arith.constant 16 : index
    %get3A_1496 = tpu.vector_load %arg7[%get3A_1494, %get3A_1495] {strides = array<i32>} : memref<5x32xf32, #tpu.memory_space<vmem>>, vector<16xf32>,
    %get3A_1497 = arith.constant 2 : i32
    %get3A_1498 = arith.index_cast %get3A_1497 : i32 to index
    %get3A_1499 = arith.constant 16 : index
    %get3A_1500 = tpu.vector_load %arg8[%get3A_1498, %get3A_1499] {strides = array<i32>} : memref<6x32xf32, #tpu.memory_space<vmem>>, vector<16xf32>,
    %add3A_1501 = arith.addf %get3A_1496, %get3A_1500 : vector<16xf32>
    %get3A_1502 = arith.constant 1 : i32
    %get3A_1503 = arith.index_cast %get3A_1502 : i32 to index
    %get3A_1504 = arith.constant 16 : index
    %get3A_1505 = tpu.vector_load %arg9[%get3A_1503, %get3A_1504] {strides = array<i32>} : memref<2x32xf32, #tpu.memory_space<vmem>>, vector<16xf32>,
    %add3A_1506 = arith.addf %add3A_1501, %get3A_1505 : vector<16xf32>
    %swap3A_1507 = arith.constant 41 : i32
    %swap3A_1508 = arith.index_cast %swap3A_1507 : i32 to index
    %swap3A_1509 = arith.constant 16 : index
    %swap3A_1510 = tpu.vector_load %arg10[%swap3A_1508, %swap3A_1509] {strides = array<i32>} : memref<60x32xf32, #tpu.memory_space<vmem>>, vector<16xf32>,
    tpu.vector_store %arg10[%swap3A_1508, %swap3A_1509], %add3A_1506 {strides = array<i32>} : memref<60x32xf32, #tpu.memory_space<vmem>>, vector<16xf32>,
    %get3A_1511 = arith.constant 3 : i32
    %get3A_1512 = arith.index_cast %get3A_1511 : i32 to index
    %get3A_1513 = arith.constant 0 : index
    %get3A_1514 = tpu.vector_load %arg7[%get3A_1512, %get3A_1513] {strides = array<i32>} : memref<5x32xf32, #tpu.memory_space<vmem>>, vector<16xf32>,
    %get3A_1515 = arith.constant 3 : i32
    %get3A_1516 = arith.index_cast %get3A_1515 : i32 to index
    %get3A_1517 = arith.constant 0 : index
    %get3A_1518 = tpu.vector_load %arg8[%get3A_1516, %get3A_1517] {strides = array<i32>} : memref<6x32xf32, #tpu.memory_space<vmem>>, vector<16xf32>,
    %add3A_1519 = arith.addf %get3A_1514, %get3A_1518 : vector<16xf32>
    %get3A_1520 = arith.constant 0 : i32
    %get3A_1521 = arith.index_cast %get3A_1520 : i32 to index
    %get3A_1522 = arith.constant 0 : index
    %get3A_1523 = tpu.vector_load %arg9[%get3A_1521, %get3A_1522] {strides = array<i32>} : memref<2x32xf32, #tpu.memory_space<vmem>>, vector<16xf32>,
    %add3A_1524 = arith.addf %add3A_1519, %get3A_1523 : vector<16xf32>
    %swap3A_1525 = arith.constant 42 : i32
    %swap3A_1526 = arith.index_cast %swap3A_1525 : i32 to index
    %swap3A_1527 = arith.constant 0 : index
    %swap3A_1528 = tpu.vector_load %arg10[%swap3A_1526, %swap3A_1527] {strides = array<i32>} : memref<60x32xf32, #tpu.memory_space<vmem>>, vector<16xf32>,
    tpu.vector_store %arg10[%swap3A_1526, %swap3A_1527], %add3A_1524 {strides = array<i32>} : memref<60x32xf32, #tpu.memory_space<vmem>>, vector<16xf32>,
    %get3A_1529 = arith.constant 3 : i32
    %get3A_1530 = arith.index_cast %get3A_1529 : i32 to index
    %get3A_1531 = arith.constant 16 : index
    %get3A_1532 = tpu.vector_load %arg7[%get3A_1530, %get3A_1531] {strides = array<i32>} : memref<5x32xf32, #tpu.memory_space<vmem>>, vector<16xf32>,
    %get3A_1533 = arith.constant 3 : i32
    %get3A_1534 = arith.index_cast %get3A_1533 : i32 to index
    %get3A_1535 = arith.constant 16 : index
    %get3A_1536 = tpu.vector_load %arg8[%get3A_1534, %get3A_1535] {strides = array<i32>} : memref<6x32xf32, #tpu.memory_space<vmem>>, vector<16xf32>,
    %add3A_1537 = arith.addf %get3A_1532, %get3A_1536 : vector<16xf32>
    %get3A_1538 = arith.constant 0 : i32
    %get3A_1539 = arith.index_cast %get3A_1538 : i32 to index
    %get3A_1540 = arith.constant 16 : index
    %get3A_1541 = tpu.vector_load %arg9[%get3A_1539, %get3A_1540] {strides = array<i32>} : memref<2x32xf32, #tpu.memory_space<vmem>>, vector<16xf32>,
    %add3A_1542 = arith.addf %add3A_1537, %get3A_1541 : vector<16xf32>
    %swap3A_1543 = arith.constant 42 : i32
    %swap3A_1544 = arith.index_cast %swap3A_1543 : i32 to index
    %swap3A_1545 = arith.constant 16 : index
    %swap3A_1546 = tpu.vector_load %arg10[%swap3A_1544, %swap3A_1545] {strides = array<i32>} : memref<60x32xf32, #tpu.memory_space<vmem>>, vector<16xf32>,
    tpu.vector_store %arg10[%swap3A_1544, %swap3A_1545], %add3A_1542 {strides = array<i32>} : memref<60x32xf32, #tpu.memory_space<vmem>>, vector<16xf32>,
    %get3A_1547 = arith.constant 3 : i32
    %get3A_1548 = arith.index_cast %get3A_1547 : i32 to index
    %get3A_1549 = arith.constant 0 : index
    %get3A_1550 = tpu.vector_load %arg7[%get3A_1548, %get3A_1549] {strides = array<i32>} : memref<5x32xf32, #tpu.memory_space<vmem>>, vector<16xf32>,
    %get3A_1551 = arith.constant 3 : i32
    %get3A_1552 = arith.index_cast %get3A_1551 : i32 to index
    %get3A_1553 = arith.constant 0 : index
    %get3A_1554 = tpu.vector_load %arg8[%get3A_1552, %get3A_1553] {strides = array<i32>} : memref<6x32xf32, #tpu.memory_space<vmem>>, vector<16xf32>,
    %add3A_1555 = arith.addf %get3A_1550, %get3A_1554 : vector<16xf32>
    %get3A_1556 = arith.constant 1 : i32
    %get3A_1557 = arith.index_cast %get3A_1556 : i32 to index
    %get3A_1558 = arith.constant 0 : index
    %get3A_1559 = tpu.vector_load %arg9[%get3A_1557, %get3A_1558] {strides = array<i32>} : memref<2x32xf32, #tpu.memory_space<vmem>>, vector<16xf32>,
    %add3A_1560 = arith.addf %add3A_1555, %get3A_1559 : vector<16xf32>
    %swap3A_1561 = arith.constant 43 : i32
    %swap3A_1562 = arith.index_cast %swap3A_1561 : i32 to index
    %swap3A_1563 = arith.constant 0 : index
    %swap3A_1564 = tpu.vector_load %arg10[%swap3A_1562, %swap3A_1563] {strides = array<i32>} : memref<60x32xf32, #tpu.memory_space<vmem>>, vector<16xf32>,
    tpu.vector_store %arg10[%swap3A_1562, %swap3A_1563], %add3A_1560 {strides = array<i32>} : memref<60x32xf32, #tpu.memory_space<vmem>>, vector<16xf32>,
    %get3A_1565 = arith.constant 3 : i32
    %get3A_1566 = arith.index_cast %get3A_1565 : i32 to index
    %get3A_1567 = arith.constant 16 : index
    %get3A_1568 = tpu.vector_load %arg7[%get3A_1566, %get3A_1567] {strides = array<i32>} : memref<5x32xf32, #tpu.memory_space<vmem>>, vector<16xf32>,
    %get3A_1569 = arith.constant 3 : i32
    %get3A_1570 = arith.index_cast %get3A_1569 : i32 to index
    %get3A_1571 = arith.constant 16 : index
    %get3A_1572 = tpu.vector_load %arg8[%get3A_1570, %get3A_1571] {strides = array<i32>} : memref<6x32xf32, #tpu.memory_space<vmem>>, vector<16xf32>,
    %add3A_1573 = arith.addf %get3A_1568, %get3A_1572 : vector<16xf32>
    %get3A_1574 = arith.constant 1 : i32
    %get3A_1575 = arith.index_cast %get3A_1574 : i32 to index
    %get3A_1576 = arith.constant 16 : index
    %get3A_1577 = tpu.vector_load %arg9[%get3A_1575, %get3A_1576] {strides = array<i32>} : memref<2x32xf32, #tpu.memory_space<vmem>>, vector<16xf32>,
    %add3A_1578 = arith.addf %add3A_1573, %get3A_1577 : vector<16xf32>
    %swap3A_1579 = arith.constant 43 : i32
    %swap3A_1580 = arith.index_cast %swap3A_1579 : i32 to index
    %swap3A_1581 = arith.constant 16 : index
    %swap3A_1582 = tpu.vector_load %arg10[%swap3A_1580, %swap3A_1581] {strides = array<i32>} : memref<60x32xf32, #tpu.memory_space<vmem>>, vector<16xf32>,
    tpu.vector_store %arg10[%swap3A_1580, %swap3A_1581], %add3A_1578 {strides = array<i32>} : memref<60x32xf32, #tpu.memory_space<vmem>>, vector<16xf32>,
    %get3A_1583 = arith.constant 3 : i32
    %get3A_1584 = arith.index_cast %get3A_1583 : i32 to index
    %get3A_1585 = arith.constant 0 : index
    %get3A_1586 = tpu.vector_load %arg7[%get3A_1584, %get3A_1585] {strides = array<i32>} : memref<5x32xf32, #tpu.memory_space<vmem>>, vector<16xf32>,
    %get3A_1587 = arith.constant 4 : i32
    %get3A_1588 = arith.index_cast %get3A_1587 : i32 to index
    %get3A_1589 = arith.constant 0 : index
    %get3A_1590 = tpu.vector_load %arg8[%get3A_1588, %get3A_1589] {strides = array<i32>} : memref<6x32xf32, #tpu.memory_space<vmem>>, vector<16xf32>,
    %add3A_1591 = arith.addf %get3A_1586, %get3A_1590 : vector<16xf32>
    %get3A_1592 = arith.constant 0 : i32
    %get3A_1593 = arith.index_cast %get3A_1592 : i32 to index
    %get3A_1594 = arith.constant 0 : index
    %get3A_1595 = tpu.vector_load %arg9[%get3A_1593, %get3A_1594] {strides = array<i32>} : memref<2x32xf32, #tpu.memory_space<vmem>>, vector<16xf32>,
    %add3A_1596 = arith.addf %add3A_1591, %get3A_1595 : vector<16xf32>
    %swap3A_1597 = arith.constant 44 : i32
    %swap3A_1598 = arith.index_cast %swap3A_1597 : i32 to index
    %swap3A_1599 = arith.constant 0 : index
    %swap3A_1600 = tpu.vector_load %arg10[%swap3A_1598, %swap3A_1599] {strides = array<i32>} : memref<60x32xf32, #tpu.memory_space<vmem>>, vector<16xf32>,
    tpu.vector_store %arg10[%swap3A_1598, %swap3A_1599], %add3A_1596 {strides = array<i32>} : memref<60x32xf32, #tpu.memory_space<vmem>>, vector<16xf32>,
    %get3A_1601 = arith.constant 3 : i32
    %get3A_1602 = arith.index_cast %get3A_1601 : i32 to index
    %get3A_1603 = arith.constant 16 : index
    %get3A_1604 = tpu.vector_load %arg7[%get3A_1602, %get3A_1603] {strides = array<i32>} : memref<5x32xf32, #tpu.memory_space<vmem>>, vector<16xf32>,
    %get3A_1605 = arith.constant 4 : i32
    %get3A_1606 = arith.index_cast %get3A_1605 : i32 to index
    %get3A_1607 = arith.constant 16 : index
    %get3A_1608 = tpu.vector_load %arg8[%get3A_1606, %get3A_1607] {strides = array<i32>} : memref<6x32xf32, #tpu.memory_space<vmem>>, vector<16xf32>,
    %add3A_1609 = arith.addf %get3A_1604, %get3A_1608 : vector<16xf32>
    %get3A_1610 = arith.constant 0 : i32
    %get3A_1611 = arith.index_cast %get3A_1610 : i32 to index
    %get3A_1612 = arith.constant 16 : index
    %get3A_1613 = tpu.vector_load %arg9[%get3A_1611, %get3A_1612] {strides = array<i32>} : memref<2x32xf32, #tpu.memory_space<vmem>>, vector<16xf32>,
    %add3A_1614 = arith.addf %add3A_1609, %get3A_1613 : vector<16xf32>
    %swap3A_1615 = arith.constant 44 : i32
    %swap3A_1616 = arith.index_cast %swap3A_1615 : i32 to index
    %swap3A_1617 = arith.constant 16 : index
    %swap3A_1618 = tpu.vector_load %arg10[%swap3A_1616, %swap3A_1617] {strides = array<i32>} : memref<60x32xf32, #tpu.memory_space<vmem>>, vector<16xf32>,
    tpu.vector_store %arg10[%swap3A_1616, %swap3A_1617], %add3A_1614 {strides = array<i32>} : memref<60x32xf32, #tpu.memory_space<vmem>>, vector<16xf32>,
    %get3A_1619 = arith.constant 3 : i32
    %get3A_1620 = arith.index_cast %get3A_1619 : i32 to index
    %get3A_1621 = arith.constant 0 : index
    %get3A_1622 = tpu.vector_load %arg7[%get3A_1620, %get3A_1621] {strides = array<i32>} : memref<5x32xf32, #tpu.memory_space<vmem>>, vector<16xf32>,
    %get3A_1623 = arith.constant 4 : i32
    %get3A_1624 = arith.index_cast %get3A_1623 : i32 to index
    %get3A_1625 = arith.constant 0 : index
    %get3A_1626 = tpu.vector_load %arg8[%get3A_1624, %get3A_1625] {strides = array<i32>} : memref<6x32xf32, #tpu.memory_space<vmem>>, vector<16xf32>,
    %add3A_1627 = arith.addf %get3A_1622, %get3A_1626 : vector<16xf32>
    %get3A_1628 = arith.constant 1 : i32
    %get3A_1629 = arith.index_cast %get3A_1628 : i32 to index
    %get3A_1630 = arith.constant 0 : index
    %get3A_1631 = tpu.vector_load %arg9[%get3A_1629, %get3A_1630] {strides = array<i32>} : memref<2x32xf32, #tpu.memory_space<vmem>>, vector<16xf32>,
    %add3A_1632 = arith.addf %add3A_1627, %get3A_1631 : vector<16xf32>
    %swap3A_1633 = arith.constant 45 : i32
    %swap3A_1634 = arith.index_cast %swap3A_1633 : i32 to index
    %swap3A_1635 = arith.constant 0 : index
    %swap3A_1636 = tpu.vector_load %arg10[%swap3A_1634, %swap3A_1635] {strides = array<i32>} : memref<60x32xf32, #tpu.memory_space<vmem>>, vector<16xf32>,
    tpu.vector_store %arg10[%swap3A_1634, %swap3A_1635], %add3A_1632 {strides = array<i32>} : memref<60x32xf32, #tpu.memory_space<vmem>>, vector<16xf32>,
    %get3A_1637 = arith.constant 3 : i32
    %get3A_1638 = arith.index_cast %get3A_1637 : i32 to index
    %get3A_1639 = arith.constant 16 : index
    %get3A_1640 = tpu.vector_load %arg7[%get3A_1638, %get3A_1639] {strides = array<i32>} : memref<5x32xf32, #tpu.memory_space<vmem>>, vector<16xf32>,
    %get3A_1641 = arith.constant 4 : i32
    %get3A_1642 = arith.index_cast %get3A_1641 : i32 to index
    %get3A_1643 = arith.constant 16 : index
    %get3A_1644 = tpu.vector_load %arg8[%get3A_1642, %get3A_1643] {strides = array<i32>} : memref<6x32xf32, #tpu.memory_space<vmem>>, vector<16xf32>,
    %add3A_1645 = arith.addf %get3A_1640, %get3A_1644 : vector<16xf32>
    %get3A_1646 = arith.constant 1 : i32
    %get3A_1647 = arith.index_cast %get3A_1646 : i32 to index
    %get3A_1648 = arith.constant 16 : index
    %get3A_1649 = tpu.vector_load %arg9[%get3A_1647, %get3A_1648] {strides = array<i32>} : memref<2x32xf32, #tpu.memory_space<vmem>>, vector<16xf32>,
    %add3A_1650 = arith.addf %add3A_1645, %get3A_1649 : vector<16xf32>
    %swap3A_1651 = arith.constant 45 : i32
    %swap3A_1652 = arith.index_cast %swap3A_1651 : i32 to index
    %swap3A_1653 = arith.constant 16 : index
    %swap3A_1654 = tpu.vector_load %arg10[%swap3A_1652, %swap3A_1653] {strides = array<i32>} : memref<60x32xf32, #tpu.memory_space<vmem>>, vector<16xf32>,
    tpu.vector_store %arg10[%swap3A_1652, %swap3A_1653], %add3A_1650 {strides = array<i32>} : memref<60x32xf32, #tpu.memory_space<vmem>>, vector<16xf32>,
    %get3A_1655 = arith.constant 3 : i32
    %get3A_1656 = arith.index_cast %get3A_1655 : i32 to index
    %get3A_1657 = arith.constant 0 : index
    %get3A_1658 = tpu.vector_load %arg7[%get3A_1656, %get3A_1657] {strides = array<i32>} : memref<5x32xf32, #tpu.memory_space<vmem>>, vector<16xf32>,
    %get3A_1659 = arith.constant 5 : i32
    %get3A_1660 = arith.index_cast %get3A_1659 : i32 to index
    %get3A_1661 = arith.constant 0 : index
    %get3A_1662 = tpu.vector_load %arg8[%get3A_1660, %get3A_1661] {strides = array<i32>} : memref<6x32xf32, #tpu.memory_space<vmem>>, vector<16xf32>,
    %add3A_1663 = arith.addf %get3A_1658, %get3A_1662 : vector<16xf32>
    %get3A_1664 = arith.constant 0 : i32
    %get3A_1665 = arith.index_cast %get3A_1664 : i32 to index
    %get3A_1666 = arith.constant 0 : index
    %get3A_1667 = tpu.vector_load %arg9[%get3A_1665, %get3A_1666] {strides = array<i32>} : memref<2x32xf32, #tpu.memory_space<vmem>>, vector<16xf32>,
    %add3A_1668 = arith.addf %add3A_1663, %get3A_1667 : vector<16xf32>
    %swap3A_1669 = arith.constant 46 : i32
    %swap3A_1670 = arith.index_cast %swap3A_1669 : i32 to index
    %swap3A_1671 = arith.constant 0 : index
    %swap3A_1672 = tpu.vector_load %arg10[%swap3A_1670, %swap3A_1671] {strides = array<i32>} : memref<60x32xf32, #tpu.memory_space<vmem>>, vector<16xf32>,
    tpu.vector_store %arg10[%swap3A_1670, %swap3A_1671], %add3A_1668 {strides = array<i32>} : memref<60x32xf32, #tpu.memory_space<vmem>>, vector<16xf32>,
    %get3A_1673 = arith.constant 3 : i32
    %get3A_1674 = arith.index_cast %get3A_1673 : i32 to index
    %get3A_1675 = arith.constant 16 : index
    %get3A_1676 = tpu.vector_load %arg7[%get3A_1674, %get3A_1675] {strides = array<i32>} : memref<5x32xf32, #tpu.memory_space<vmem>>, vector<16xf32>,
    %get3A_1677 = arith.constant 5 : i32
    %get3A_1678 = arith.index_cast %get3A_1677 : i32 to index
    %get3A_1679 = arith.constant 16 : index
    %get3A_1680 = tpu.vector_load %arg8[%get3A_1678, %get3A_1679] {strides = array<i32>} : memref<6x32xf32, #tpu.memory_space<vmem>>, vector<16xf32>,
    %add3A_1681 = arith.addf %get3A_1676, %get3A_1680 : vector<16xf32>
    %get3A_1682 = arith.constant 0 : i32
    %get3A_1683 = arith.index_cast %get3A_1682 : i32 to index
    %get3A_1684 = arith.constant 16 : index
    %get3A_1685 = tpu.vector_load %arg9[%get3A_1683, %get3A_1684] {strides = array<i32>} : memref<2x32xf32, #tpu.memory_space<vmem>>, vector<16xf32>,
    %add3A_1686 = arith.addf %add3A_1681, %get3A_1685 : vector<16xf32>
    %swap3A_1687 = arith.constant 46 : i32
    %swap3A_1688 = arith.index_cast %swap3A_1687 : i32 to index
    %swap3A_1689 = arith.constant 16 : index
    %swap3A_1690 = tpu.vector_load %arg10[%swap3A_1688, %swap3A_1689] {strides = array<i32>} : memref<60x32xf32, #tpu.memory_space<vmem>>, vector<16xf32>,
    tpu.vector_store %arg10[%swap3A_1688, %swap3A_1689], %add3A_1686 {strides = array<i32>} : memref<60x32xf32, #tpu.memory_space<vmem>>, vector<16xf32>,
    %get3A_1691 = arith.constant 3 : i32
    %get3A_1692 = arith.index_cast %get3A_1691 : i32 to index
    %get3A_1693 = arith.constant 0 : index
    %get3A_1694 = tpu.vector_load %arg7[%get3A_1692, %get3A_1693] {strides = array<i32>} : memref<5x32xf32, #tpu.memory_space<vmem>>, vector<16xf32>,
    %get3A_1695 = arith.constant 5 : i32
    %get3A_1696 = arith.index_cast %get3A_1695 : i32 to index
    %get3A_1697 = arith.constant 0 : index
    %get3A_1698 = tpu.vector_load %arg8[%get3A_1696, %get3A_1697] {strides = array<i32>} : memref<6x32xf32, #tpu.memory_space<vmem>>, vector<16xf32>,
    %add3A_1699 = arith.addf %get3A_1694, %get3A_1698 : vector<16xf32>
    %get3A_1700 = arith.constant 1 : i32
    %get3A_1701 = arith.index_cast %get3A_1700 : i32 to index
    %get3A_1702 = arith.constant 0 : index
    %get3A_1703 = tpu.vector_load %arg9[%get3A_1701, %get3A_1702] {strides = array<i32>} : memref<2x32xf32, #tpu.memory_space<vmem>>, vector<16xf32>,
    %add3A_1704 = arith.addf %add3A_1699, %get3A_1703 : vector<16xf32>
    %swap3A_1705 = arith.constant 47 : i32
    %swap3A_1706 = arith.index_cast %swap3A_1705 : i32 to index
    %swap3A_1707 = arith.constant 0 : index
    %swap3A_1708 = tpu.vector_load %arg10[%swap3A_1706, %swap3A_1707] {strides = array<i32>} : memref<60x32xf32, #tpu.memory_space<vmem>>, vector<16xf32>,
    tpu.vector_store %arg10[%swap3A_1706, %swap3A_1707], %add3A_1704 {strides = array<i32>} : memref<60x32xf32, #tpu.memory_space<vmem>>, vector<16xf32>,
    %get3A_1709 = arith.constant 3 : i32
    %get3A_1710 = arith.index_cast %get3A_1709 : i32 to index
    %get3A_1711 = arith.constant 16 : index
    %get3A_1712 = tpu.vector_load %arg7[%get3A_1710, %get3A_1711] {strides = array<i32>} : memref<5x32xf32, #tpu.memory_space<vmem>>, vector<16xf32>,
    %get3A_1713 = arith.constant 5 : i32
    %get3A_1714 = arith.index_cast %get3A_1713 : i32 to index
    %get3A_1715 = arith.constant 16 : index
    %get3A_1716 = tpu.vector_load %arg8[%get3A_1714, %get3A_1715] {strides = array<i32>} : memref<6x32xf32, #tpu.memory_space<vmem>>, vector<16xf32>,
    %add3A_1717 = arith.addf %get3A_1712, %get3A_1716 : vector<16xf32>
    %get3A_1718 = arith.constant 1 : i32
    %get3A_1719 = arith.index_cast %get3A_1718 : i32 to index
    %get3A_1720 = arith.constant 16 : index
    %get3A_1721 = tpu.vector_load %arg9[%get3A_1719, %get3A_1720] {strides = array<i32>} : memref<2x32xf32, #tpu.memory_space<vmem>>, vector<16xf32>,
    %add3A_1722 = arith.addf %add3A_1717, %get3A_1721 : vector<16xf32>
    %swap3A_1723 = arith.constant 47 : i32
    %swap3A_1724 = arith.index_cast %swap3A_1723 : i32 to index
    %swap3A_1725 = arith.constant 16 : index
    %swap3A_1726 = tpu.vector_load %arg10[%swap3A_1724, %swap3A_1725] {strides = array<i32>} : memref<60x32xf32, #tpu.memory_space<vmem>>, vector<16xf32>,
    tpu.vector_store %arg10[%swap3A_1724, %swap3A_1725], %add3A_1722 {strides = array<i32>} : memref<60x32xf32, #tpu.memory_space<vmem>>, vector<16xf32>,
    %get3A_1727 = arith.constant 4 : i32
    %get3A_1728 = arith.index_cast %get3A_1727 : i32 to index
    %get3A_1729 = arith.constant 0 : index
    %get3A_1730 = tpu.vector_load %arg7[%get3A_1728, %get3A_1729] {strides = array<i32>} : memref<5x32xf32, #tpu.memory_space<vmem>>, vector<16xf32>,
    %get3A_1731 = arith.constant 0 : i32
    %get3A_1732 = arith.index_cast %get3A_1731 : i32 to index
    %get3A_1733 = arith.constant 0 : index
    %get3A_1734 = tpu.vector_load %arg8[%get3A_1732, %get3A_1733] {strides = array<i32>} : memref<6x32xf32, #tpu.memory_space<vmem>>, vector<16xf32>,
    %add3A_1735 = arith.addf %get3A_1730, %get3A_1734 : vector<16xf32>
    %get3A_1736 = arith.constant 0 : i32
    %get3A_1737 = arith.index_cast %get3A_1736 : i32 to index
    %get3A_1738 = arith.constant 0 : index
    %get3A_1739 = tpu.vector_load %arg9[%get3A_1737, %get3A_1738] {strides = array<i32>} : memref<2x32xf32, #tpu.memory_space<vmem>>, vector<16xf32>,
    %add3A_1740 = arith.addf %add3A_1735, %get3A_1739 : vector<16xf32>
    %swap3A_1741 = arith.constant 48 : i32
    %swap3A_1742 = arith.index_cast %swap3A_1741 : i32 to index
    %swap3A_1743 = arith.constant 0 : index
    %swap3A_1744 = tpu.vector_load %arg10[%swap3A_1742, %swap3A_1743] {strides = array<i32>} : memref<60x32xf32, #tpu.memory_space<vmem>>, vector<16xf32>,
    tpu.vector_store %arg10[%swap3A_1742, %swap3A_1743], %add3A_1740 {strides = array<i32>} : memref<60x32xf32, #tpu.memory_space<vmem>>, vector<16xf32>,
    %get3A_1745 = arith.constant 4 : i32
    %get3A_1746 = arith.index_cast %get3A_1745 : i32 to index
    %get3A_1747 = arith.constant 16 : index
    %get3A_1748 = tpu.vector_load %arg7[%get3A_1746, %get3A_1747] {strides = array<i32>} : memref<5x32xf32, #tpu.memory_space<vmem>>, vector<16xf32>,
    %get3A_1749 = arith.constant 0 : i32
    %get3A_1750 = arith.index_cast %get3A_1749 : i32 to index
    %get3A_1751 = arith.constant 16 : index
    %get3A_1752 = tpu.vector_load %arg8[%get3A_1750, %get3A_1751] {strides = array<i32>} : memref<6x32xf32, #tpu.memory_space<vmem>>, vector<16xf32>,
    %add3A_1753 = arith.addf %get3A_1748, %get3A_1752 : vector<16xf32>
    %get3A_1754 = arith.constant 0 : i32
    %get3A_1755 = arith.index_cast %get3A_1754 : i32 to index
    %get3A_1756 = arith.constant 16 : index
    %get3A_1757 = tpu.vector_load %arg9[%get3A_1755, %get3A_1756] {strides = array<i32>} : memref<2x32xf32, #tpu.memory_space<vmem>>, vector<16xf32>,
    %add3A_1758 = arith.addf %add3A_1753, %get3A_1757 : vector<16xf32>
    %swap3A_1759 = arith.constant 48 : i32
    %swap3A_1760 = arith.index_cast %swap3A_1759 : i32 to index
    %swap3A_1761 = arith.constant 16 : index
    %swap3A_1762 = tpu.vector_load %arg10[%swap3A_1760, %swap3A_1761] {strides = array<i32>} : memref<60x32xf32, #tpu.memory_space<vmem>>, vector<16xf32>,
    tpu.vector_store %arg10[%swap3A_1760, %swap3A_1761], %add3A_1758 {strides = array<i32>} : memref<60x32xf32, #tpu.memory_space<vmem>>, vector<16xf32>,
    %get3A_1763 = arith.constant 4 : i32
    %get3A_1764 = arith.index_cast %get3A_1763 : i32 to index
    %get3A_1765 = arith.constant 0 : index
    %get3A_1766 = tpu.vector_load %arg7[%get3A_1764, %get3A_1765] {strides = array<i32>} : memref<5x32xf32, #tpu.memory_space<vmem>>, vector<16xf32>,
    %get3A_1767 = arith.constant 0 : i32
    %get3A_1768 = arith.index_cast %get3A_1767 : i32 to index
    %get3A_1769 = arith.constant 0 : index
    %get3A_1770 = tpu.vector_load %arg8[%get3A_1768, %get3A_1769] {strides = array<i32>} : memref<6x32xf32, #tpu.memory_space<vmem>>, vector<16xf32>,
    %add3A_1771 = arith.addf %get3A_1766, %get3A_1770 : vector<16xf32>
    %get3A_1772 = arith.constant 1 : i32
    %get3A_1773 = arith.index_cast %get3A_1772 : i32 to index
    %get3A_1774 = arith.constant 0 : index
    %get3A_1775 = tpu.vector_load %arg9[%get3A_1773, %get3A_1774] {strides = array<i32>} : memref<2x32xf32, #tpu.memory_space<vmem>>, vector<16xf32>,
    %add3A_1776 = arith.addf %add3A_1771, %get3A_1775 : vector<16xf32>
    %swap3A_1777 = arith.constant 49 : i32
    %swap3A_1778 = arith.index_cast %swap3A_1777 : i32 to index
    %swap3A_1779 = arith.constant 0 : index
    %swap3A_1780 = tpu.vector_load %arg10[%swap3A_1778, %swap3A_1779] {strides = array<i32>} : memref<60x32xf32, #tpu.memory_space<vmem>>, vector<16xf32>,
    tpu.vector_store %arg10[%swap3A_1778, %swap3A_1779], %add3A_1776 {strides = array<i32>} : memref<60x32xf32, #tpu.memory_space<vmem>>, vector<16xf32>,
    %get3A_1781 = arith.constant 4 : i32
    %get3A_1782 = arith.index_cast %get3A_1781 : i32 to index
    %get3A_1783 = arith.constant 16 : index
    %get3A_1784 = tpu.vector_load %arg7[%get3A_1782, %get3A_1783] {strides = array<i32>} : memref<5x32xf32, #tpu.memory_space<vmem>>, vector<16xf32>,
    %get3A_1785 = arith.constant 0 : i32
    %get3A_1786 = arith.index_cast %get3A_1785 : i32 to index
    %get3A_1787 = arith.constant 16 : index
    %get3A_1788 = tpu.vector_load %arg8[%get3A_1786, %get3A_1787] {strides = array<i32>} : memref<6x32xf32, #tpu.memory_space<vmem>>, vector<16xf32>,
    %add3A_1789 = arith.addf %get3A_1784, %get3A_1788 : vector<16xf32>
    %get3A_1790 = arith.constant 1 : i32
    %get3A_1791 = arith.index_cast %get3A_1790 : i32 to index
    %get3A_1792 = arith.constant 16 : index
    %get3A_1793 = tpu.vector_load %arg9[%get3A_1791, %get3A_1792] {strides = array<i32>} : memref<2x32xf32, #tpu.memory_space<vmem>>, vector<16xf32>,
    %add3A_1794 = arith.addf %add3A_1789, %get3A_1793 : vector<16xf32>
    %swap3A_1795 = arith.constant 49 : i32
    %swap3A_1796 = arith.index_cast %swap3A_1795 : i32 to index
    %swap3A_1797 = arith.constant 16 : index
    %swap3A_1798 = tpu.vector_load %arg10[%swap3A_1796, %swap3A_1797] {strides = array<i32>} : memref<60x32xf32, #tpu.memory_space<vmem>>, vector<16xf32>,
    tpu.vector_store %arg10[%swap3A_1796, %swap3A_1797], %add3A_1794 {strides = array<i32>} : memref<60x32xf32, #tpu.memory_space<vmem>>, vector<16xf32>,
    %get3A_1799 = arith.constant 4 : i32
    %get3A_1800 = arith.index_cast %get3A_1799 : i32 to index
    %get3A_1801 = arith.constant 0 : index
    %get3A_1802 = tpu.vector_load %arg7[%get3A_1800, %get3A_1801] {strides = array<i32>} : memref<5x32xf32, #tpu.memory_space<vmem>>, vector<16xf32>,
    %get3A_1803 = arith.constant 1 : i32
    %get3A_1804 = arith.index_cast %get3A_1803 : i32 to index
    %get3A_1805 = arith.constant 0 : index
    %get3A_1806 = tpu.vector_load %arg8[%get3A_1804, %get3A_1805] {strides = array<i32>} : memref<6x32xf32, #tpu.memory_space<vmem>>, vector<16xf32>,
    %add3A_1807 = arith.addf %get3A_1802, %get3A_1806 : vector<16xf32>
    %get3A_1808 = arith.constant 0 : i32
    %get3A_1809 = arith.index_cast %get3A_1808 : i32 to index
    %get3A_1810 = arith.constant 0 : index
    %get3A_1811 = tpu.vector_load %arg9[%get3A_1809, %get3A_1810] {strides = array<i32>} : memref<2x32xf32, #tpu.memory_space<vmem>>, vector<16xf32>,
    %add3A_1812 = arith.addf %add3A_1807, %get3A_1811 : vector<16xf32>
    %swap3A_1813 = arith.constant 50 : i32
    %swap3A_1814 = arith.index_cast %swap3A_1813 : i32 to index
    %swap3A_1815 = arith.constant 0 : index
    %swap3A_1816 = tpu.vector_load %arg10[%swap3A_1814, %swap3A_1815] {strides = array<i32>} : memref<60x32xf32, #tpu.memory_space<vmem>>, vector<16xf32>,
    tpu.vector_store %arg10[%swap3A_1814, %swap3A_1815], %add3A_1812 {strides = array<i32>} : memref<60x32xf32, #tpu.memory_space<vmem>>, vector<16xf32>,
    %get3A_1817 = arith.constant 4 : i32
    %get3A_1818 = arith.index_cast %get3A_1817 : i32 to index
    %get3A_1819 = arith.constant 16 : index
    %get3A_1820 = tpu.vector_load %arg7[%get3A_1818, %get3A_1819] {strides = array<i32>} : memref<5x32xf32, #tpu.memory_space<vmem>>, vector<16xf32>,
    %get3A_1821 = arith.constant 1 : i32
    %get3A_1822 = arith.index_cast %get3A_1821 : i32 to index
    %get3A_1823 = arith.constant 16 : index
    %get3A_1824 = tpu.vector_load %arg8[%get3A_1822, %get3A_1823] {strides = array<i32>} : memref<6x32xf32, #tpu.memory_space<vmem>>, vector<16xf32>,
    %add3A_1825 = arith.addf %get3A_1820, %get3A_1824 : vector<16xf32>
    %get3A_1826 = arith.constant 0 : i32
    %get3A_1827 = arith.index_cast %get3A_1826 : i32 to index
    %get3A_1828 = arith.constant 16 : index
    %get3A_1829 = tpu.vector_load %arg9[%get3A_1827, %get3A_1828] {strides = array<i32>} : memref<2x32xf32, #tpu.memory_space<vmem>>, vector<16xf32>,
    %add3A_1830 = arith.addf %add3A_1825, %get3A_1829 : vector<16xf32>
    %swap3A_1831 = arith.constant 50 : i32
    %swap3A_1832 = arith.index_cast %swap3A_1831 : i32 to index
    %swap3A_1833 = arith.constant 16 : index
    %swap3A_1834 = tpu.vector_load %arg10[%swap3A_1832, %swap3A_1833] {strides = array<i32>} : memref<60x32xf32, #tpu.memory_space<vmem>>, vector<16xf32>,
    tpu.vector_store %arg10[%swap3A_1832, %swap3A_1833], %add3A_1830 {strides = array<i32>} : memref<60x32xf32, #tpu.memory_space<vmem>>, vector<16xf32>,
    %get3A_1835 = arith.constant 4 : i32
    %get3A_1836 = arith.index_cast %get3A_1835 : i32 to index
    %get3A_1837 = arith.constant 0 : index
    %get3A_1838 = tpu.vector_load %arg7[%get3A_1836, %get3A_1837] {strides = array<i32>} : memref<5x32xf32, #tpu.memory_space<vmem>>, vector<16xf32>,
    %get3A_1839 = arith.constant 1 : i32
    %get3A_1840 = arith.index_cast %get3A_1839 : i32 to index
    %get3A_1841 = arith.constant 0 : index
    %get3A_1842 = tpu.vector_load %arg8[%get3A_1840, %get3A_1841] {strides = array<i32>} : memref<6x32xf32, #tpu.memory_space<vmem>>, vector<16xf32>,
    %add3A_1843 = arith.addf %get3A_1838, %get3A_1842 : vector<16xf32>
    %get3A_1844 = arith.constant 1 : i32
    %get3A_1845 = arith.index_cast %get3A_1844 : i32 to index
    %get3A_1846 = arith.constant 0 : index
    %get3A_1847 = tpu.vector_load %arg9[%get3A_1845, %get3A_1846] {strides = array<i32>} : memref<2x32xf32, #tpu.memory_space<vmem>>, vector<16xf32>,
    %add3A_1848 = arith.addf %add3A_1843, %get3A_1847 : vector<16xf32>
    %swap3A_1849 = arith.constant 51 : i32
    %swap3A_1850 = arith.index_cast %swap3A_1849 : i32 to index
    %swap3A_1851 = arith.constant 0 : index
    %swap3A_1852 = tpu.vector_load %arg10[%swap3A_1850, %swap3A_1851] {strides = array<i32>} : memref<60x32xf32, #tpu.memory_space<vmem>>, vector<16xf32>,
    tpu.vector_store %arg10[%swap3A_1850, %swap3A_1851], %add3A_1848 {strides = array<i32>} : memref<60x32xf32, #tpu.memory_space<vmem>>, vector<16xf32>,
    %get3A_1853 = arith.constant 4 : i32
    %get3A_1854 = arith.index_cast %get3A_1853 : i32 to index
    %get3A_1855 = arith.constant 16 : index
    %get3A_1856 = tpu.vector_load %arg7[%get3A_1854, %get3A_1855] {strides = array<i32>} : memref<5x32xf32, #tpu.memory_space<vmem>>, vector<16xf32>,
    %get3A_1857 = arith.constant 1 : i32
    %get3A_1858 = arith.index_cast %get3A_1857 : i32 to index
    %get3A_1859 = arith.constant 16 : index
    %get3A_1860 = tpu.vector_load %arg8[%get3A_1858, %get3A_1859] {strides = array<i32>} : memref<6x32xf32, #tpu.memory_space<vmem>>, vector<16xf32>,
    %add3A_1861 = arith.addf %get3A_1856, %get3A_1860 : vector<16xf32>
    %get3A_1862 = arith.constant 1 : i32
    %get3A_1863 = arith.index_cast %get3A_1862 : i32 to index
    %get3A_1864 = arith.constant 16 : index
    %get3A_1865 = tpu.vector_load %arg9[%get3A_1863, %get3A_1864] {strides = array<i32>} : memref<2x32xf32, #tpu.memory_space<vmem>>, vector<16xf32>,
    %add3A_1866 = arith.addf %add3A_1861, %get3A_1865 : vector<16xf32>
    %swap3A_1867 = arith.constant 51 : i32
    %swap3A_1868 = arith.index_cast %swap3A_1867 : i32 to index
    %swap3A_1869 = arith.constant 16 : index
    %swap3A_1870 = tpu.vector_load %arg10[%swap3A_1868, %swap3A_1869] {strides = array<i32>} : memref<60x32xf32, #tpu.memory_space<vmem>>, vector<16xf32>,
    tpu.vector_store %arg10[%swap3A_1868, %swap3A_1869], %add3A_1866 {strides = array<i32>} : memref<60x32xf32, #tpu.memory_space<vmem>>, vector<16xf32>,
    %get3A_1871 = arith.constant 4 : i32
    %get3A_1872 = arith.index_cast %get3A_1871 : i32 to index
    %get3A_1873 = arith.constant 0 : index
    %get3A_1874 = tpu.vector_load %arg7[%get3A_1872, %get3A_1873] {strides = array<i32>} : memref<5x32xf32, #tpu.memory_space<vmem>>, vector<16xf32>,
    %get3A_1875 = arith.constant 2 : i32
    %get3A_1876 = arith.index_cast %get3A_1875 : i32 to index
    %get3A_1877 = arith.constant 0 : index
    %get3A_1878 = tpu.vector_load %arg8[%get3A_1876, %get3A_1877] {strides = array<i32>} : memref<6x32xf32, #tpu.memory_space<vmem>>, vector<16xf32>,
    %add3A_1879 = arith.addf %get3A_1874, %get3A_1878 : vector<16xf32>
    %get3A_1880 = arith.constant 0 : i32
    %get3A_1881 = arith.index_cast %get3A_1880 : i32 to index
    %get3A_1882 = arith.constant 0 : index
    %get3A_1883 = tpu.vector_load %arg9[%get3A_1881, %get3A_1882] {strides = array<i32>} : memref<2x32xf32, #tpu.memory_space<vmem>>, vector<16xf32>,
    %add3A_1884 = arith.addf %add3A_1879, %get3A_1883 : vector<16xf32>
    %swap3A_1885 = arith.constant 52 : i32
    %swap3A_1886 = arith.index_cast %swap3A_1885 : i32 to index
    %swap3A_1887 = arith.constant 0 : index
    %swap3A_1888 = tpu.vector_load %arg10[%swap3A_1886, %swap3A_1887] {strides = array<i32>} : memref<60x32xf32, #tpu.memory_space<vmem>>, vector<16xf32>,
    tpu.vector_store %arg10[%swap3A_1886, %swap3A_1887], %add3A_1884 {strides = array<i32>} : memref<60x32xf32, #tpu.memory_space<vmem>>, vector<16xf32>,
    %get3A_1889 = arith.constant 4 : i32
    %get3A_1890 = arith.index_cast %get3A_1889 : i32 to index
    %get3A_1891 = arith.constant 16 : index
    %get3A_1892 = tpu.vector_load %arg7[%get3A_1890, %get3A_1891] {strides = array<i32>} : memref<5x32xf32, #tpu.memory_space<vmem>>, vector<16xf32>,
    %get3A_1893 = arith.constant 2 : i32
    %get3A_1894 = arith.index_cast %get3A_1893 : i32 to index
    %get3A_1895 = arith.constant 16 : index
    %get3A_1896 = tpu.vector_load %arg8[%get3A_1894, %get3A_1895] {strides = array<i32>} : memref<6x32xf32, #tpu.memory_space<vmem>>, vector<16xf32>,
    %add3A_1897 = arith.addf %get3A_1892, %get3A_1896 : vector<16xf32>
    %get3A_1898 = arith.constant 0 : i32
    %get3A_1899 = arith.index_cast %get3A_1898 : i32 to index
    %get3A_1900 = arith.constant 16 : index
    %get3A_1901 = tpu.vector_load %arg9[%get3A_1899, %get3A_1900] {strides = array<i32>} : memref<2x32xf32, #tpu.memory_space<vmem>>, vector<16xf32>,
    %add3A_1902 = arith.addf %add3A_1897, %get3A_1901 : vector<16xf32>
    %swap3A_1903 = arith.constant 52 : i32
    %swap3A_1904 = arith.index_cast %swap3A_1903 : i32 to index
    %swap3A_1905 = arith.constant 16 : index
    %swap3A_1906 = tpu.vector_load %arg10[%swap3A_1904, %swap3A_1905] {strides = array<i32>} : memref<60x32xf32, #tpu.memory_space<vmem>>, vector<16xf32>,
    tpu.vector_store %arg10[%swap3A_1904, %swap3A_1905], %add3A_1902 {strides = array<i32>} : memref<60x32xf32, #tpu.memory_space<vmem>>, vector<16xf32>,
    %get3A_1907 = arith.constant 4 : i32
    %get3A_1908 = arith.index_cast %get3A_1907 : i32 to index
    %get3A_1909 = arith.constant 0 : index
    %get3A_1910 = tpu.vector_load %arg7[%get3A_1908, %get3A_1909] {strides = array<i32>} : memref<5x32xf32, #tpu.memory_space<vmem>>, vector<16xf32>,
    %get3A_1911 = arith.constant 2 : i32
    %get3A_1912 = arith.index_cast %get3A_1911 : i32 to index
    %get3A_1913 = arith.constant 0 : index
    %get3A_1914 = tpu.vector_load %arg8[%get3A_1912, %get3A_1913] {strides = array<i32>} : memref<6x32xf32, #tpu.memory_space<vmem>>, vector<16xf32>,
    %add3A_1915 = arith.addf %get3A_1910, %get3A_1914 : vector<16xf32>
    %get3A_1916 = arith.constant 1 : i32
    %get3A_1917 = arith.index_cast %get3A_1916 : i32 to index
    %get3A_1918 = arith.constant 0 : index
    %get3A_1919 = tpu.vector_load %arg9[%get3A_1917, %get3A_1918] {strides = array<i32>} : memref<2x32xf32, #tpu.memory_space<vmem>>, vector<16xf32>,
    %add3A_1920 = arith.addf %add3A_1915, %get3A_1919 : vector<16xf32>
    %swap3A_1921 = arith.constant 53 : i32
    %swap3A_1922 = arith.index_cast %swap3A_1921 : i32 to index
    %swap3A_1923 = arith.constant 0 : index
    %swap3A_1924 = tpu.vector_load %arg10[%swap3A_1922, %swap3A_1923] {strides = array<i32>} : memref<60x32xf32, #tpu.memory_space<vmem>>, vector<16xf32>,
    tpu.vector_store %arg10[%swap3A_1922, %swap3A_1923], %add3A_1920 {strides = array<i32>} : memref<60x32xf32, #tpu.memory_space<vmem>>, vector<16xf32>,
    %get3A_1925 = arith.constant 4 : i32
    %get3A_1926 = arith.index_cast %get3A_1925 : i32 to index
    %get3A_1927 = arith.constant 16 : index
    %get3A_1928 = tpu.vector_load %arg7[%get3A_1926, %get3A_1927] {strides = array<i32>} : memref<5x32xf32, #tpu.memory_space<vmem>>, vector<16xf32>,
    %get3A_1929 = arith.constant 2 : i32
    %get3A_1930 = arith.index_cast %get3A_1929 : i32 to index
    %get3A_1931 = arith.constant 16 : index
    %get3A_1932 = tpu.vector_load %arg8[%get3A_1930, %get3A_1931] {strides = array<i32>} : memref<6x32xf32, #tpu.memory_space<vmem>>, vector<16xf32>,
    %add3A_1933 = arith.addf %get3A_1928, %get3A_1932 : vector<16xf32>
    %get3A_1934 = arith.constant 1 : i32
    %get3A_1935 = arith.index_cast %get3A_1934 : i32 to index
    %get3A_1936 = arith.constant 16 : index
    %get3A_1937 = tpu.vector_load %arg9[%get3A_1935, %get3A_1936] {strides = array<i32>} : memref<2x32xf32, #tpu.memory_space<vmem>>, vector<16xf32>,
    %add3A_1938 = arith.addf %add3A_1933, %get3A_1937 : vector<16xf32>
    %swap3A_1939 = arith.constant 53 : i32
    %swap3A_1940 = arith.index_cast %swap3A_1939 : i32 to index
    %swap3A_1941 = arith.constant 16 : index
    %swap3A_1942 = tpu.vector_load %arg10[%swap3A_1940, %swap3A_1941] {strides = array<i32>} : memref<60x32xf32, #tpu.memory_space<vmem>>, vector<16xf32>,
    tpu.vector_store %arg10[%swap3A_1940, %swap3A_1941], %add3A_1938 {strides = array<i32>} : memref<60x32xf32, #tpu.memory_space<vmem>>, vector<16xf32>,
    %get3A_1943 = arith.constant 4 : i32
    %get3A_1944 = arith.index_cast %get3A_1943 : i32 to index
    %get3A_1945 = arith.constant 0 : index
    %get3A_1946 = tpu.vector_load %arg7[%get3A_1944, %get3A_1945] {strides = array<i32>} : memref<5x32xf32, #tpu.memory_space<vmem>>, vector<16xf32>,
    %get3A_1947 = arith.constant 3 : i32
    %get3A_1948 = arith.index_cast %get3A_1947 : i32 to index
    %get3A_1949 = arith.constant 0 : index
    %get3A_1950 = tpu.vector_load %arg8[%get3A_1948, %get3A_1949] {strides = array<i32>} : memref<6x32xf32, #tpu.memory_space<vmem>>, vector<16xf32>,
    %add3A_1951 = arith.addf %get3A_1946, %get3A_1950 : vector<16xf32>
    %get3A_1952 = arith.constant 0 : i32
    %get3A_1953 = arith.index_cast %get3A_1952 : i32 to index
    %get3A_1954 = arith.constant 0 : index
    %get3A_1955 = tpu.vector_load %arg9[%get3A_1953, %get3A_1954] {strides = array<i32>} : memref<2x32xf32, #tpu.memory_space<vmem>>, vector<16xf32>,
    %add3A_1956 = arith.addf %add3A_1951, %get3A_1955 : vector<16xf32>
    %swap3A_1957 = arith.constant 54 : i32
    %swap3A_1958 = arith.index_cast %swap3A_1957 : i32 to index
    %swap3A_1959 = arith.constant 0 : index
    %swap3A_1960 = tpu.vector_load %arg10[%swap3A_1958, %swap3A_1959] {strides = array<i32>} : memref<60x32xf32, #tpu.memory_space<vmem>>, vector<16xf32>,
    tpu.vector_store %arg10[%swap3A_1958, %swap3A_1959], %add3A_1956 {strides = array<i32>} : memref<60x32xf32, #tpu.memory_space<vmem>>, vector<16xf32>,
    %get3A_1961 = arith.constant 4 : i32
    %get3A_1962 = arith.index_cast %get3A_1961 : i32 to index
    %get3A_1963 = arith.constant 16 : index
    %get3A_1964 = tpu.vector_load %arg7[%get3A_1962, %get3A_1963] {strides = array<i32>} : memref<5x32xf32, #tpu.memory_space<vmem>>, vector<16xf32>,
    %get3A_1965 = arith.constant 3 : i32
    %get3A_1966 = arith.index_cast %get3A_1965 : i32 to index
    %get3A_1967 = arith.constant 16 : index
    %get3A_1968 = tpu.vector_load %arg8[%get3A_1966, %get3A_1967] {strides = array<i32>} : memref<6x32xf32, #tpu.memory_space<vmem>>, vector<16xf32>,
    %add3A_1969 = arith.addf %get3A_1964, %get3A_1968 : vector<16xf32>
    %get3A_1970 = arith.constant 0 : i32
    %get3A_1971 = arith.index_cast %get3A_1970 : i32 to index
    %get3A_1972 = arith.constant 16 : index
    %get3A_1973 = tpu.vector_load %arg9[%get3A_1971, %get3A_1972] {strides = array<i32>} : memref<2x32xf32, #tpu.memory_space<vmem>>, vector<16xf32>,
    %add3A_1974 = arith.addf %add3A_1969, %get3A_1973 : vector<16xf32>
    %swap3A_1975 = arith.constant 54 : i32
    %swap3A_1976 = arith.index_cast %swap3A_1975 : i32 to index
    %swap3A_1977 = arith.constant 16 : index
    %swap3A_1978 = tpu.vector_load %arg10[%swap3A_1976, %swap3A_1977] {strides = array<i32>} : memref<60x32xf32, #tpu.memory_space<vmem>>, vector<16xf32>,
    tpu.vector_store %arg10[%swap3A_1976, %swap3A_1977], %add3A_1974 {strides = array<i32>} : memref<60x32xf32, #tpu.memory_space<vmem>>, vector<16xf32>,
    %get3A_1979 = arith.constant 4 : i32
    %get3A_1980 = arith.index_cast %get3A_1979 : i32 to index
    %get3A_1981 = arith.constant 0 : index
    %get3A_1982 = tpu.vector_load %arg7[%get3A_1980, %get3A_1981] {strides = array<i32>} : memref<5x32xf32, #tpu.memory_space<vmem>>, vector<16xf32>,
    %get3A_1983 = arith.constant 3 : i32
    %get3A_1984 = arith.index_cast %get3A_1983 : i32 to index
    %get3A_1985 = arith.constant 0 : index
    %get3A_1986 = tpu.vector_load %arg8[%get3A_1984, %get3A_1985] {strides = array<i32>} : memref<6x32xf32, #tpu.memory_space<vmem>>, vector<16xf32>,
    %add3A_1987 = arith.addf %get3A_1982, %get3A_1986 : vector<16xf32>
    %get3A_1988 = arith.constant 1 : i32
    %get3A_1989 = arith.index_cast %get3A_1988 : i32 to index
    %get3A_1990 = arith.constant 0 : index
    %get3A_1991 = tpu.vector_load %arg9[%get3A_1989, %get3A_1990] {strides = array<i32>} : memref<2x32xf32, #tpu.memory_space<vmem>>, vector<16xf32>,
    %add3A_1992 = arith.addf %add3A_1987, %get3A_1991 : vector<16xf32>
    %swap3A_1993 = arith.constant 55 : i32
    %swap3A_1994 = arith.index_cast %swap3A_1993 : i32 to index
    %swap3A_1995 = arith.constant 0 : index
    %swap3A_1996 = tpu.vector_load %arg10[%swap3A_1994, %swap3A_1995] {strides = array<i32>} : memref<60x32xf32, #tpu.memory_space<vmem>>, vector<16xf32>,
    tpu.vector_store %arg10[%swap3A_1994, %swap3A_1995], %add3A_1992 {strides = array<i32>} : memref<60x32xf32, #tpu.memory_space<vmem>>, vector<16xf32>,
    %get3A_1997 = arith.constant 4 : i32
    %get3A_1998 = arith.index_cast %get3A_1997 : i32 to index
    %get3A_1999 = arith.constant 16 : index
    %get3A_2000 = tpu.vector_load %arg7[%get3A_1998, %get3A_1999] {strides = array<i32>} : memref<5x32xf32, #tpu.memory_space<vmem>>, vector<16xf32>,
    %get3A_2001 = arith.constant 3 : i32
    %get3A_2002 = arith.index_cast %get3A_2001 : i32 to index
    %get3A_2003 = arith.constant 16 : index
    %get3A_2004 = tpu.vector_load %arg8[%get3A_2002, %get3A_2003] {strides = array<i32>} : memref<6x32xf32, #tpu.memory_space<vmem>>, vector<16xf32>,
    %add3A_2005 = arith.addf %get3A_2000, %get3A_2004 : vector<16xf32>
    %get3A_2006 = arith.constant 1 : i32
    %get3A_2007 = arith.index_cast %get3A_2006 : i32 to index
    %get3A_2008 = arith.constant 16 : index
    %get3A_2009 = tpu.vector_load %arg9[%get3A_2007, %get3A_2008] {strides = array<i32>} : memref<2x32xf32, #tpu.memory_space<vmem>>, vector<16xf32>,
    %add3A_2010 = arith.addf %add3A_2005, %get3A_2009 : vector<16xf32>
    %swap3A_2011 = arith.constant 55 : i32
    %swap3A_2012 = arith.index_cast %swap3A_2011 : i32 to index
    %swap3A_2013 = arith.constant 16 : index
    %swap3A_2014 = tpu.vector_load %arg10[%swap3A_2012, %swap3A_2013] {strides = array<i32>} : memref<60x32xf32, #tpu.memory_space<vmem>>, vector<16xf32>,
    tpu.vector_store %arg10[%swap3A_2012, %swap3A_2013], %add3A_2010 {strides = array<i32>} : memref<60x32xf32, #tpu.memory_space<vmem>>, vector<16xf32>,
    %get3A_2015 = arith.constant 4 : i32
    %get3A_2016 = arith.index_cast %get3A_2015 : i32 to index
    %get3A_2017 = arith.constant 0 : index
    %get3A_2018 = tpu.vector_load %arg7[%get3A_2016, %get3A_2017] {strides = array<i32>} : memref<5x32xf32, #tpu.memory_space<vmem>>, vector<16xf32>,
    %get3A_2019 = arith.constant 4 : i32
    %get3A_2020 = arith.index_cast %get3A_2019 : i32 to index
    %get3A_2021 = arith.constant 0 : index
    %get3A_2022 = tpu.vector_load %arg8[%get3A_2020, %get3A_2021] {strides = array<i32>} : memref<6x32xf32, #tpu.memory_space<vmem>>, vector<16xf32>,
    %add3A_2023 = arith.addf %get3A_2018, %get3A_2022 : vector<16xf32>
    %get3A_2024 = arith.constant 0 : i32
    %get3A_2025 = arith.index_cast %get3A_2024 : i32 to index
    %get3A_2026 = arith.constant 0 : index
    %get3A_2027 = tpu.vector_load %arg9[%get3A_2025, %get3A_2026] {strides = array<i32>} : memref<2x32xf32, #tpu.memory_space<vmem>>, vector<16xf32>,
    %add3A_2028 = arith.addf %add3A_2023, %get3A_2027 : vector<16xf32>
    %swap3A_2029 = arith.constant 56 : i32
    %swap3A_2030 = arith.index_cast %swap3A_2029 : i32 to index
    %swap3A_2031 = arith.constant 0 : index
    %swap3A_2032 = tpu.vector_load %arg10[%swap3A_2030, %swap3A_2031] {strides = array<i32>} : memref<60x32xf32, #tpu.memory_space<vmem>>, vector<16xf32>,
    tpu.vector_store %arg10[%swap3A_2030, %swap3A_2031], %add3A_2028 {strides = array<i32>} : memref<60x32xf32, #tpu.memory_space<vmem>>, vector<16xf32>,
    %get3A_2033 = arith.constant 4 : i32
    %get3A_2034 = arith.index_cast %get3A_2033 : i32 to index
    %get3A_2035 = arith.constant 16 : index
    %get3A_2036 = tpu.vector_load %arg7[%get3A_2034, %get3A_2035] {strides = array<i32>} : memref<5x32xf32, #tpu.memory_space<vmem>>, vector<16xf32>,
    %get3A_2037 = arith.constant 4 : i32
    %get3A_2038 = arith.index_cast %get3A_2037 : i32 to index
    %get3A_2039 = arith.constant 16 : index
    %get3A_2040 = tpu.vector_load %arg8[%get3A_2038, %get3A_2039] {strides = array<i32>} : memref<6x32xf32, #tpu.memory_space<vmem>>, vector<16xf32>,
    %add3A_2041 = arith.addf %get3A_2036, %get3A_2040 : vector<16xf32>
    %get3A_2042 = arith.constant 0 : i32
    %get3A_2043 = arith.index_cast %get3A_2042 : i32 to index
    %get3A_2044 = arith.constant 16 : index
    %get3A_2045 = tpu.vector_load %arg9[%get3A_2043, %get3A_2044] {strides = array<i32>} : memref<2x32xf32, #tpu.memory_space<vmem>>, vector<16xf32>,
    %add3A_2046 = arith.addf %add3A_2041, %get3A_2045 : vector<16xf32>
    %swap3A_2047 = arith.constant 56 : i32
    %swap3A_2048 = arith.index_cast %swap3A_2047 : i32 to index
    %swap3A_2049 = arith.constant 16 : index
    %swap3A_2050 = tpu.vector_load %arg10[%swap3A_2048, %swap3A_2049] {strides = array<i32>} : memref<60x32xf32, #tpu.memory_space<vmem>>, vector<16xf32>,
    tpu.vector_store %arg10[%swap3A_2048, %swap3A_2049], %add3A_2046 {strides = array<i32>} : memref<60x32xf32, #tpu.memory_space<vmem>>, vector<16xf32>,
    %get3A_2051 = arith.constant 4 : i32
    %get3A_2052 = arith.index_cast %get3A_2051 : i32 to index
    %get3A_2053 = arith.constant 0 : index
    %get3A_2054 = tpu.vector_load %arg7[%get3A_2052, %get3A_2053] {strides = array<i32>} : memref<5x32xf32, #tpu.memory_space<vmem>>, vector<16xf32>,
    %get3A_2055 = arith.constant 4 : i32
    %get3A_2056 = arith.index_cast %get3A_2055 : i32 to index
    %get3A_2057 = arith.constant 0 : index
    %get3A_2058 = tpu.vector_load %arg8[%get3A_2056, %get3A_2057] {strides = array<i32>} : memref<6x32xf32, #tpu.memory_space<vmem>>, vector<16xf32>,
    %add3A_2059 = arith.addf %get3A_2054, %get3A_2058 : vector<16xf32>
    %get3A_2060 = arith.constant 1 : i32
    %get3A_2061 = arith.index_cast %get3A_2060 : i32 to index
    %get3A_2062 = arith.constant 0 : index
    %get3A_2063 = tpu.vector_load %arg9[%get3A_2061, %get3A_2062] {strides = array<i32>} : memref<2x32xf32, #tpu.memory_space<vmem>>, vector<16xf32>,
    %add3A_2064 = arith.addf %add3A_2059, %get3A_2063 : vector<16xf32>
    %swap3A_2065 = arith.constant 57 : i32
    %swap3A_2066 = arith.index_cast %swap3A_2065 : i32 to index
    %swap3A_2067 = arith.constant 0 : index
    %swap3A_2068 = tpu.vector_load %arg10[%swap3A_2066, %swap3A_2067] {strides = array<i32>} : memref<60x32xf32, #tpu.memory_space<vmem>>, vector<16xf32>,
    tpu.vector_store %arg10[%swap3A_2066, %swap3A_2067], %add3A_2064 {strides = array<i32>} : memref<60x32xf32, #tpu.memory_space<vmem>>, vector<16xf32>,
    %get3A_2069 = arith.constant 4 : i32
    %get3A_2070 = arith.index_cast %get3A_2069 : i32 to index
    %get3A_2071 = arith.constant 16 : index
    %get3A_2072 = tpu.vector_load %arg7[%get3A_2070, %get3A_2071] {strides = array<i32>} : memref<5x32xf32, #tpu.memory_space<vmem>>, vector<16xf32>,
    %get3A_2073 = arith.constant 4 : i32
    %get3A_2074 = arith.index_cast %get3A_2073 : i32 to index
    %get3A_2075 = arith.constant 16 : index
    %get3A_2076 = tpu.vector_load %arg8[%get3A_2074, %get3A_2075] {strides = array<i32>} : memref<6x32xf32, #tpu.memory_space<vmem>>, vector<16xf32>,
    %add3A_2077 = arith.addf %get3A_2072, %get3A_2076 : vector<16xf32>
    %get3A_2078 = arith.constant 1 : i32
    %get3A_2079 = arith.index_cast %get3A_2078 : i32 to index
    %get3A_2080 = arith.constant 16 : index
    %get3A_2081 = tpu.vector_load %arg9[%get3A_2079, %get3A_2080] {strides = array<i32>} : memref<2x32xf32, #tpu.memory_space<vmem>>, vector<16xf32>,
    %add3A_2082 = arith.addf %add3A_2077, %get3A_2081 : vector<16xf32>
    %swap3A_2083 = arith.constant 57 : i32
    %swap3A_2084 = arith.index_cast %swap3A_2083 : i32 to index
    %swap3A_2085 = arith.constant 16 : index
    %swap3A_2086 = tpu.vector_load %arg10[%swap3A_2084, %swap3A_2085] {strides = array<i32>} : memref<60x32xf32, #tpu.memory_space<vmem>>, vector<16xf32>,
    tpu.vector_store %arg10[%swap3A_2084, %swap3A_2085], %add3A_2082 {strides = array<i32>} : memref<60x32xf32, #tpu.memory_space<vmem>>, vector<16xf32>,
    %get3A_2087 = arith.constant 4 : i32
    %get3A_2088 = arith.index_cast %get3A_2087 : i32 to index
    %get3A_2089 = arith.constant 0 : index
    %get3A_2090 = tpu.vector_load %arg7[%get3A_2088, %get3A_2089] {strides = array<i32>} : memref<5x32xf32, #tpu.memory_space<vmem>>, vector<16xf32>,
    %get3A_2091 = arith.constant 5 : i32
    %get3A_2092 = arith.index_cast %get3A_2091 : i32 to index
    %get3A_2093 = arith.constant 0 : index
    %get3A_2094 = tpu.vector_load %arg8[%get3A_2092, %get3A_2093] {strides = array<i32>} : memref<6x32xf32, #tpu.memory_space<vmem>>, vector<16xf32>,
    %add3A_2095 = arith.addf %get3A_2090, %get3A_2094 : vector<16xf32>
    %get3A_2096 = arith.constant 0 : i32
    %get3A_2097 = arith.index_cast %get3A_2096 : i32 to index
    %get3A_2098 = arith.constant 0 : index
    %get3A_2099 = tpu.vector_load %arg9[%get3A_2097, %get3A_2098] {strides = array<i32>} : memref<2x32xf32, #tpu.memory_space<vmem>>, vector<16xf32>,
    %add3A_2100 = arith.addf %add3A_2095, %get3A_2099 : vector<16xf32>
    %swap3A_2101 = arith.constant 58 : i32
    %swap3A_2102 = arith.index_cast %swap3A_2101 : i32 to index
    %swap3A_2103 = arith.constant 0 : index
    %swap3A_2104 = tpu.vector_load %arg10[%swap3A_2102, %swap3A_2103] {strides = array<i32>} : memref<60x32xf32, #tpu.memory_space<vmem>>, vector<16xf32>,
    tpu.vector_store %arg10[%swap3A_2102, %swap3A_2103], %add3A_2100 {strides = array<i32>} : memref<60x32xf32, #tpu.memory_space<vmem>>, vector<16xf32>,
    %get3A_2105 = arith.constant 4 : i32
    %get3A_2106 = arith.index_cast %get3A_2105 : i32 to index
    %get3A_2107 = arith.constant 16 : index
    %get3A_2108 = tpu.vector_load %arg7[%get3A_2106, %get3A_2107] {strides = array<i32>} : memref<5x32xf32, #tpu.memory_space<vmem>>, vector<16xf32>,
    %get3A_2109 = arith.constant 5 : i32
    %get3A_2110 = arith.index_cast %get3A_2109 : i32 to index
    %get3A_2111 = arith.constant 16 : index
    %get3A_2112 = tpu.vector_load %arg8[%get3A_2110, %get3A_2111] {strides = array<i32>} : memref<6x32xf32, #tpu.memory_space<vmem>>, vector<16xf32>,
    %add3A_2113 = arith.addf %get3A_2108, %get3A_2112 : vector<16xf32>
    %get3A_2114 = arith.constant 0 : i32
    %get3A_2115 = arith.index_cast %get3A_2114 : i32 to index
    %get3A_2116 = arith.constant 16 : index
    %get3A_2117 = tpu.vector_load %arg9[%get3A_2115, %get3A_2116] {strides = array<i32>} : memref<2x32xf32, #tpu.memory_space<vmem>>, vector<16xf32>,
    %add3A_2118 = arith.addf %add3A_2113, %get3A_2117 : vector<16xf32>
    %swap3A_2119 = arith.constant 58 : i32
    %swap3A_2120 = arith.index_cast %swap3A_2119 : i32 to index
    %swap3A_2121 = arith.constant 16 : index
    %swap3A_2122 = tpu.vector_load %arg10[%swap3A_2120, %swap3A_2121] {strides = array<i32>} : memref<60x32xf32, #tpu.memory_space<vmem>>, vector<16xf32>,
    tpu.vector_store %arg10[%swap3A_2120, %swap3A_2121], %add3A_2118 {strides = array<i32>} : memref<60x32xf32, #tpu.memory_space<vmem>>, vector<16xf32>,
    %get3A_2123 = arith.constant 4 : i32
    %get3A_2124 = arith.index_cast %get3A_2123 : i32 to index
    %get3A_2125 = arith.constant 0 : index
    %get3A_2126 = tpu.vector_load %arg7[%get3A_2124, %get3A_2125] {strides = array<i32>} : memref<5x32xf32, #tpu.memory_space<vmem>>, vector<16xf32>,
    %get3A_2127 = arith.constant 5 : i32
    %get3A_2128 = arith.index_cast %get3A_2127 : i32 to index
    %get3A_2129 = arith.constant 0 : index
    %get3A_2130 = tpu.vector_load %arg8[%get3A_2128, %get3A_2129] {strides = array<i32>} : memref<6x32xf32, #tpu.memory_space<vmem>>, vector<16xf32>,
    %add3A_2131 = arith.addf %get3A_2126, %get3A_2130 : vector<16xf32>
    %get3A_2132 = arith.constant 1 : i32
    %get3A_2133 = arith.index_cast %get3A_2132 : i32 to index
    %get3A_2134 = arith.constant 0 : index
    %get3A_2135 = tpu.vector_load %arg9[%get3A_2133, %get3A_2134] {strides = array<i32>} : memref<2x32xf32, #tpu.memory_space<vmem>>, vector<16xf32>,
    %add3A_2136 = arith.addf %add3A_2131, %get3A_2135 : vector<16xf32>
    %swap3A_2137 = arith.constant 59 : i32
    %swap3A_2138 = arith.index_cast %swap3A_2137 : i32 to index
    %swap3A_2139 = arith.constant 0 : index
    %swap3A_2140 = tpu.vector_load %arg10[%swap3A_2138, %swap3A_2139] {strides = array<i32>} : memref<60x32xf32, #tpu.memory_space<vmem>>, vector<16xf32>,
    tpu.vector_store %arg10[%swap3A_2138, %swap3A_2139], %add3A_2136 {strides = array<i32>} : memref<60x32xf32, #tpu.memory_space<vmem>>, vector<16xf32>,
    %get3A_2141 = arith.constant 4 : i32
    %get3A_2142 = arith.index_cast %get3A_2141 : i32 to index
    %get3A_2143 = arith.constant 16 : index
    %get3A_2144 = tpu.vector_load %arg7[%get3A_2142, %get3A_2143] {strides = array<i32>} : memref<5x32xf32, #tpu.memory_space<vmem>>, vector<16xf32>,
    %get3A_2145 = arith.constant 5 : i32
    %get3A_2146 = arith.index_cast %get3A_2145 : i32 to index
    %get3A_2147 = arith.constant 16 : index
    %get3A_2148 = tpu.vector_load %arg8[%get3A_2146, %get3A_2147] {strides = array<i32>} : memref<6x32xf32, #tpu.memory_space<vmem>>, vector<16xf32>,
    %add3A_2149 = arith.addf %get3A_2144, %get3A_2148 : vector<16xf32>
    %get3A_2150 = arith.constant 1 : i32
    %get3A_2151 = arith.index_cast %get3A_2150 : i32 to index
    %get3A_2152 = arith.constant 16 : index
    %get3A_2153 = tpu.vector_load %arg9[%get3A_2151, %get3A_2152] {strides = array<i32>} : memref<2x32xf32, #tpu.memory_space<vmem>>, vector<16xf32>,
    %add3A_2154 = arith.addf %add3A_2149, %get3A_2153 : vector<16xf32>
    %swap3A_2155 = arith.constant 59 : i32
    %swap3A_2156 = arith.index_cast %swap3A_2155 : i32 to index
    %swap3A_2157 = arith.constant 16 : index
    %swap3A_2158 = tpu.vector_load %arg10[%swap3A_2156, %swap3A_2157] {strides = array<i32>} : memref<60x32xf32, #tpu.memory_space<vmem>>, vector<16xf32>,
    tpu.vector_store %arg10[%swap3A_2156, %swap3A_2157], %add3A_2154 {strides = array<i32>} : memref<60x32xf32, #tpu.memory_space<vmem>>, vector<16xf32>,
    %iota3A = tpu.iota {dimensions = array<i32: 0>} : vector<16xi32>
    %mul3A_2159 = arith.constant 50000 : i32
    %mul3A_2160 = arith.muli %add3A, %mul3A_2159 : i32
    %scan3A = arith.constant 0 : i32
    %scan3A_2161 = arith.constant 0 : i32
    %scan3A_2162 = arith.constant 125 : i32
    %scan3A_2163 = arith.addi %scan3A_2161, %scan3A_2162 : i32
    %scan3A_2164 = arith.constant 1 : i32
    %scan3A_2165 = scf.for %scan3A_2167 = %scan3A_2161 to %scan3A_2163 step %scan3A_2164 iter_args(%scan3A_2168 = %scan3A) -> (i32)  : i32 {
      %mul3A_2169 = arith.constant 400 : i32
      %mul3A_2170 = arith.muli %scan3A_2167, %mul3A_2169 : i32
      %add3A_2171 = arith.addi %mul3A_2160, %mul3A_2170 : i32
      "tpu.region"() ({
        %run_scoped3A = tpu.sem_alloc : memref<!tpu.dma_semaphore, #tpu.memory_space<semaphore_mem>>
        %dma_start3A = arith.constant 0 : i32
        %dma_start3A_2180 = tpu.memref_slice %arg2[%add3A_2171, %dma_start3A] : memref<1600000x3xi32, #tpu.memory_space<hbm>> -> memref<400x3xi32, #tpu.memory_space<hbm>>
        %dma_start3A_2181 = arith.constant 0 : i32
        %dma_start3A_2182 = tpu.memref_slice %arg2[%add3A_2171, %dma_start3A_2181] : memref<1600000x3xi32, #tpu.memory_space<hbm>> -> memref<400x3xi32, #tpu.memory_space<hbm>>
        tpu.enqueue_dma source(%dma_start3A_2182 : memref<400x3xi32, #tpu.memory_space<hbm>>) target(%arg11 : memref<400x3xi32, #tpu.memory_space<vmem>>) target_semaphore(%run_scoped3A : memref<!tpu.dma_semaphore, #tpu.memory_space<semaphore_mem>>)
        %dma_wait3A = arith.constant 0 : i32
        %dma_wait3A_2183 = tpu.memref_slice %arg2[%add3A_2171, %dma_wait3A] : memref<1600000x3xi32, #tpu.memory_space<hbm>> -> memref<400x3xi32, #tpu.memory_space<hbm>>
        %dma_wait3A_2184 = arith.constant 0 : i32
        %dma_wait3A_2185 = tpu.memref_slice %arg2[%add3A_2171, %dma_wait3A_2184] : memref<1600000x3xi32, #tpu.memory_space<hbm>> -> memref<400x3xi32, #tpu.memory_space<hbm>>
        tpu.wait_dma2 semaphore(%run_scoped3A : memref<!tpu.dma_semaphore, #tpu.memory_space<semaphore_mem>>) src(%dma_wait3A_2185 : memref<400x3xi32, #tpu.memory_space<hbm>>) dst(%arg11 : memref<400x3xi32, #tpu.memory_space<vmem>>)
        tpu.yield
      }) : () -> ()
      %scan3A_2172 = arith.constant 0 : i32
      %scan3A_2173 = arith.constant 0 : i32
      %scan3A_2174 = arith.constant 25 : i32
      %scan3A_2175 = arith.addi %scan3A_2173, %scan3A_2174 : i32
      %scan3A_2176 = arith.constant 1 : i32
      %scan3A_2177 = scf.for %scan3A_2180 = %scan3A_2173 to %scan3A_2175 step %scan3A_2176 iter_args(%scan3A_2181 = %scan3A_2172) -> (i32)  : i32 {
        %mul3A_2182 = arith.constant 16 : i32
        %mul3A_2183 = arith.muli %scan3A_2180, %mul3A_2182 : i32
        %add3A_2184 = vector.broadcast %mul3A_2183 : i32 to vector<16xi32>
        %add3A_2185 = arith.addi %iota3A, %add3A_2184 : vector<16xi32>
        %broadcast_in_dim3A = arith.constant 0 : i32
        %broadcast_in_dim3A_2186 = vector.broadcast %broadcast_in_dim3A : i32 to vector<16xi32>
        %gather3A = tpu.vector_load_idx %arg11[%add3A_2185, %broadcast_in_dim3A_2186] : memref<400x3xi32, #tpu.memory_space<vmem>>[vector<16xi32>, vector<16xi32>], vector<16xi32>,
        %add3A_2187 = arith.constant 1 : i32
        %add3A_2188 = vector.broadcast %add3A_2187 : i32 to vector<16xi32>
        %add3A_2189 = arith.addi %broadcast_in_dim3A_2186, %add3A_2188 : vector<16xi32>
        %gather3A_2190 = tpu.vector_load_idx %arg11[%add3A_2185, %add3A_2189] : memref<400x3xi32, #tpu.memory_space<vmem>>[vector<16xi32>, vector<16xi32>], vector<16xi32>,
        %add3A_2191 = arith.constant 2 : i32
        %add3A_2192 = vector.broadcast %add3A_2191 : i32 to vector<16xi32>
        %add3A_2193 = arith.addi %broadcast_in_dim3A_2186, %add3A_2192 : vector<16xi32>
        %gather3A_2194 = tpu.vector_load_idx %arg11[%add3A_2185, %add3A_2193] : memref<400x3xi32, #tpu.memory_space<vmem>>[vector<16xi32>, vector<16xi32>], vector<16xi32>,
        %mul3A_2195 = arith.constant 6 : i32
        %mul3A_2196 = vector.broadcast %mul3A_2195 : i32 to vector<16xi32>
        %mul3A_2197 = arith.muli %gather3A, %mul3A_2196 : vector<16xi32>
        %add3A_2198 = arith.addi %mul3A_2197, %gather3A_2190 : vector<16xi32>
        %mul3A_2199 = arith.constant 2 : i32
        %mul3A_2200 = vector.broadcast %mul3A_2199 : i32 to vector<16xi32>
        %mul3A_2201 = arith.muli %add3A_2198, %mul3A_2200 : vector<16xi32>
        %add3A_2202 = arith.addi %mul3A_2201, %gather3A_2194 : vector<16xi32>
        %broadcast_in_dim3A_2203 = arith.constant 0 : i32
        %broadcast_in_dim3A_2204 = vector.broadcast %broadcast_in_dim3A_2203 : i32 to vector<16xi32>
        %gather3A_2205 = tpu.vector_load_idx %arg10[%add3A_2202, %broadcast_in_dim3A_2204] : memref<60x32xf32, #tpu.memory_space<vmem>>[vector<16xi32>, vector<16xi32>], vector<16xf32>,
        tpu.vector_store_idx %arg12[%add3A_2185, %broadcast_in_dim3A_2204], %gather3A_2205 : memref<400x32xf32, #tpu.memory_space<vmem>>[vector<16xi32>, vector<16xi32>], vector<16xf32>,
        %broadcast_in_dim3A_2206 = arith.constant 1 : i32
        %broadcast_in_dim3A_2207 = vector.broadcast %broadcast_in_dim3A_2206 : i32 to vector<16xi32>
        %gather3A_2208 = tpu.vector_load_idx %arg10[%add3A_2202, %broadcast_in_dim3A_2207] : memref<60x32xf32, #tpu.memory_space<vmem>>[vector<16xi32>, vector<16xi32>], vector<16xf32>,
        tpu.vector_store_idx %arg12[%add3A_2185, %broadcast_in_dim3A_2207], %gather3A_2208 : memref<400x32xf32, #tpu.memory_space<vmem>>[vector<16xi32>, vector<16xi32>], vector<16xf32>,
        %broadcast_in_dim3A_2209 = arith.constant 2 : i32
        %broadcast_in_dim3A_2210 = vector.broadcast %broadcast_in_dim3A_2209 : i32 to vector<16xi32>
        %gather3A_2211 = tpu.vector_load_idx %arg10[%add3A_2202, %broadcast_in_dim3A_2210] : memref<60x32xf32, #tpu.memory_space<vmem>>[vector<16xi32>, vector<16xi32>], vector<16xf32>,
        tpu.vector_store_idx %arg12[%add3A_2185, %broadcast_in_dim3A_2210], %gather3A_2211 : memref<400x32xf32, #tpu.memory_space<vmem>>[vector<16xi32>, vector<16xi32>], vector<16xf32>,
        %broadcast_in_dim3A_2212 = arith.constant 3 : i32
        %broadcast_in_dim3A_2213 = vector.broadcast %broadcast_in_dim3A_2212 : i32 to vector<16xi32>
        %gather3A_2214 = tpu.vector_load_idx %arg10[%add3A_2202, %broadcast_in_dim3A_2213] : memref<60x32xf32, #tpu.memory_space<vmem>>[vector<16xi32>, vector<16xi32>], vector<16xf32>,
        tpu.vector_store_idx %arg12[%add3A_2185, %broadcast_in_dim3A_2213], %gather3A_2214 : memref<400x32xf32, #tpu.memory_space<vmem>>[vector<16xi32>, vector<16xi32>], vector<16xf32>,
        %broadcast_in_dim3A_2215 = arith.constant 4 : i32
        %broadcast_in_dim3A_2216 = vector.broadcast %broadcast_in_dim3A_2215 : i32 to vector<16xi32>
        %gather3A_2217 = tpu.vector_load_idx %arg10[%add3A_2202, %broadcast_in_dim3A_2216] : memref<60x32xf32, #tpu.memory_space<vmem>>[vector<16xi32>, vector<16xi32>], vector<16xf32>,
        tpu.vector_store_idx %arg12[%add3A_2185, %broadcast_in_dim3A_2216], %gather3A_2217 : memref<400x32xf32, #tpu.memory_space<vmem>>[vector<16xi32>, vector<16xi32>], vector<16xf32>,
        %broadcast_in_dim3A_2218 = arith.constant 5 : i32
        %broadcast_in_dim3A_2219 = vector.broadcast %broadcast_in_dim3A_2218 : i32 to vector<16xi32>
        %gather3A_2220 = tpu.vector_load_idx %arg10[%add3A_2202, %broadcast_in_dim3A_2219] : memref<60x32xf32, #tpu.memory_space<vmem>>[vector<16xi32>, vector<16xi32>], vector<16xf32>,
        tpu.vector_store_idx %arg12[%add3A_2185, %broadcast_in_dim3A_2219], %gather3A_2220 : memref<400x32xf32, #tpu.memory_space<vmem>>[vector<16xi32>, vector<16xi32>], vector<16xf32>,
        %broadcast_in_dim3A_2221 = arith.constant 6 : i32
        %broadcast_in_dim3A_2222 = vector.broadcast %broadcast_in_dim3A_2221 : i32 to vector<16xi32>
        %gather3A_2223 = tpu.vector_load_idx %arg10[%add3A_2202, %broadcast_in_dim3A_2222] : memref<60x32xf32, #tpu.memory_space<vmem>>[vector<16xi32>, vector<16xi32>], vector<16xf32>,
        tpu.vector_store_idx %arg12[%add3A_2185, %broadcast_in_dim3A_2222], %gather3A_2223 : memref<400x32xf32, #tpu.memory_space<vmem>>[vector<16xi32>, vector<16xi32>], vector<16xf32>,
        %broadcast_in_dim3A_2224 = arith.constant 7 : i32
        %broadcast_in_dim3A_2225 = vector.broadcast %broadcast_in_dim3A_2224 : i32 to vector<16xi32>
        %gather3A_2226 = tpu.vector_load_idx %arg10[%add3A_2202, %broadcast_in_dim3A_2225] : memref<60x32xf32, #tpu.memory_space<vmem>>[vector<16xi32>, vector<16xi32>], vector<16xf32>,
        tpu.vector_store_idx %arg12[%add3A_2185, %broadcast_in_dim3A_2225], %gather3A_2226 : memref<400x32xf32, #tpu.memory_space<vmem>>[vector<16xi32>, vector<16xi32>], vector<16xf32>,
        %broadcast_in_dim3A_2227 = arith.constant 8 : i32
        %broadcast_in_dim3A_2228 = vector.broadcast %broadcast_in_dim3A_2227 : i32 to vector<16xi32>
        %gather3A_2229 = tpu.vector_load_idx %arg10[%add3A_2202, %broadcast_in_dim3A_2228] : memref<60x32xf32, #tpu.memory_space<vmem>>[vector<16xi32>, vector<16xi32>], vector<16xf32>,
        tpu.vector_store_idx %arg12[%add3A_2185, %broadcast_in_dim3A_2228], %gather3A_2229 : memref<400x32xf32, #tpu.memory_space<vmem>>[vector<16xi32>, vector<16xi32>], vector<16xf32>,
        %broadcast_in_dim3A_2230 = arith.constant 9 : i32
        %broadcast_in_dim3A_2231 = vector.broadcast %broadcast_in_dim3A_2230 : i32 to vector<16xi32>
        %gather3A_2232 = tpu.vector_load_idx %arg10[%add3A_2202, %broadcast_in_dim3A_2231] : memref<60x32xf32, #tpu.memory_space<vmem>>[vector<16xi32>, vector<16xi32>], vector<16xf32>,
        tpu.vector_store_idx %arg12[%add3A_2185, %broadcast_in_dim3A_2231], %gather3A_2232 : memref<400x32xf32, #tpu.memory_space<vmem>>[vector<16xi32>, vector<16xi32>], vector<16xf32>,
        %broadcast_in_dim3A_2233 = arith.constant 10 : i32
        %broadcast_in_dim3A_2234 = vector.broadcast %broadcast_in_dim3A_2233 : i32 to vector<16xi32>
        %gather3A_2235 = tpu.vector_load_idx %arg10[%add3A_2202, %broadcast_in_dim3A_2234] : memref<60x32xf32, #tpu.memory_space<vmem>>[vector<16xi32>, vector<16xi32>], vector<16xf32>,
        tpu.vector_store_idx %arg12[%add3A_2185, %broadcast_in_dim3A_2234], %gather3A_2235 : memref<400x32xf32, #tpu.memory_space<vmem>>[vector<16xi32>, vector<16xi32>], vector<16xf32>,
        %broadcast_in_dim3A_2236 = arith.constant 11 : i32
        %broadcast_in_dim3A_2237 = vector.broadcast %broadcast_in_dim3A_2236 : i32 to vector<16xi32>
        %gather3A_2238 = tpu.vector_load_idx %arg10[%add3A_2202, %broadcast_in_dim3A_2237] : memref<60x32xf32, #tpu.memory_space<vmem>>[vector<16xi32>, vector<16xi32>], vector<16xf32>,
        tpu.vector_store_idx %arg12[%add3A_2185, %broadcast_in_dim3A_2237], %gather3A_2238 : memref<400x32xf32, #tpu.memory_space<vmem>>[vector<16xi32>, vector<16xi32>], vector<16xf32>,
        %broadcast_in_dim3A_2239 = arith.constant 12 : i32
        %broadcast_in_dim3A_2240 = vector.broadcast %broadcast_in_dim3A_2239 : i32 to vector<16xi32>
        %gather3A_2241 = tpu.vector_load_idx %arg10[%add3A_2202, %broadcast_in_dim3A_2240] : memref<60x32xf32, #tpu.memory_space<vmem>>[vector<16xi32>, vector<16xi32>], vector<16xf32>,
        tpu.vector_store_idx %arg12[%add3A_2185, %broadcast_in_dim3A_2240], %gather3A_2241 : memref<400x32xf32, #tpu.memory_space<vmem>>[vector<16xi32>, vector<16xi32>], vector<16xf32>,
        %broadcast_in_dim3A_2242 = arith.constant 13 : i32
        %broadcast_in_dim3A_2243 = vector.broadcast %broadcast_in_dim3A_2242 : i32 to vector<16xi32>
        %gather3A_2244 = tpu.vector_load_idx %arg10[%add3A_2202, %broadcast_in_dim3A_2243] : memref<60x32xf32, #tpu.memory_space<vmem>>[vector<16xi32>, vector<16xi32>], vector<16xf32>,
        tpu.vector_store_idx %arg12[%add3A_2185, %broadcast_in_dim3A_2243], %gather3A_2244 : memref<400x32xf32, #tpu.memory_space<vmem>>[vector<16xi32>, vector<16xi32>], vector<16xf32>,
        %broadcast_in_dim3A_2245 = arith.constant 14 : i32
        %broadcast_in_dim3A_2246 = vector.broadcast %broadcast_in_dim3A_2245 : i32 to vector<16xi32>
        %gather3A_2247 = tpu.vector_load_idx %arg10[%add3A_2202, %broadcast_in_dim3A_2246] : memref<60x32xf32, #tpu.memory_space<vmem>>[vector<16xi32>, vector<16xi32>], vector<16xf32>,
        tpu.vector_store_idx %arg12[%add3A_2185, %broadcast_in_dim3A_2246], %gather3A_2247 : memref<400x32xf32, #tpu.memory_space<vmem>>[vector<16xi32>, vector<16xi32>], vector<16xf32>,
        %broadcast_in_dim3A_2248 = arith.constant 15 : i32
        %broadcast_in_dim3A_2249 = vector.broadcast %broadcast_in_dim3A_2248 : i32 to vector<16xi32>
        %gather3A_2250 = tpu.vector_load_idx %arg10[%add3A_2202, %broadcast_in_dim3A_2249] : memref<60x32xf32, #tpu.memory_space<vmem>>[vector<16xi32>, vector<16xi32>], vector<16xf32>,
        tpu.vector_store_idx %arg12[%add3A_2185, %broadcast_in_dim3A_2249], %gather3A_2250 : memref<400x32xf32, #tpu.memory_space<vmem>>[vector<16xi32>, vector<16xi32>], vector<16xf32>,
        %broadcast_in_dim3A_2251 = arith.constant 16 : i32
        %broadcast_in_dim3A_2252 = vector.broadcast %broadcast_in_dim3A_2251 : i32 to vector<16xi32>
        %gather3A_2253 = tpu.vector_load_idx %arg10[%add3A_2202, %broadcast_in_dim3A_2252] : memref<60x32xf32, #tpu.memory_space<vmem>>[vector<16xi32>, vector<16xi32>], vector<16xf32>,
        tpu.vector_store_idx %arg12[%add3A_2185, %broadcast_in_dim3A_2252], %gather3A_2253 : memref<400x32xf32, #tpu.memory_space<vmem>>[vector<16xi32>, vector<16xi32>], vector<16xf32>,
        %broadcast_in_dim3A_2254 = arith.constant 17 : i32
        %broadcast_in_dim3A_2255 = vector.broadcast %broadcast_in_dim3A_2254 : i32 to vector<16xi32>
        %gather3A_2256 = tpu.vector_load_idx %arg10[%add3A_2202, %broadcast_in_dim3A_2255] : memref<60x32xf32, #tpu.memory_space<vmem>>[vector<16xi32>, vector<16xi32>], vector<16xf32>,
        tpu.vector_store_idx %arg12[%add3A_2185, %broadcast_in_dim3A_2255], %gather3A_2256 : memref<400x32xf32, #tpu.memory_space<vmem>>[vector<16xi32>, vector<16xi32>], vector<16xf32>,
        %broadcast_in_dim3A_2257 = arith.constant 18 : i32
        %broadcast_in_dim3A_2258 = vector.broadcast %broadcast_in_dim3A_2257 : i32 to vector<16xi32>
        %gather3A_2259 = tpu.vector_load_idx %arg10[%add3A_2202, %broadcast_in_dim3A_2258] : memref<60x32xf32, #tpu.memory_space<vmem>>[vector<16xi32>, vector<16xi32>], vector<16xf32>,
        tpu.vector_store_idx %arg12[%add3A_2185, %broadcast_in_dim3A_2258], %gather3A_2259 : memref<400x32xf32, #tpu.memory_space<vmem>>[vector<16xi32>, vector<16xi32>], vector<16xf32>,
        %broadcast_in_dim3A_2260 = arith.constant 19 : i32
        %broadcast_in_dim3A_2261 = vector.broadcast %broadcast_in_dim3A_2260 : i32 to vector<16xi32>
        %gather3A_2262 = tpu.vector_load_idx %arg10[%add3A_2202, %broadcast_in_dim3A_2261] : memref<60x32xf32, #tpu.memory_space<vmem>>[vector<16xi32>, vector<16xi32>], vector<16xf32>,
        tpu.vector_store_idx %arg12[%add3A_2185, %broadcast_in_dim3A_2261], %gather3A_2262 : memref<400x32xf32, #tpu.memory_space<vmem>>[vector<16xi32>, vector<16xi32>], vector<16xf32>,
        %broadcast_in_dim3A_2263 = arith.constant 20 : i32
        %broadcast_in_dim3A_2264 = vector.broadcast %broadcast_in_dim3A_2263 : i32 to vector<16xi32>
        %gather3A_2265 = tpu.vector_load_idx %arg10[%add3A_2202, %broadcast_in_dim3A_2264] : memref<60x32xf32, #tpu.memory_space<vmem>>[vector<16xi32>, vector<16xi32>], vector<16xf32>,
        tpu.vector_store_idx %arg12[%add3A_2185, %broadcast_in_dim3A_2264], %gather3A_2265 : memref<400x32xf32, #tpu.memory_space<vmem>>[vector<16xi32>, vector<16xi32>], vector<16xf32>,
        %broadcast_in_dim3A_2266 = arith.constant 21 : i32
        %broadcast_in_dim3A_2267 = vector.broadcast %broadcast_in_dim3A_2266 : i32 to vector<16xi32>
        %gather3A_2268 = tpu.vector_load_idx %arg10[%add3A_2202, %broadcast_in_dim3A_2267] : memref<60x32xf32, #tpu.memory_space<vmem>>[vector<16xi32>, vector<16xi32>], vector<16xf32>,
        tpu.vector_store_idx %arg12[%add3A_2185, %broadcast_in_dim3A_2267], %gather3A_2268 : memref<400x32xf32, #tpu.memory_space<vmem>>[vector<16xi32>, vector<16xi32>], vector<16xf32>,
        %broadcast_in_dim3A_2269 = arith.constant 22 : i32
        %broadcast_in_dim3A_2270 = vector.broadcast %broadcast_in_dim3A_2269 : i32 to vector<16xi32>
        %gather3A_2271 = tpu.vector_load_idx %arg10[%add3A_2202, %broadcast_in_dim3A_2270] : memref<60x32xf32, #tpu.memory_space<vmem>>[vector<16xi32>, vector<16xi32>], vector<16xf32>,
        tpu.vector_store_idx %arg12[%add3A_2185, %broadcast_in_dim3A_2270], %gather3A_2271 : memref<400x32xf32, #tpu.memory_space<vmem>>[vector<16xi32>, vector<16xi32>], vector<16xf32>,
        %broadcast_in_dim3A_2272 = arith.constant 23 : i32
        %broadcast_in_dim3A_2273 = vector.broadcast %broadcast_in_dim3A_2272 : i32 to vector<16xi32>
        %gather3A_2274 = tpu.vector_load_idx %arg10[%add3A_2202, %broadcast_in_dim3A_2273] : memref<60x32xf32, #tpu.memory_space<vmem>>[vector<16xi32>, vector<16xi32>], vector<16xf32>,
        tpu.vector_store_idx %arg12[%add3A_2185, %broadcast_in_dim3A_2273], %gather3A_2274 : memref<400x32xf32, #tpu.memory_space<vmem>>[vector<16xi32>, vector<16xi32>], vector<16xf32>,
        %broadcast_in_dim3A_2275 = arith.constant 24 : i32
        %broadcast_in_dim3A_2276 = vector.broadcast %broadcast_in_dim3A_2275 : i32 to vector<16xi32>
        %gather3A_2277 = tpu.vector_load_idx %arg10[%add3A_2202, %broadcast_in_dim3A_2276] : memref<60x32xf32, #tpu.memory_space<vmem>>[vector<16xi32>, vector<16xi32>], vector<16xf32>,
        tpu.vector_store_idx %arg12[%add3A_2185, %broadcast_in_dim3A_2276], %gather3A_2277 : memref<400x32xf32, #tpu.memory_space<vmem>>[vector<16xi32>, vector<16xi32>], vector<16xf32>,
        %broadcast_in_dim3A_2278 = arith.constant 25 : i32
        %broadcast_in_dim3A_2279 = vector.broadcast %broadcast_in_dim3A_2278 : i32 to vector<16xi32>
        %gather3A_2280 = tpu.vector_load_idx %arg10[%add3A_2202, %broadcast_in_dim3A_2279] : memref<60x32xf32, #tpu.memory_space<vmem>>[vector<16xi32>, vector<16xi32>], vector<16xf32>,
        tpu.vector_store_idx %arg12[%add3A_2185, %broadcast_in_dim3A_2279], %gather3A_2280 : memref<400x32xf32, #tpu.memory_space<vmem>>[vector<16xi32>, vector<16xi32>], vector<16xf32>,
        %broadcast_in_dim3A_2281 = arith.constant 26 : i32
        %broadcast_in_dim3A_2282 = vector.broadcast %broadcast_in_dim3A_2281 : i32 to vector<16xi32>
        %gather3A_2283 = tpu.vector_load_idx %arg10[%add3A_2202, %broadcast_in_dim3A_2282] : memref<60x32xf32, #tpu.memory_space<vmem>>[vector<16xi32>, vector<16xi32>], vector<16xf32>,
        tpu.vector_store_idx %arg12[%add3A_2185, %broadcast_in_dim3A_2282], %gather3A_2283 : memref<400x32xf32, #tpu.memory_space<vmem>>[vector<16xi32>, vector<16xi32>], vector<16xf32>,
        %broadcast_in_dim3A_2284 = arith.constant 27 : i32
        %broadcast_in_dim3A_2285 = vector.broadcast %broadcast_in_dim3A_2284 : i32 to vector<16xi32>
        %gather3A_2286 = tpu.vector_load_idx %arg10[%add3A_2202, %broadcast_in_dim3A_2285] : memref<60x32xf32, #tpu.memory_space<vmem>>[vector<16xi32>, vector<16xi32>], vector<16xf32>,
        tpu.vector_store_idx %arg12[%add3A_2185, %broadcast_in_dim3A_2285], %gather3A_2286 : memref<400x32xf32, #tpu.memory_space<vmem>>[vector<16xi32>, vector<16xi32>], vector<16xf32>,
        %broadcast_in_dim3A_2287 = arith.constant 28 : i32
        %broadcast_in_dim3A_2288 = vector.broadcast %broadcast_in_dim3A_2287 : i32 to vector<16xi32>
        %gather3A_2289 = tpu.vector_load_idx %arg10[%add3A_2202, %broadcast_in_dim3A_2288] : memref<60x32xf32, #tpu.memory_space<vmem>>[vector<16xi32>, vector<16xi32>], vector<16xf32>,
        tpu.vector_store_idx %arg12[%add3A_2185, %broadcast_in_dim3A_2288], %gather3A_2289 : memref<400x32xf32, #tpu.memory_space<vmem>>[vector<16xi32>, vector<16xi32>], vector<16xf32>,
        %broadcast_in_dim3A_2290 = arith.constant 29 : i32
        %broadcast_in_dim3A_2291 = vector.broadcast %broadcast_in_dim3A_2290 : i32 to vector<16xi32>
        %gather3A_2292 = tpu.vector_load_idx %arg10[%add3A_2202, %broadcast_in_dim3A_2291] : memref<60x32xf32, #tpu.memory_space<vmem>>[vector<16xi32>, vector<16xi32>], vector<16xf32>,
        tpu.vector_store_idx %arg12[%add3A_2185, %broadcast_in_dim3A_2291], %gather3A_2292 : memref<400x32xf32, #tpu.memory_space<vmem>>[vector<16xi32>, vector<16xi32>], vector<16xf32>,
        %broadcast_in_dim3A_2293 = arith.constant 30 : i32
        %broadcast_in_dim3A_2294 = vector.broadcast %broadcast_in_dim3A_2293 : i32 to vector<16xi32>
        %gather3A_2295 = tpu.vector_load_idx %arg10[%add3A_2202, %broadcast_in_dim3A_2294] : memref<60x32xf32, #tpu.memory_space<vmem>>[vector<16xi32>, vector<16xi32>], vector<16xf32>,
        tpu.vector_store_idx %arg12[%add3A_2185, %broadcast_in_dim3A_2294], %gather3A_2295 : memref<400x32xf32, #tpu.memory_space<vmem>>[vector<16xi32>, vector<16xi32>], vector<16xf32>,
        %broadcast_in_dim3A_2296 = arith.constant 31 : i32
        %broadcast_in_dim3A_2297 = vector.broadcast %broadcast_in_dim3A_2296 : i32 to vector<16xi32>
        %gather3A_2298 = tpu.vector_load_idx %arg10[%add3A_2202, %broadcast_in_dim3A_2297] : memref<60x32xf32, #tpu.memory_space<vmem>>[vector<16xi32>, vector<16xi32>], vector<16xf32>,
        tpu.vector_store_idx %arg12[%add3A_2185, %broadcast_in_dim3A_2297], %gather3A_2298 : memref<400x32xf32, #tpu.memory_space<vmem>>[vector<16xi32>, vector<16xi32>], vector<16xf32>,
        %scan3A_2299 = arith.constant 0 : i32
        scf.yield %scan3A_2299 : i32
      }
      %scan3A_2178 = arith.constant 25 : i32
      "tpu.region"() ({
        %run_scoped3A = tpu.sem_alloc : memref<!tpu.dma_semaphore, #tpu.memory_space<semaphore_mem>>
        %dma_start3A = arith.constant 0 : i32
        %dma_start3A_2180 = tpu.memref_slice %arg6[%add3A_2171, %dma_start3A] : memref<1600000x32xf32, #tpu.memory_space<hbm>> -> memref<400x32xf32, #tpu.memory_space<hbm>>
        %dma_start3A_2181 = arith.constant 0 : i32
        %dma_start3A_2182 = tpu.memref_slice %arg6[%add3A_2171, %dma_start3A_2181] : memref<1600000x32xf32, #tpu.memory_space<hbm>> -> memref<400x32xf32, #tpu.memory_space<hbm>>
        tpu.enqueue_dma source(%arg12 : memref<400x32xf32, #tpu.memory_space<vmem>>) target(%dma_start3A_2182 : memref<400x32xf32, #tpu.memory_space<hbm>>) target_semaphore(%run_scoped3A : memref<!tpu.dma_semaphore, #tpu.memory_space<semaphore_mem>>)
        %dma_wait3A = arith.constant 0 : i32
        %dma_wait3A_2183 = tpu.memref_slice %arg6[%add3A_2171, %dma_wait3A] : memref<1600000x32xf32, #tpu.memory_space<hbm>> -> memref<400x32xf32, #tpu.memory_space<hbm>>
        %dma_wait3A_2184 = arith.constant 0 : i32
        %dma_wait3A_2185 = tpu.memref_slice %arg6[%add3A_2171, %dma_wait3A_2184] : memref<1600000x32xf32, #tpu.memory_space<hbm>> -> memref<400x32xf32, #tpu.memory_space<hbm>>
        tpu.wait_dma2 semaphore(%run_scoped3A : memref<!tpu.dma_semaphore, #tpu.memory_space<semaphore_mem>>) src(%arg12 : memref<400x32xf32, #tpu.memory_space<vmem>>) dst(%dma_wait3A_2185 : memref<400x32xf32, #tpu.memory_space<hbm>>)
        tpu.yield
      }) : () -> ()
      %scan3A_2179 = arith.constant 0 : i32
      scf.yield %scan3A_2179 : i32
    }
    %scan3A_2166 = arith.constant 125 : i32
    return
  }
}

</mosaic_0001>

<sc_bundles>
// kernel: kernel.3.cloned.1.call-start
scs
__scs_entry_jumppad:
0x0: {  	(pc) =	sbr.rel $0x88, $3  }
0x1: {  	(tag) =	ssettag $0x0;
	lr =	simm.s32 $0x1  }
0x2: {  	[smem:$0x3F9D] =	sst lr;
	_ =	strace $0xD0000000  }
0x3: {  	_ = 	snop  }
0x4: {  	_ = 	snop  }
0x5: {  	_ = 	snop  }
0x6: {  	_ = 	snop  }
0x7: {  	_ = 	snop  }
__scs_overlays_trampoline_lowered:
0x8: {  	[smem:$0x3FAC] =	sst s0  }
0x9: {  	[smem:$0x3FAD] =	sst s1  }
0xa: {  	[smem:$0x3FAE] =	sst s2  }
0xb: {  	[smem:$0x3FAF] =	sst s3  }
0xc: {  	[smem:$0x3FB0] =	sst s4  }
0xd: {  	[smem:$0x3FB1] =	sst s5  }
0xe: {  	[smem:$0x3FB2] =	sst s6  }
0xf: {  	[smem:$0x3FB3] =	sst s7  }
0x10: {  	[smem:$0x3FB4] =	sst s8  }
0x11: {  	[smem:$0x3FB5] =	sst s9;
	s0 =	simm.s32 @!p0 $0x0  }
0x12: {  	s1 =	sld [smem:$0x3F9B];
	s0 =	simm.s32 @p0 $0x1  }
0x13: {  	[smem:$0x3FB6] =	sst s0;
	s0 =	simm.s32 @!p1 $0x0  }
0x14: {  	s2 =	sld [smem:$0x3F9A];
	s0 =	simm.s32 @p1 $0x1  }
0x15: {  	[smem:$0x3FB7] =	sst s0;
	s0 =	simm.s32 @!p2 $0x0  }
0x16: {  	s3 =	sld [smem:$0x3FDB];
	s0 =	simm.s32 @p2 $0x1  }
0x17: {  	s4 =	simm.s32 $0x1BF5;
	[smem:$0x3FB9] =	sst s0  }
0x18: {  	s0 =	sld [smem:$0x3F9C];
	_ =	swait.ge [sflag:s4], $0x0  }
0x19: {  	s7 =	sld [smem:$0x3F9D]  }
0x1a: {  	s8 =	sadd.s32 $0xFFFFE003, lr  }
0x1b: {  	s9 =	sadd.s32 $0xFFFFFEF7, lr;
	s5 =	simm.s32 $0xFFFFFFFF;
	p2 =	slt.u32 s8, $0xFFFFF086  }
0x1c: {  	p1 =	slt.u32 s9, $0xF7A;
	s5 =	simm.s32 @!p2 $0x0  }
0x1d: {  	s5 =	simm.s32 @p1 $0x1;
	p0 =	seq.s32 s7, s2  }
0x1e: {  	s7 =	smul.u32 @!p0 $0xF7A, s2;
	p2 =	seq.s32 @!p0 s5, $0x0  }
0x1f: {  	s9 =	smul.u32 $0xF7A, s1;
	s8 =	simm.s32 @!p0 $0x1BF5;
	p2 =	por !p2, p0  }
0x20: {  	[sflag:s8] =	ssyncset.s32 @!p0 $0xFFFFF086;
	s6 =	sadd.s32 @!p0 s3, s7;
	s7 =	simm.s32 @!p0 $0x108  }
0x21: {  	s3 =	sadd.s32 s3, s9;
	s6 =	sadd.s32 @!p0 $0x88, s6;
	s7 =	simm.s32 @p2 $0x1082  }
0x22: {  	[simem:s7], [sflag:s8] =	dma.local @!p0 [hbm:s6], $0xF7A  }
0x23: {  	s9 =	sor.u32 $0xD0000000, s2;
	s6 =	simm.s32 $0x108;
	_ =	swait.ge @!p0 [sflag:s8], $0x0  }
0x24: {  	s3 =	sadd.s32 $0x88, s3;
	s6 =	simm.s32 @!p1 $0x1082;
	[sflag:s4] =	ssyncset.s32 $0xFFFFF086  }
0x25: {  	[simem:s6], [sflag:s4] =	dma.local [hbm:s3], $0xF7A  }
0x26: {  	[smem:$0x3F9D] =	sst s1;
	(tag) =	ssettag s2;
	_ =	strace s9  }
0x27: {  	s1 =	sld [smem:$0x3FAD]  }
0x28: {  	s2 =	sld [smem:$0x3FAE]  }
0x29: {  	s4 =	sld [smem:$0x3FB0]  }
0x2a: {  	p0 =	seq.s32 s5, $0x0;
	s5 =	sld [smem:$0x3FB1]  }
0x2b: {  	s6 =	sld [smem:$0x3FB2]  }
0x2c: {  	s7 =	sld [smem:$0x3FB3]  }
0x2d: {  	s3 =	simm.s32 $0x108;
	s8 =	sld [smem:$0x3FB4]  }
0x2e: {  	s3 =	simm.s32 @!p0 $0x1082;
	s9 =	sld [smem:$0x3FB5]  }
0x2f: {  	lr =	sadd.s32 s0, s3;
	s0 =	sld [smem:$0x3FAC]  }
0x30: {  	s3 =	sld [smem:$0x3FAF]  }
0x31: {  	[smem:$0x3FB8] =	sst s10  }
0x32: {  	s10 =	sld [smem:$0x3FB6];
	_ =	sdelay $0x3  }
0x33: {  	p0 =	seq.s32 s10, $0x1;
	s10 =	sld [smem:$0x3FB8];
	_ =	sdelay $0x3  }
0x34: {  	[smem:$0x3FB8] =	sst s10  }
0x35: {  	s10 =	sld [smem:$0x3FB7];
	_ =	sdelay $0x3  }
0x36: {  	p1 =	seq.s32 s10, $0x1;
	s10 =	sld [smem:$0x3FB8];
	_ =	sdelay $0x3  }
0x37: {  	[smem:$0x3FB8] =	sst s10  }
0x38: {  	s10 =	sld [smem:$0x3FB9]  }
0x39: {  	_ = 	snop;
	(pc) =	sbr.ind lr, $3  }
0x3a: {  	_ = 	snop  }
0x3b: {  	_ = 	snop  }
0x3c: {  	p2 =	seq.s32 s10, $0x1;
	s10 =	sld [smem:$0x3FB8]  }
0x3d: {  	_ =	shalt  }
0x3e: {  	_ =	shalt  }
0x3f: {  	_ =	shalt  }
0x40: {  	_ =	shalt  }
0x41: {  	_ =	shalt  }
0x42: {  	_ =	shalt  }
0x43: {  	_ =	shalt  }
0x44: {  	_ =	shalt  }
0x45: {  	_ =	shalt  }
0x46: {  	_ =	shalt  }
0x47: {  	_ =	shalt  }
0x48: {  	_ =	shalt  }
0x49: {  	_ =	shalt  }
0x4a: {  	_ =	shalt  }
0x4b: {  	_ =	shalt  }
0x4c: {  	_ =	shalt  }
0x4d: {  	_ =	shalt  }
0x4e: {  	_ =	shalt  }
0x4f: {  	_ =	shalt  }
0x50: {  	_ =	shalt  }
0x51: {  	_ =	shalt  }
0x52: {  	_ =	shalt  }
0x53: {  	_ =	shalt  }
0x54: {  	_ =	shalt  }
0x55: {  	_ =	shalt  }
0x56: {  	_ =	shalt  }
0x57: {  	_ =	shalt  }
0x58: {  	_ =	shalt  }
0x59: {  	_ =	shalt  }
0x5a: {  	_ =	shalt  }
0x5b: {  	_ =	shalt  }
0x5c: {  	_ =	shalt  }
0x5d: {  	_ =	shalt  }
0x5e: {  	_ =	shalt  }
0x5f: {  	_ =	shalt  }
0x60: {  	_ =	shalt  }
0x61: {  	_ =	shalt  }
0x62: {  	_ =	shalt  }
0x63: {  	_ =	shalt  }
0x64: {  	_ =	shalt  }
0x65: {  	_ =	shalt  }
0x66: {  	_ =	shalt  }
0x67: {  	_ =	shalt  }
0x68: {  	_ =	shalt  }
0x69: {  	_ =	shalt  }
0x6a: {  	_ =	shalt  }
0x6b: {  	_ =	shalt  }
0x6c: {  	_ =	shalt  }
0x6d: {  	_ =	shalt  }
0x6e: {  	_ =	shalt  }
0x6f: {  	_ =	shalt  }
0x70: {  	_ =	shalt  }
0x71: {  	_ =	shalt  }
0x72: {  	_ =	shalt  }
0x73: {  	_ =	shalt  }
0x74: {  	_ =	shalt  }
0x75: {  	_ =	shalt  }
0x76: {  	_ =	shalt  }
0x77: {  	_ =	shalt  }
0x78: {  	_ =	shalt  }
0x79: {  	_ =	shalt  }
0x7a: {  	_ =	shalt  }
0x7b: {  	_ =	shalt  }
0x7c: {  	_ =	shalt  }
0x7d: {  	_ =	shalt  }
0x7e: {  	_ =	shalt  }
0x7f: {  	_ =	shalt  }
0x80: {  	_ =	shalt  }
0x81: {  	_ =	shalt  }
0x82: {  	_ =	shalt  }
0x83: {  	_ =	shalt  }
0x84: {  	_ =	shalt  }
0x85: {  	_ =	shalt  }
0x86: {  	_ =	shalt  }
0x87: {  	_ =	shalt  }
.Lfunc_end0:
.L_simem_size_0:
called_computation_lowered:
.L_overlay_start_0:
0x88: {  	s2 =	sld [smem:$0x3FD9]  }
0x89: {  	s3 =	sld [smem:$0x3FFE];
	_ =	sdelay $0x1  }
0x8a: {  	s1 =	srdreg.scid  }
0x8b: {  	s0 =	sand.u32 $0x1, s1  }
0x8c: {  	s17 =	sshll.u32 s0, $0xA;
	s2 =	sadd.s32 s3, s2  }
0x8d: {  	s2 =	sadd.s32 s2, s17  }
0x8e: {  	[smem:$0x3FC4] =	sst s2  }
0x8f: {  	_ = 	snop  }
0x90: {  	s2 =	sld [smem:$0x3FC8]  }
0x91: {  	s18 =	sld [smem:$0x3FC7]  }
0x92: {  	s4 =	sld [smem:$0x3FC6];
	(tm) =	ssettm $0x1  }
0x93: {  	s5 =	sld [smem:$0x3FFB];
	_ =	sdelay $0x3  }
0x94: {  	_ =	strace s5  }
0x95: {  	s5 =	sld [smem:$0x3FFC];
	_ =	sdelay $0x3  }
0x96: {  	_ =	strace s5  }
0x97: {  	s5 =	sld [smem:$0x3FFD];
	_ =	sdelay $0x3  }
0x98: {  	_ =	strace s5  }
0x99: {  	_ =	strace $0x8FFFFFFF  }
0x9a: {  	s19 =	sld [smem:$0x3FDB];
	_ =	sdelay $0x1  }
0x9b: {  	s6 =	simm.s32 $_scs_section_size  }
0x9c: {  	s7 =	simm.s32 $_size__tile_overlayer_lowered;
	s8 =	simm.s32 $_tile_overlayer_lowered  }
0x9d: {  	s22 =	simm.s32 $0x1BFF;
	s21 =	sshll.u32 s8, $0x1;
	s5 =	sadd.s32 s6, s19  }
0x9e: {  	s9 =	simm.s32 $0x0;
	s20 =	sshll.u32 s7, $0x1;
	s7 =	sadd.s32 s21, s5  }
0x9f: {  	[timem:s9], [sflag:s22] =	dma.local [hbm:s7], s20  }
0xa0: {  	_ =	swait.ge [sflag:s22], s20  }
0xa1: {  	s6 =	ssub.s32 $0x0, s20;
	[sflag:s22] =	ssyncset.done $0x0  }
0xa2: {  	[sflag:s22] =	ssyncadd.s32 s6;
	_ =	sdelay $0x1  }
0xa3: {  	s23 =	simm.s32 $0x1B8B  }
0xa4: {  	_ =	swait.ge [sflag:s23], $0x1  }
0xa5: {  	[sflag:s23] =	ssyncset.done $0x0  }
0xa6: {  	s25 =	simm.s32 $0x1B8E;
	s24 =	sld [smem:$0x3FFE];
	[sflag:s23] =	ssyncadd.s32 $0xFFFFFFFF  }
0xa7: {  	s26 =	simm.s32 $execute0_lowered;
	[smem:$0x3FD2] =	sst s25  }
0xa8: {  	s7 =	sshll.u32 s26, $0x1;
	_ =	strace $0x80000046;
	[dreg:$0x1] =	wrdreg $0xFFFFFFFF  }
0xa9: {  	s28 =	simm.s32 $_size_execute0_lowered;
	s5 =	sadd.s32 s5, s7;
	[dreg:$0x0] =	wrdreg $0x0  }
0xaa: {  	s7 =	sshll.u32 s28, $0x1;
	[dreg:$0x2] =	wrdreg s5  }
0xab: {  	[dreg:$0x3] =	wrdreg s7  }
0xac: {  	[dreg:$0x4] =	wrdreg $0xC0  }
0xad: {  	_ =	task [dreg:s9], $0x5FFFF  }
0xae: {  	[dreg:$0x1] =	wrdreg $0xFFFFFFFF  }
0xaf: {  	[dreg:$0x0] =	wrdreg $0x60  }
0xb0: {  	[dreg:$0x2] =	wrdreg s24  }
0xb1: {  	[dreg:$0x3] =	wrdreg s2  }
0xb2: {  	[dreg:$0x4] =	wrdreg s18  }
0xb3: {  	[dreg:$0x5] =	wrdreg s4  }
0xb4: {  	[dreg:$0x6] =	wrdreg $0x9  }
0xb5: {  	_ =	task.clear_ibuf [dreg:s9], $0x7FFFF;
	_ =	strace $0x90000046  }
0xb6: {  	s29 =	simm.s32 $0x9;
	_ =	strace $0x80000048  }
0xb7: {  	_ =	swait.ge [sflag:s29], $0x1  }
0xb8: {  	[sflag:s29] =	ssyncadd.s32 $0xFFFFFFFF  }
0xb9: {  	_ =	strace $0x90000048  }
0xba: {  	_ =	sfence  }
0xbb: {  	s30 =	sld [smem:$0x0];
	_ =	sdelay $0x2  }
0xbc: {  	s31 =	sshll.u32 s1, $0xD;
	s1 =	sshrl.u32 s1, $0x2  }
0xbd: {  	s3 =	sand.u32 $0x4000, s31;
	s1 =	sadd.s32 s1, s30  }
0xbe: {  	s0 =	sor.u32 s3, s0;
	s1 =	sshll.u32 s1, $0x11  }
0xbf: {  	s0 =	sor.u32 s1, s0  }
0xc0: {  	s0 =	sadd.s32 $0x8F2B, s0  }
0xc1: {  	[sflag:s0] =	ssyncadd.remote.s32 $0x1  }
0xc2: {  	_ =	sfence.sel $0xFFFF  }
0xc3: {  	[dreg:$0x0] =	wrdreg $0xFFFFFFFF;
	(pc) =	sbr.abs _section_cstart, $3  }
0xc4: {  	[dreg:$0x1] =	wrdreg $0xFFFFFFFF  }
0xc5: {  	_ =	task.clear_ibuf [dreg:s9], $0x2FFFF;
	_ =	strace $0x9FFFFFFF  }
0xc6: {  	(tm) =	ssettm $0x7FFFFFFF  }
0xc7: {  	_ =	shalt  }
tec
execute0_lowered:
.L_overlay_start_1:
0x0: {  	(tag) =	ssettag $0x1  }
0x1: {  	s7 =	rddreg [dreg:$0x0]  }
0x2: {  	s1 =	rddreg [dreg:$0x1]  }
0x3: {  	s2 =	rddreg [dreg:$0x2]  }
0x4: {  	s3 =	rddreg [dreg:$0x3]  }
0x5: {  	s0 =	rddreg [dreg:$0x4];
	s4 =	simm.s32 $0x0  }
0x6: {  	s5 =	srdreg.scid;
	s12 =	simm.s32 $0x800;
	s13 =	simm.s32 $0x2900  }
0x7: {  	s14 =	simm.s32 $0x900;
	s15 =	simm.s32 $0xF100;
	s16 =	simm.s32 $0x0  }
0x8: {  	[smem:$0x7FF] =	sst s4;
	s8 =	sand.u32 $0x1, s5;
	s5 =	stileid.u32  }
0x9: {  	s6 =	sadd.s32 $0x400, s7;
	s7 =	sadd.s32 $0x186A400, s7;
	s9 =	ssub.s32 $0x2, s8  }
0xa: {  	_ =	strace $0x80000047;
	s11 =	sshll.u32 s5, $0x1;
	s10 =	sshrl.u32 s9, $0x1  }
0xb: {  	v0 =	vlaneseq.u32;
	s8 =	sor.u32 s8, s11;
	s11 =	simm.s32 $0x400;
	s9 =	ssub.s32 s9, s10  }
0xc: {  	v0 =	vmul.u32 $0x80, v0;
	s8 =	smul.u32 $0xC350, s8;
	s10 =	simm.s32 $0x1;
	s9 =	smax.u32 s9, $0x1  }
.LBB2_1:
0xd: {  	[tilespmem:s4], [sflag:$0x1] =	stream.linear.gather [hbm4b:s1+s4], $0x280, $0x38;
	[tilespmem:$0x1B900] =	vst v63  }
0xe: {  	_ =	swait.ge [sflag:s10], $0x280  }
0xf: {  	[sflag:s10] =	ssyncset.done $0x0  }
0x10: {  	[sflag:s10] =	ssyncadd.s32 $0xFFFFFD80  }
0x11: {  	[tilespmem:s11], [sflag:$0x1] =	stream.linear.gather [hbm4b:s2+s4], $0x300, $0x38;
	[tilespmem:$0x1B900] =	vst v63  }
0x12: {  	_ =	swait.ge [sflag:s10], $0x300  }
0x13: {  	[sflag:s10] =	ssyncset.done $0x0  }
0x14: {  	[sflag:s10] =	ssyncadd.s32 $0xFFFFFD00  }
0x15: {  	[tilespmem:s12], [sflag:$0x1] =	stream.linear.gather [hbm4b:s3+s4], $0x100, $0x38;
	[tilespmem:$0x1B900] =	vst v63  }
0x16: {  	_ =	swait.ge [sflag:s10], $0x100  }
0x17: {  	[sflag:s10] =	ssyncset.done $0x0  }
0x18: {  	[sflag:s10] =	ssyncadd.s32 $0xFFFFFF00  }
0x19: {  	v63 =	vld [tilespmem:$0x880];
	_ =	sdelay $0x4  }
0x1a: {  	[tilespmem:$0x1F360] =	vst v63;
	v63 =	vld [tilespmem:$0x10];
	_ =	sdelay $0x4  }
0x1b: {  	[tilespmem:$0x1F340] =	vst v63;
	v63 =	vld [tilespmem:$0x690];
	_ =	sdelay $0x4  }
0x1c: {  	[tilespmem:$0x1F350] =	vst v63;
	v63 =	vld [tilespmem:$0x890];
	_ =	sdelay $0x4  }
0x1d: {  	[tilespmem:$0x1F390] =	vst v63;
	v63 =	vld [tilespmem:$0x80];
	_ =	sdelay $0x4  }
0x1e: {  	[tilespmem:$0x1F370] =	vst v63;
	v63 =	vld [tilespmem:$0x400];
	_ =	sdelay $0x4  }
0x1f: {  	[tilespmem:$0x1F380] =	vst v63;
	v63 =	vld [tilespmem:$0x800];
	_ =	sdelay $0x4  }
0x20: {  	[tilespmem:$0x1F3C0] =	vst v63;
	v63 =	vld [tilespmem:$0x90];
	_ =	sdelay $0x4  }
0x21: {  	[tilespmem:$0x1F3A0] =	vst v63;
	v63 =	vld [tilespmem:$0x410];
	_ =	sdelay $0x4  }
0x22: {  	[tilespmem:$0x1F3B0] =	vst v63;
	v63 =	vld [tilespmem:$0x810];
	_ =	sdelay $0x4  }
0x23: {  	[tilespmem:$0x1F3F0] =	vst v63;
	v63 =	vld [tilespmem:$0x80];
	_ =	sdelay $0x4  }
0x24: {  	[tilespmem:$0x1F3D0] =	vst v63;
	v63 =	vld [tilespmem:$0x400];
	_ =	sdelay $0x4  }
0x25: {  	[tilespmem:$0x1F3E0] =	vst v63;
	v63 =	vld [tilespmem:$0x880];
	_ =	sdelay $0x4  }
0x26: {  	[tilespmem:$0x1F420] =	vst v63;
	v63 =	vld [tilespmem:$0x90];
	_ =	sdelay $0x4  }
0x27: {  	[tilespmem:$0x1F400] =	vst v63;
	v63 =	vld [tilespmem:$0x410];
	_ =	sdelay $0x4  }
0x28: {  	[tilespmem:$0x1F410] =	vst v63;
	v63 =	vld [tilespmem:$0x890];
	_ =	sdelay $0x4  }
0x29: {  	[tilespmem:$0x1F450] =	vst v63;
	v63 =	vld [tilespmem:$0x80];
	_ =	sdelay $0x4  }
0x2a: {  	[tilespmem:$0x1F430] =	vst v63;
	v63 =	vld [tilespmem:$0x480];
	_ =	sdelay $0x4  }
0x2b: {  	[tilespmem:$0x1F440] =	vst v63;
	v63 =	vld [tilespmem:$0x800];
	_ =	sdelay $0x4  }
0x2c: {  	[tilespmem:$0x1F480] =	vst v63;
	v63 =	vld [tilespmem:$0x90];
	_ =	sdelay $0x4  }
0x2d: {  	[tilespmem:$0x1F460] =	vst v63;
	v63 =	vld [tilespmem:$0x490];
	_ =	sdelay $0x4  }
0x2e: {  	[tilespmem:$0x1F470] =	vst v63;
	v63 =	vld [tilespmem:$0x810];
	_ =	sdelay $0x4  }
0x2f: {  	[tilespmem:$0x1F4B0] =	vst v63;
	v63 =	vld [tilespmem:$0x80];
	_ =	sdelay $0x4  }
0x30: {  	[tilespmem:$0x1F490] =	vst v63;
	v63 =	vld [tilespmem:$0x480];
	_ =	sdelay $0x4  }
0x31: {  	[tilespmem:$0x1F4A0] =	vst v63;
	v63 =	vld [tilespmem:$0x880];
	_ =	sdelay $0x4  }
0x32: {  	[tilespmem:$0x1F4E0] =	vst v63;
	v63 =	vld [tilespmem:$0x90];
	_ =	sdelay $0x4  }
0x33: {  	[tilespmem:$0x1F4C0] =	vst v63;
	v63 =	vld [tilespmem:$0x490];
	_ =	sdelay $0x4  }
0x34: {  	[tilespmem:$0x1F4D0] =	vst v63;
	v63 =	vld [tilespmem:$0x890];
	_ =	sdelay $0x4  }
0x35: {  	[tilespmem:$0x1F510] =	vst v63;
	v63 =	vld [tilespmem:$0x80];
	_ =	sdelay $0x4  }
0x36: {  	[tilespmem:$0x1F4F0] =	vst v63;
	v63 =	vld [tilespmem:$0x500];
	_ =	sdelay $0x4  }
0x37: {  	[tilespmem:$0x1F500] =	vst v63;
	v63 =	vld [tilespmem:$0x800];
	_ =	sdelay $0x4  }
0x38: {  	[tilespmem:$0x1F540] =	vst v63;
	v63 =	vld [tilespmem:$0x90];
	_ =	sdelay $0x4  }
0x39: {  	[tilespmem:$0x1F520] =	vst v63;
	v63 =	vld [tilespmem:$0x510];
	_ =	sdelay $0x4  }
0x3a: {  	[tilespmem:$0x1F530] =	vst v63;
	v63 =	vld [tilespmem:$0x810];
	_ =	sdelay $0x4  }
0x3b: {  	[tilespmem:$0x1F570] =	vst v63;
	v63 =	vld [tilespmem:$0x80];
	_ =	sdelay $0x4  }
0x3c: {  	[tilespmem:$0x1F550] =	vst v63;
	v63 =	vld [tilespmem:$0x500];
	_ =	sdelay $0x4  }
0x3d: {  	[tilespmem:$0x1F560] =	vst v63;
	v63 =	vld [tilespmem:$0x880];
	_ =	sdelay $0x4  }
0x3e: {  	[tilespmem:$0x1F5A0] =	vst v63;
	v63 =	vld [tilespmem:$0x90];
	_ =	sdelay $0x4  }
0x3f: {  	[tilespmem:$0x1F580] =	vst v63;
	v63 =	vld [tilespmem:$0x510];
	_ =	sdelay $0x4  }
0x40: {  	[tilespmem:$0x1F590] =	vst v63;
	v63 =	vld [tilespmem:$0x890];
	_ =	sdelay $0x4  }
0x41: {  	[tilespmem:$0x1F5D0] =	vst v63;
	v63 =	vld [tilespmem:$0x80];
	_ =	sdelay $0x4  }
0x42: {  	[tilespmem:$0x1F5B0] =	vst v63;
	v63 =	vld [tilespmem:$0x580];
	_ =	sdelay $0x4  }
0x43: {  	[tilespmem:$0x1F5C0] =	vst v63;
	v63 =	vld [tilespmem:$0x800];
	_ =	sdelay $0x4  }
0x44: {  	[tilespmem:$0x1F600] =	vst v63;
	v63 =	vld [tilespmem:$0x90];
	_ =	sdelay $0x4  }
0x45: {  	[tilespmem:$0x1F5E0] =	vst v63;
	v63 =	vld [tilespmem:$0x590];
	_ =	sdelay $0x4  }
0x46: {  	[tilespmem:$0x1F5F0] =	vst v63;
	v63 =	vld [tilespmem:$0x810];
	_ =	sdelay $0x4  }
0x47: {  	[tilespmem:$0x1F630] =	vst v63;
	v63 =	vld [tilespmem:$0x80];
	_ =	sdelay $0x4  }
0x48: {  	[tilespmem:$0x1F610] =	vst v63;
	v63 =	vld [tilespmem:$0x580];
	_ =	sdelay $0x4  }
0x49: {  	[tilespmem:$0x1F620] =	vst v63;
	v63 =	vld [tilespmem:$0x880];
	_ =	sdelay $0x4  }
0x4a: {  	[tilespmem:$0x1F660] =	vst v63;
	v63 =	vld [tilespmem:$0x90];
	_ =	sdelay $0x4  }
0x4b: {  	[tilespmem:$0x1F640] =	vst v63;
	v63 =	vld [tilespmem:$0x590];
	_ =	sdelay $0x4  }
0x4c: {  	[tilespmem:$0x1F650] =	vst v63;
	v63 =	vld [tilespmem:$0x890];
	_ =	sdelay $0x4  }
0x4d: {  	[tilespmem:$0x1F690] =	vst v63;
	v63 =	vld [tilespmem:$0x80];
	_ =	sdelay $0x4  }
0x4e: {  	[tilespmem:$0x1F670] =	vst v63;
	v63 =	vld [tilespmem:$0x600];
	_ =	sdelay $0x4  }
0x4f: {  	[tilespmem:$0x1F680] =	vst v63;
	v63 =	vld [tilespmem:$0x800];
	_ =	sdelay $0x4  }
0x50: {  	[tilespmem:$0x1F6C0] =	vst v63;
	v63 =	vld [tilespmem:$0x90];
	_ =	sdelay $0x4  }
0x51: {  	[tilespmem:$0x1F6A0] =	vst v63;
	v63 =	vld [tilespmem:$0x610];
	_ =	sdelay $0x4  }
0x52: {  	[tilespmem:$0x1F6B0] =	vst v63;
	v63 =	vld [tilespmem:$0x810];
	_ =	sdelay $0x4  }
0x53: {  	[tilespmem:$0x1F6F0] =	vst v63;
	v63 =	vld [tilespmem:$0x80];
	_ =	sdelay $0x4  }
0x54: {  	[tilespmem:$0x1F6D0] =	vst v63;
	v63 =	vld [tilespmem:$0x600];
	_ =	sdelay $0x4  }
0x55: {  	[tilespmem:$0x1F6E0] =	vst v63;
	v63 =	vld [tilespmem:$0x880];
	_ =	sdelay $0x4  }
0x56: {  	[tilespmem:$0x1F720] =	vst v63;
	v63 =	vld [tilespmem:$0x90];
	_ =	sdelay $0x4  }
0x57: {  	[tilespmem:$0x1F700] =	vst v63;
	v63 =	vld [tilespmem:$0x610];
	_ =	sdelay $0x4  }
0x58: {  	[tilespmem:$0x1F710] =	vst v63;
	v63 =	vld [tilespmem:$0x890];
	_ =	sdelay $0x4  }
0x59: {  	[tilespmem:$0x1F750] =	vst v63;
	v63 =	vld [tilespmem:$0x80];
	_ =	sdelay $0x4  }
0x5a: {  	[tilespmem:$0x1F730] =	vst v63;
	v63 =	vld [tilespmem:$0x680];
	_ =	sdelay $0x4  }
0x5b: {  	[tilespmem:$0x1F740] =	vst v63;
	v63 =	vld [tilespmem:$0x800];
	_ =	sdelay $0x4  }
0x5c: {  	[tilespmem:$0x1F780] =	vst v63;
	v63 =	vld [tilespmem:$0x90];
	_ =	sdelay $0x4  }
0x5d: {  	[tilespmem:$0x1F760] =	vst v63;
	v63 =	vld [tilespmem:$0x690];
	_ =	sdelay $0x4  }
0x5e: {  	[tilespmem:$0x1F770] =	vst v63;
	v63 =	vld [tilespmem:$0x810];
	_ =	sdelay $0x4  }
0x5f: {  	[tilespmem:$0x1F7B0] =	vst v63;
	v63 =	vld [tilespmem:$0x80];
	_ =	sdelay $0x4  }
0x60: {  	[tilespmem:$0x1F790] =	vst v63;
	v63 =	vld [tilespmem:$0x680];
	_ =	sdelay $0x4  }
0x61: {  	[tilespmem:$0x1F7A0] =	vst v63;
	v63 =	vld [tilespmem:$0x880];
	_ =	sdelay $0x4  }
0x62: {  	[tilespmem:$0x1F7E0] =	vst v63;
	v63 =	vld [tilespmem:$0x90];
	_ =	sdelay $0x4  }
0x63: {  	[tilespmem:$0x1F7C0] =	vst v63;
	v63 =	vld [tilespmem:$0x690];
	_ =	sdelay $0x4  }
0x64: {  	[tilespmem:$0x1F7D0] =	vst v63;
	v63 =	vld [tilespmem:$0x890];
	_ =	sdelay $0x4  }
0x65: {  	[tilespmem:$0x1F810] =	vst v63;
	v63 =	vld [tilespmem:$0x100];
	_ =	sdelay $0x4  }
0x66: {  	[tilespmem:$0x1F7F0] =	vst v63;
	v63 =	vld [tilespmem:$0x400];
	_ =	sdelay $0x4  }
0x67: {  	[tilespmem:$0x1F800] =	vst v63;
	v63 =	vld [tilespmem:$0x800];
	_ =	sdelay $0x4  }
0x68: {  	[tilespmem:$0x1F840] =	vst v63;
	v63 =	vld [tilespmem:$0x110];
	_ =	sdelay $0x4  }
0x69: {  	[tilespmem:$0x1F820] =	vst v63;
	v63 =	vld [tilespmem:$0x410];
	_ =	sdelay $0x4  }
0x6a: {  	[tilespmem:$0x1F830] =	vst v63;
	v63 =	vld [tilespmem:$0x810];
	_ =	sdelay $0x4  }
0x6b: {  	[tilespmem:$0x1F870] =	vst v63;
	v63 =	vld [tilespmem:$0x100];
	_ =	sdelay $0x4  }
0x6c: {  	[tilespmem:$0x1F850] =	vst v63;
	v63 =	vld [tilespmem:$0x400];
	_ =	sdelay $0x4  }
0x6d: {  	[tilespmem:$0x1F860] =	vst v63;
	v63 =	vld [tilespmem:$0x880];
	_ =	sdelay $0x4  }
0x6e: {  	[tilespmem:$0x1F8A0] =	vst v63;
	v63 =	vld [tilespmem:$0x110];
	_ =	sdelay $0x4  }
0x6f: {  	[tilespmem:$0x1F880] =	vst v63;
	v63 =	vld [tilespmem:$0x410];
	_ =	sdelay $0x4  }
0x70: {  	[tilespmem:$0x1F890] =	vst v63;
	v63 =	vld [tilespmem:$0x890];
	_ =	sdelay $0x4  }
0x71: {  	[tilespmem:$0x1F8D0] =	vst v63;
	v63 =	vld [tilespmem:$0x100];
	_ =	sdelay $0x4  }
0x72: {  	[tilespmem:$0x1F8B0] =	vst v63;
	v63 =	vld [tilespmem:$0x480];
	_ =	sdelay $0x4  }
0x73: {  	[tilespmem:$0x1F8C0] =	vst v63;
	v63 =	vld [tilespmem:$0x800];
	_ =	sdelay $0x4  }
0x74: {  	[tilespmem:$0x1F900] =	vst v63;
	v63 =	vld [tilespmem:$0x110];
	_ =	sdelay $0x4  }
0x75: {  	[tilespmem:$0x1F8E0] =	vst v63;
	v63 =	vld [tilespmem:$0x490];
	_ =	sdelay $0x4  }
0x76: {  	[tilespmem:$0x1F8F0] =	vst v63;
	v63 =	vld [tilespmem:$0x810];
	_ =	sdelay $0x4  }
0x77: {  	[tilespmem:$0x1F930] =	vst v63;
	v63 =	vld [tilespmem:$0x100];
	_ =	sdelay $0x4  }
0x78: {  	[tilespmem:$0x1F910] =	vst v63;
	v63 =	vld [tilespmem:$0x480];
	_ =	sdelay $0x4  }
0x79: {  	[tilespmem:$0x1F920] =	vst v63;
	v63 =	vld [tilespmem:$0x880];
	_ =	sdelay $0x4  }
0x7a: {  	[tilespmem:$0x1F960] =	vst v63;
	v63 =	vld [tilespmem:$0x110];
	_ =	sdelay $0x4  }
0x7b: {  	[tilespmem:$0x1F940] =	vst v63;
	v63 =	vld [tilespmem:$0x490];
	_ =	sdelay $0x4  }
0x7c: {  	[tilespmem:$0x1F950] =	vst v63;
	v63 =	vld [tilespmem:$0x890];
	_ =	sdelay $0x4  }
0x7d: {  	[tilespmem:$0x1F990] =	vst v63;
	v63 =	vld [tilespmem:$0x100];
	_ =	sdelay $0x4  }
0x7e: {  	[tilespmem:$0x1F970] =	vst v63;
	v63 =	vld [tilespmem:$0x500];
	_ =	sdelay $0x4  }
0x7f: {  	[tilespmem:$0x1F980] =	vst v63;
	v63 =	vld [tilespmem:$0x800];
	_ =	sdelay $0x4  }
0x80: {  	[tilespmem:$0x1F9C0] =	vst v63;
	v63 =	vld [tilespmem:$0x110];
	_ =	sdelay $0x4  }
0x81: {  	[tilespmem:$0x1F9A0] =	vst v63;
	v63 =	vld [tilespmem:$0x510];
	_ =	sdelay $0x4  }
0x82: {  	[tilespmem:$0x1F9B0] =	vst v63;
	v63 =	vld [tilespmem:$0x810];
	_ =	sdelay $0x4  }
0x83: {  	[tilespmem:$0x1F9F0] =	vst v63;
	v63 =	vld [tilespmem:$0x100];
	_ =	sdelay $0x4  }
0x84: {  	[tilespmem:$0x1F9D0] =	vst v63;
	v63 =	vld [tilespmem:$0x500];
	_ =	sdelay $0x4  }
0x85: {  	[tilespmem:$0x1F9E0] =	vst v63;
	v63 =	vld [tilespmem:$0x880];
	_ =	sdelay $0x4  }
0x86: {  	[tilespmem:$0x1FA20] =	vst v63;
	v63 =	vld [tilespmem:$0x110];
	_ =	sdelay $0x4  }
0x87: {  	[tilespmem:$0x1FA00] =	vst v63;
	v63 =	vld [tilespmem:$0x510];
	_ =	sdelay $0x4  }
0x88: {  	[tilespmem:$0x1FA10] =	vst v63;
	v63 =	vld [tilespmem:$0x890];
	_ =	sdelay $0x4  }
0x89: {  	[tilespmem:$0x1FA50] =	vst v63;
	v63 =	vld [tilespmem:$0x100];
	_ =	sdelay $0x4  }
0x8a: {  	[tilespmem:$0x1FA30] =	vst v63;
	v63 =	vld [tilespmem:$0x580];
	_ =	sdelay $0x4  }
0x8b: {  	[tilespmem:$0x1FA40] =	vst v63;
	v63 =	vld [tilespmem:$0x800];
	_ =	sdelay $0x4  }
0x8c: {  	[tilespmem:$0x1FA80] =	vst v63;
	v63 =	vld [tilespmem:$0x110];
	_ =	sdelay $0x4  }
0x8d: {  	[tilespmem:$0x1FA60] =	vst v63;
	v63 =	vld [tilespmem:$0x590];
	_ =	sdelay $0x4  }
0x8e: {  	[tilespmem:$0x1FA70] =	vst v63;
	v63 =	vld [tilespmem:$0x810];
	_ =	sdelay $0x4  }
0x8f: {  	[tilespmem:$0x1FAB0] =	vst v63;
	v63 =	vld [tilespmem:$0x100];
	_ =	sdelay $0x4  }
0x90: {  	[tilespmem:$0x1FA90] =	vst v63;
	v63 =	vld [tilespmem:$0x580];
	_ =	sdelay $0x4  }
0x91: {  	[tilespmem:$0x1FAA0] =	vst v63;
	v63 =	vld [tilespmem:$0x880];
	_ =	sdelay $0x4  }
0x92: {  	[tilespmem:$0x1FAE0] =	vst v63;
	v63 =	vld [tilespmem:$0x110];
	_ =	sdelay $0x4  }
0x93: {  	[tilespmem:$0x1FAC0] =	vst v63;
	v63 =	vld [tilespmem:$0x590];
	_ =	sdelay $0x4  }
0x94: {  	[tilespmem:$0x1FAD0] =	vst v63;
	v63 =	vld [tilespmem:$0x890];
	_ =	sdelay $0x4  }
0x95: {  	[tilespmem:$0x1FB10] =	vst v63;
	v63 =	vld [tilespmem:$0x100];
	_ =	sdelay $0x4  }
0x96: {  	[tilespmem:$0x1FAF0] =	vst v63;
	v63 =	vld [tilespmem:$0x600];
	_ =	sdelay $0x4  }
0x97: {  	[tilespmem:$0x1FB00] =	vst v63;
	v63 =	vld [tilespmem:$0x800];
	_ =	sdelay $0x4  }
0x98: {  	[tilespmem:$0x1FB40] =	vst v63;
	v63 =	vld [tilespmem:$0x110];
	_ =	sdelay $0x4  }
0x99: {  	[tilespmem:$0x1FB20] =	vst v63;
	v63 =	vld [tilespmem:$0x610];
	_ =	sdelay $0x4  }
0x9a: {  	[tilespmem:$0x1FB30] =	vst v63;
	v63 =	vld [tilespmem:$0x810];
	_ =	sdelay $0x4  }
0x9b: {  	[tilespmem:$0x1FB70] =	vst v63;
	v63 =	vld [tilespmem:$0x100];
	_ =	sdelay $0x4  }
0x9c: {  	[tilespmem:$0x1FB50] =	vst v63;
	v63 =	vld [tilespmem:$0x600];
	_ =	sdelay $0x4  }
0x9d: {  	[tilespmem:$0x1FB60] =	vst v63;
	v63 =	vld [tilespmem:$0x880];
	_ =	sdelay $0x4  }
0x9e: {  	[tilespmem:$0x1FBA0] =	vst v63;
	v63 =	vld [tilespmem:$0x110];
	_ =	sdelay $0x4  }
0x9f: {  	[tilespmem:$0x1FB80] =	vst v63;
	v63 =	vld [tilespmem:$0x610];
	_ =	sdelay $0x4  }
0xa0: {  	[tilespmem:$0x1FB90] =	vst v63;
	v63 =	vld [tilespmem:$0x890];
	_ =	sdelay $0x4  }
0xa1: {  	[tilespmem:$0x1FBD0] =	vst v63;
	v63 =	vld [tilespmem:$0x100];
	_ =	sdelay $0x4  }
0xa2: {  	[tilespmem:$0x1FBB0] =	vst v63;
	v63 =	vld [tilespmem:$0x680];
	_ =	sdelay $0x4  }
0xa3: {  	[tilespmem:$0x1FBC0] =	vst v63;
	v63 =	vld [tilespmem:$0x800];
	_ =	sdelay $0x4  }
0xa4: {  	[tilespmem:$0x1FC00] =	vst v63;
	v63 =	vld [tilespmem:$0x110];
	_ =	sdelay $0x4  }
0xa5: {  	[tilespmem:$0x1FBE0] =	vst v63;
	v63 =	vld [tilespmem:$0x690];
	_ =	sdelay $0x4  }
0xa6: {  	[tilespmem:$0x1FBF0] =	vst v63;
	v63 =	vld [tilespmem:$0x810];
	_ =	sdelay $0x4  }
0xa7: {  	[tilespmem:$0x1FC30] =	vst v63;
	v63 =	vld [tilespmem:$0x100];
	_ =	sdelay $0x4  }
0xa8: {  	[tilespmem:$0x1FC10] =	vst v63;
	v63 =	vld [tilespmem:$0x680];
	_ =	sdelay $0x4  }
0xa9: {  	[tilespmem:$0x1FC20] =	vst v63;
	v63 =	vld [tilespmem:$0x880];
	_ =	sdelay $0x4  }
0xaa: {  	[tilespmem:$0x1FC60] =	vst v63;
	v63 =	vld [tilespmem:$0x110];
	_ =	sdelay $0x4  }
0xab: {  	[tilespmem:$0x1FC40] =	vst v63;
	v63 =	vld [tilespmem:$0x690];
	_ =	sdelay $0x1  }
0xac: {  	v10 =	vld [tilespmem:$0x0]  }
0xad: {  	v6 =	vld [tilespmem:$0x400]  }
0xae: {  	v17 =	vld [tilespmem:$0x800]  }
0xaf: {  	[tilespmem:$0x1FC50] =	vst v63;
	v63 =	vld [tilespmem:$0x890]  }
0xb0: {  	v7 =	vld [tilespmem:$0x10]  }
0xb1: {  	v1 =	vld [tilespmem:$0x410]  }
0xb2: {  	v14 =	vld [tilespmem:$0x810]  }
0xb3: {  	v8 =	vld [tilespmem:$0x0]  }
0xb4: {  	[tilespmem:$0x1FC90] =	vst v63;
	v63 =	vld [tilespmem:$0x180]  }
0xb5: {  	v2 =	vld [tilespmem:$0x400]  }
0xb6: {  	v19 =	vld [tilespmem:$0x880]  }
0xb7: {  	v4 =	vld [tilespmem:$0x10]  }
0xb8: {  	v3 =	vld [tilespmem:$0x410]  }
0xb9: {  	[tilespmem:$0x1FC70] =	vst v63;
	v63 =	vld [tilespmem:$0x400]  }
0xba: {  	v22 =	vld [tilespmem:$0x890]  }
0xbb: {  	v11 =	vld [tilespmem:$0x0]  }
0xbc: {  	v5 =	vld [tilespmem:$0x480]  }
0xbd: {  	v25 =	vld [tilespmem:$0x800]  }
0xbe: {  	[tilespmem:$0x1FC80] =	vst v63;
	v63 =	vld [tilespmem:$0x800]  }
0xbf: {  	v13 =	vld [tilespmem:$0x10]  }
0xc0: {  	v9 =	vld [tilespmem:$0x490]  }
0xc1: {  	v28 =	vld [tilespmem:$0x810]  }
0xc2: {  	v15 =	vld [tilespmem:$0x0]  }
0xc3: {  	[tilespmem:$0x1FCC0] =	vst v63;
	v63 =	vld [tilespmem:$0x190]  }
0xc4: {  	v12 =	vld [tilespmem:$0x480]  }
0xc5: {  	v31 =	vld [tilespmem:$0x880]  }
0xc6: {  	v20 =	vld [tilespmem:$0x10]  }
0xc7: {  	v16 =	vld [tilespmem:$0x490]  }
0xc8: {  	[tilespmem:$0x1FCA0] =	vst v63;
	v63 =	vld [tilespmem:$0x410]  }
0xc9: {  	v34 =	vld [tilespmem:$0x890]  }
0xca: {  	v23 =	vld [tilespmem:$0x0]  }
0xcb: {  	v18 =	vld [tilespmem:$0x500]  }
0xcc: {  	v37 =	vld [tilespmem:$0x800]  }
0xcd: {  	[tilespmem:$0x1FCB0] =	vst v63;
	v63 =	vld [tilespmem:$0x810]  }
0xce: {  	v26 =	vld [tilespmem:$0x10]  }
0xcf: {  	v21 =	vld [tilespmem:$0x510]  }
0xd0: {  	v40 =	vld [tilespmem:$0x810]  }
0xd1: {  	v29 =	vld [tilespmem:$0x0]  }
0xd2: {  	[tilespmem:$0x1FCF0] =	vst v63;
	v63 =	vld [tilespmem:$0x180]  }
0xd3: {  	v24 =	vld [tilespmem:$0x500]  }
0xd4: {  	v43 =	vld [tilespmem:$0x880]  }
0xd5: {  	v32 =	vld [tilespmem:$0x10]  }
0xd6: {  	v27 =	vld [tilespmem:$0x510]  }
0xd7: {  	[tilespmem:$0x1FCD0] =	vst v63;
	v63 =	vld [tilespmem:$0x400]  }
0xd8: {  	v46 =	vld [tilespmem:$0x890]  }
0xd9: {  	v35 =	vld [tilespmem:$0x0]  }
0xda: {  	v30 =	vld [tilespmem:$0x580]  }
0xdb: {  	v49 =	vld [tilespmem:$0x800]  }
0xdc: {  	[tilespmem:$0x1FCE0] =	vst v63;
	v63 =	vld [tilespmem:$0x880]  }
0xdd: {  	v38 =	vld [tilespmem:$0x10]  }
0xde: {  	v33 =	vld [tilespmem:$0x590]  }
0xdf: {  	v52 =	vld [tilespmem:$0x810]  }
0xe0: {  	v41 =	vld [tilespmem:$0x0]  }
0xe1: {  	[tilespmem:$0x1FD20] =	vst v63;
	v63 =	vld [tilespmem:$0x190]  }
0xe2: {  	v36 =	vld [tilespmem:$0x580]  }
0xe3: {  	v55 =	vld [tilespmem:$0x880]  }
0xe4: {  	v44 =	vld [tilespmem:$0x10]  }
0xe5: {  	v39 =	vld [tilespmem:$0x590]  }
0xe6: {  	[tilespmem:$0x1FD00] =	vst v63;
	v63 =	vld [tilespmem:$0x410]  }
0xe7: {  	v58 =	vld [tilespmem:$0x890]  }
0xe8: {  	v47 =	vld [tilespmem:$0x0]  }
0xe9: {  	v42 =	vld [tilespmem:$0x600]  }
0xea: {  	v62 =	vld [tilespmem:$0x800]  }
0xeb: {  	[tilespmem:$0x1FD10] =	vst v63;
	v63 =	vld [tilespmem:$0x890]  }
0xec: {  	v50 =	vld [tilespmem:$0x10]  }
0xed: {  	v45 =	vld [tilespmem:$0x610]  }
0xee: {  	v48 =	vld [tilespmem:$0x810]  }
0xef: {  	v53 =	vld [tilespmem:$0x0]  }
0xf0: {  	[tilespmem:$0x1FD50] =	vst v63;
	v63 =	vld [tilespmem:$0x180]  }
0xf1: {  	v51 =	vld [tilespmem:$0x880]  }
0xf2: {  	v56 =	vld [tilespmem:$0x10]  }
0xf3: {  	v54 =	vld [tilespmem:$0x890]  }
0xf4: {  	v60 =	vld [tilespmem:$0x810]  }
0xf5: {  	[tilespmem:$0x1FD30] =	vst v63;
	v63 =	vld [tilespmem:$0x480]  }
0xf6: {  	v59 =	vld [tilespmem:$0x0]  }
0xf7: {  	v57 =	vld [tilespmem:$0x800]  }
0xf8: {  	v61 =	vld [tilespmem:$0x10];
	[tilespmem:$0x1F2E0] =	vst v48  }
0xf9: {  	[tilespmem:$0x1F330] =	vst v60;
	v60 =	vld [tilespmem:$0x0]  }
0xfa: {  	[tilespmem:$0x1FD40] =	vst v63;
	v63 =	vld [tilespmem:$0x800]  }
0xfb: {  	v48 =	vld [tilespmem:$0x600];
	[tilespmem:$0x1F2F0] =	vst v51  }
0xfc: {  	v51 =	vld [tilespmem:$0x610];
	[tilespmem:$0x1F300] =	vst v54  }
0xfd: {  	v54 =	vld [tilespmem:$0x680];
	[tilespmem:$0x1F310] =	vst v57  }
0xfe: {  	v57 =	vld [tilespmem:$0x690];
	[tilespmem:$0x1F320] =	vst v60  }
0xff: {  	v60 =	vld [tilespmem:$0x680];
	[tilespmem:$0x1FD80] =	vst v63  }
0x100: {  	v63 =	vld [tilespmem:$0x190];
	_ =	sdelay $0x4  }
0x101: {  	[tilespmem:$0x1FD60] =	vst v63;
	v63 =	vld [tilespmem:$0x490];
	_ =	sdelay $0x4  }
0x102: {  	[tilespmem:$0x1FD70] =	vst v63;
	v63 =	vld [tilespmem:$0x810];
	_ =	sdelay $0x4  }
0x103: {  	[tilespmem:$0x1FDB0] =	vst v63;
	v63 =	vld [tilespmem:$0x180];
	_ =	sdelay $0x4  }
0x104: {  	[tilespmem:$0x1FD90] =	vst v63;
	v63 =	vld [tilespmem:$0x480];
	_ =	sdelay $0x4  }
0x105: {  	[tilespmem:$0x1FDA0] =	vst v63;
	v63 =	vld [tilespmem:$0x880];
	_ =	sdelay $0x4  }
0x106: {  	[tilespmem:$0x1FDE0] =	vst v63;
	v63 =	vld [tilespmem:$0x190];
	_ =	sdelay $0x4  }
0x107: {  	[tilespmem:$0x1FDC0] =	vst v63;
	v63 =	vld [tilespmem:$0x490];
	_ =	sdelay $0x4  }
0x108: {  	[tilespmem:$0x1FDD0] =	vst v63;
	v63 =	vld [tilespmem:$0x890];
	_ =	sdelay $0x4  }
0x109: {  	[tilespmem:$0x1FE10] =	vst v63;
	v63 =	vld [tilespmem:$0x180];
	_ =	sdelay $0x4  }
0x10a: {  	[tilespmem:$0x1FDF0] =	vst v63;
	v63 =	vld [tilespmem:$0x500];
	_ =	sdelay $0x3  }
0x10b: {  	v1 =	vadd.f32 v1, v7  }
0x10c: {  	v2 =	vadd.f32 v2, v8;
	[tilespmem:$0x1FE00] =	vst v63;
	v63 =	vld [tilespmem:$0x800]  }
0x10d: {  	v6 =	vadd.f32 v6, v10;
	v1 =	vadd.f32 v14, v1  }
0x10e: {  	v3 =	vadd.f32 v3, v4;
	v2 =	vadd.f32 v19, v2  }
0x10f: {  	v8 =	vadd.f32 v5, v11;
	v6 =	vadd.f32 v17, v6;
	[tilespmem:$0x910] =	vst v1  }
0x110: {  	v1 =	vadd.f32 v22, v3;
	v3 =	vadd.f32 v9, v13;
	[tilespmem:$0x980] =	vst v2  }
0x111: {  	v17 =	vadd.f32 v12, v15;
	v2 =	vadd.f32 v25, v8;
	[tilespmem:$0x1FE30] =	vst v63;
	v63 =	vld [tilespmem:$0x510]  }
0x112: {  	v11 =	vld [tilespmem:$0x500];
	[tilespmem:$0x990] =	vst v1;
	v1 =	vadd.f32 v28, v3  }
0x113: {  	[tilespmem:$0xA00] =	vst v2;
	v2 =	vadd.f32 v31, v17  }
0x114: {  	v23 =	vadd.f32 v18, v23;
	[tilespmem:$0xA10] =	vst v1  }
0x115: {  	v3 =	vadd.f32 v16, v20;
	[tilespmem:$0xA80] =	vst v2  }
0x116: {  	v31 =	vadd.f32 v24, v29;
	v2 =	vadd.f32 v37, v23;
	[tilespmem:$0x1FE20] =	vst v63;
	v63 =	vld [tilespmem:$0x180]  }
0x117: {  	v1 =	vadd.f32 v34, v3;
	v3 =	vadd.f32 v21, v26;
	[tilespmem:$0x1FE50] =	vst v11  }
0x118: {  	[tilespmem:$0xB00] =	vst v2;
	v2 =	vadd.f32 v43, v31  }
0x119: {  	[tilespmem:$0xA90] =	vst v1;
	v1 =	vadd.f32 v40, v3;
	v40 =	vadd.f32 v30, v35  }
0x11a: {  	v3 =	vadd.f32 v27, v32;
	[tilespmem:$0xB80] =	vst v2  }
0x11b: {  	v2 =	vadd.f32 v49, v40;
	[tilespmem:$0x1FE40] =	vst v63;
	v63 =	vadd.f32 v36, v41  }
0x11c: {  	[tilespmem:$0xB10] =	vst v1;
	v1 =	vadd.f32 v46, v3;
	v3 =	vadd.f32 v33, v38  }
0x11d: {  	v11 =	vadd.f32 v42, v47;
	[tilespmem:$0xC00] =	vst v2;
	v2 =	vadd.f32 v55, v63  }
0x11e: {  	[tilespmem:$0xB90] =	vst v1;
	v1 =	vadd.f32 v52, v3  }
0x11f: {  	v14 =	vld [tilespmem:$0x880];
	v3 =	vadd.f32 v39, v44;
	[tilespmem:$0xC80] =	vst v2;
	v2 =	vadd.f32 v62, v11  }
0x120: {  	[tilespmem:$0xC10] =	vst v1  }
0x121: {  	v1 =	vadd.f32 v58, v3;
	[tilespmem:$0xD00] =	vst v2;
	v2 =	vld [tilespmem:$0x1F2F0];
	_ =	sdelay $0x1  }
0x122: {  	[tilespmem:$0xC90] =	vst v1;
	v1 =	vld [tilespmem:$0x1F2E0]  }
0x123: {  	[tilespmem:$0x1FE80] =	vst v14;
	v14 =	vadd.f32 v48, v53;
	_ =	sdelay $0x1  }
0x124: {  	v3 =	vadd.f32 v45, v50;
	v2 =	vadd.f32 v2, v14;
	_ =	sdelay $0x1  }
0x125: {  	v1 =	vadd.f32 v1, v3;
	[tilespmem:$0xD80] =	vst v2;
	v2 =	vld [tilespmem:$0x1F310];
	_ =	sdelay $0x1  }
0x126: {  	[tilespmem:$0xD10] =	vst v1;
	v1 =	vld [tilespmem:$0x1F300]  }
0x127: {  	v17 =	vadd.f32 v54, v59;
	_ =	sdelay $0x1  }
0x128: {  	v3 =	vadd.f32 v51, v56;
	v5 =	vadd.f32 v2, v17;
	v2 =	vld [tilespmem:$0x1F320];
	_ =	sdelay $0x1  }
0x129: {  	v1 =	vadd.f32 v1, v3;
	_ =	sdelay $0x1  }
0x12a: {  	[tilespmem:$0xD90] =	vst v1;
	v1 =	vld [tilespmem:$0x1F330]  }
0x12b: {  	v20 =	vadd.f32 v60, v2;
	v2 =	vld [tilespmem:$0x600];
	_ =	sdelay $0x1  }
0x12c: {  	v3 =	vadd.f32 v57, v61  }
0x12d: {  	v22 =	vld [tilespmem:$0x510]  }
0x12e: {  	v21 =	vadd.f32 v1, v3;
	v1 =	vld [tilespmem:$0x1F340]  }
0x12f: {  	[tilespmem:$0x1FF60] =	vst v2;
	v2 =	vld [tilespmem:$0x1F350];
	_ =	sdelay $0x4  }
0x130: {  	[tilespmem:$0x1FE70] =	vst v22;
	v22 =	vadd.f32 v2, v1;
	v1 =	vld [tilespmem:$0x800];
	_ =	sdelay $0x4  }
0x131: {  	[tilespmem:$0x1FF90] =	vst v1;
	v1 =	vld [tilespmem:$0x1F360];
	_ =	sdelay $0x3  }
0x132: {  	v2 =	vld [tilespmem:$0x1F380]  }
0x133: {  	v23 =	vadd.f32 v1, v20;
	v1 =	vld [tilespmem:$0x1F370];
	_ =	sdelay $0x3  }
0x134: {  	v25 =	vld [tilespmem:$0x890]  }
0x135: {  	v24 =	vadd.f32 v2, v1;
	v1 =	vld [tilespmem:$0x1F390];
	_ =	sdelay $0x3  }
0x136: {  	v2 =	vld [tilespmem:$0x1F3B0]  }
0x137: {  	[tilespmem:$0x1FEB0] =	vst v25;
	v25 =	vadd.f32 v1, v22;
	v1 =	vld [tilespmem:$0x1F3A0];
	_ =	sdelay $0x4  }
0x138: {  	v26 =	vadd.f32 v2, v1;
	v1 =	vld [tilespmem:$0x610];
	_ =	sdelay $0x4  }
0x139: {  	[tilespmem:$0x1FF80] =	vst v1;
	v1 =	vld [tilespmem:$0x1F3C0];
	_ =	sdelay $0x3  }
0x13a: {  	v2 =	vld [tilespmem:$0x1F3E0]  }
0x13b: {  	v11 =	vadd.f32 v1, v24;
	v1 =	vld [tilespmem:$0x1F3D0];
	_ =	sdelay $0x4  }
0x13c: {  	v27 =	vadd.f32 v2, v1;
	v1 =	vld [tilespmem:$0x810];
	_ =	sdelay $0x3  }
0x13d: {  	v9 =	vld [tilespmem:$0x180]  }
0x13e: {  	[tilespmem:$0x1FFC0] =	vst v1;
	v1 =	vld [tilespmem:$0x1F3F0];
	_ =	sdelay $0x2  }
0x13f: {  	v28 =	vld [tilespmem:$0x180]  }
0x140: {  	v2 =	vld [tilespmem:$0x1F410]  }
0x141: {  	[tilespmem:$0x1FEF0] =	vst v9;
	v9 =	vadd.f32 v1, v26;
	v1 =	vld [tilespmem:$0x1F400];
	_ =	sdelay $0x4  }
0x142: {  	[tilespmem:$0x1FE90] =	vst v28;
	v28 =	vadd.f32 v2, v1;
	v1 =	vld [tilespmem:$0x180];
	_ =	sdelay $0x3  }
0x143: {  	v13 =	vld [tilespmem:$0x880]  }
0x144: {  	[tilespmem:$0x1FFA0] =	vst v1;
	v1 =	vld [tilespmem:$0x1F420];
	_ =	sdelay $0x3  }
0x145: {  	v2 =	vld [tilespmem:$0x1F440]  }
0x146: {  	[tilespmem:$0x1FF40] =	vst v13;
	v13 =	vadd.f32 v1, v27;
	v1 =	vld [tilespmem:$0x1F430];
	_ =	sdelay $0x4  }
0x147: {  	v29 =	vadd.f32 v2, v1;
	v1 =	vld [tilespmem:$0x600];
	_ =	sdelay $0x4  }
0x148: {  	[tilespmem:$0x1FFB0] =	vst v1;
	v1 =	vld [tilespmem:$0x1F450];
	_ =	sdelay $0x3  }
0x149: {  	v2 =	vld [tilespmem:$0x1F470]  }
0x14a: {  	v14 =	vadd.f32 v1, v28;
	v1 =	vld [tilespmem:$0x1F460];
	_ =	sdelay $0x4  }
0x14b: {  	v30 =	vadd.f32 v2, v1;
	v1 =	vld [tilespmem:$0x880];
	_ =	sdelay $0x4  }
0x14c: {  	[tilespmem:$0x1FFE0] =	vst v1;
	v1 =	vld [tilespmem:$0x1F480];
	_ =	sdelay $0x3  }
0x14d: {  	v2 =	vld [tilespmem:$0x1F4A0]  }
0x14e: {  	v31 =	vadd.f32 v1, v29;
	v1 =	vld [tilespmem:$0x1F490];
	_ =	sdelay $0x4  }
0x14f: {  	v32 =	vadd.f32 v2, v1;
	v1 =	vld [tilespmem:$0x190];
	_ =	sdelay $0x3  }
0x150: {  	v16 =	vld [tilespmem:$0x590]  }
0x151: {  	[tilespmem:$0x1FFD0] =	vst v1;
	v1 =	vld [tilespmem:$0x1F4B0];
	_ =	sdelay $0x3  }
0x152: {  	v2 =	vld [tilespmem:$0x1F4D0]  }
0x153: {  	[tilespmem:$0x1FF30] =	vst v16;
	v16 =	vadd.f32 v1, v30;
	v1 =	vld [tilespmem:$0x1F4C0];
	_ =	sdelay $0x3  }
0x154: {  	v34 =	vld [tilespmem:$0x580]  }
0x155: {  	v33 =	vadd.f32 v2, v1;
	v1 =	vld [tilespmem:$0x1F4E0];
	_ =	sdelay $0x3  }
0x156: {  	v2 =	vld [tilespmem:$0x1F500]  }
0x157: {  	[tilespmem:$0x1FEA0] =	vst v34;
	v34 =	vadd.f32 v1, v32;
	v1 =	vld [tilespmem:$0x1F4F0];
	_ =	sdelay $0x3  }
0x158: {  	v19 =	vld [tilespmem:$0x190]  }
0x159: {  	v35 =	vadd.f32 v2, v1;
	v1 =	vld [tilespmem:$0x890];
	_ =	sdelay $0x3  }
0x15a: {  	[tilespmem:$0x1FE60] =	vst v19;
	v19 =	vld [tilespmem:$0x180]  }
0x15b: {  	[tilespmem:$0x1FFF0] =	vst v1;
	v1 =	vld [tilespmem:$0x1F510];
	_ =	sdelay $0x3  }
0x15c: {  	v2 =	vld [tilespmem:$0x1F530]  }
0x15d: {  	[tilespmem:$0x1FF50] =	vst v19;
	v19 =	vadd.f32 v1, v33;
	v1 =	vld [tilespmem:$0x1F520];
	_ =	sdelay $0x3  }
0x15e: {  	v37 =	vld [tilespmem:$0x800]  }
0x15f: {  	v36 =	vadd.f32 v2, v1;
	v1 =	vld [tilespmem:$0x1F540];
	_ =	sdelay $0x3  }
0x160: {  	v2 =	vld [tilespmem:$0x1F560]  }
0x161: {  	[tilespmem:$0x1FEE0] =	vst v37;
	v37 =	vadd.f32 v1, v35;
	v1 =	vld [tilespmem:$0x1F550];
	_ =	sdelay $0x4  }
0x162: {  	v38 =	vadd.f32 v2, v1;
	v1 =	vld [tilespmem:$0x1F570];
	_ =	sdelay $0x3  }
0x163: {  	v2 =	vld [tilespmem:$0x1F590]  }
0x164: {  	v20 =	vadd.f32 v1, v36;
	v1 =	vld [tilespmem:$0x1F580];
	_ =	sdelay $0x4  }
0x165: {  	v39 =	vadd.f32 v2, v1;
	v1 =	vld [tilespmem:$0x1F5A0];
	_ =	sdelay $0x3  }
0x166: {  	v2 =	vld [tilespmem:$0x1F5C0]  }
0x167: {  	v22 =	vadd.f32 v1, v38;
	v1 =	vld [tilespmem:$0x1F5B0];
	_ =	sdelay $0x4  }
0x168: {  	v40 =	vadd.f32 v2, v1;
	v1 =	vld [tilespmem:$0x1F5D0];
	_ =	sdelay $0x3  }
0x169: {  	v2 =	vld [tilespmem:$0x1F5F0]  }
0x16a: {  	[tilespmem:$0xE80] =	vst v23;
	v23 =	vadd.f32 v1, v39;
	v1 =	vld [tilespmem:$0x1F5E0];
	_ =	sdelay $0x4  }
0x16b: {  	v41 =	vadd.f32 v2, v1;
	v1 =	vld [tilespmem:$0x1F600];
	_ =	sdelay $0x3  }
0x16c: {  	v2 =	vld [tilespmem:$0x1F620]  }
0x16d: {  	v24 =	vadd.f32 v1, v40;
	v1 =	vld [tilespmem:$0x1F610];
	_ =	sdelay $0x3  }
0x16e: {  	v43 =	vld [tilespmem:$0x190]  }
0x16f: {  	v42 =	vadd.f32 v2, v1;
	v1 =	vld [tilespmem:$0x1F630];
	_ =	sdelay $0x3  }
0x170: {  	v2 =	vld [tilespmem:$0x1F650]  }
0x171: {  	[tilespmem:$0x1FEC0] =	vst v43;
	v43 =	vadd.f32 v1, v41;
	v1 =	vld [tilespmem:$0x1F640];
	_ =	sdelay $0x4  }
0x172: {  	v44 =	vadd.f32 v2, v1;
	v1 =	vld [tilespmem:$0x1F660];
	_ =	sdelay $0x3  }
0x173: {  	v2 =	vld [tilespmem:$0x1F680]  }
0x174: {  	v26 =	vadd.f32 v1, v42;
	v1 =	vld [tilespmem:$0x1F670];
	_ =	sdelay $0x3  }
0x175: {  	v46 =	vld [tilespmem:$0x590]  }
0x176: {  	v45 =	vadd.f32 v2, v1;
	v1 =	vld [tilespmem:$0x1F690];
	_ =	sdelay $0x3  }
0x177: {  	v2 =	vld [tilespmem:$0x1F6B0]  }
0x178: {  	[tilespmem:$0x1FED0] =	vst v46;
	v46 =	vadd.f32 v1, v44;
	v1 =	vld [tilespmem:$0x1F6A0];
	_ =	sdelay $0x4  }
0x179: {  	v47 =	vadd.f32 v2, v1;
	v1 =	vld [tilespmem:$0x1F6C0];
	_ =	sdelay $0x3  }
0x17a: {  	v2 =	vld [tilespmem:$0x1F6E0]  }
0x17b: {  	v48 =	vadd.f32 v1, v45;
	v1 =	vld [tilespmem:$0x1F6D0];
	_ =	sdelay $0x4  }
0x17c: {  	v49 =	vadd.f32 v2, v1;
	v1 =	vld [tilespmem:$0x1F6F0];
	_ =	sdelay $0x3  }
0x17d: {  	v2 =	vld [tilespmem:$0x1F710]  }
0x17e: {  	v50 =	vadd.f32 v1, v47;
	v1 =	vld [tilespmem:$0x1F700];
	_ =	sdelay $0x4  }
0x17f: {  	v51 =	vadd.f32 v2, v1;
	v1 =	vld [tilespmem:$0x1F720];
	_ =	sdelay $0x3  }
0x180: {  	v2 =	vld [tilespmem:$0x1F740]  }
0x181: {  	v30 =	vadd.f32 v1, v49;
	v1 =	vld [tilespmem:$0x1F730];
	_ =	sdelay $0x4  }
0x182: {  	v52 =	vadd.f32 v2, v1;
	v1 =	vld [tilespmem:$0x1F750];
	_ =	sdelay $0x3  }
0x183: {  	v2 =	vld [tilespmem:$0x1F770]  }
0x184: {  	v29 =	vadd.f32 v1, v51;
	v1 =	vld [tilespmem:$0x1F760];
	_ =	sdelay $0x4  }
0x185: {  	v53 =	vadd.f32 v2, v1;
	v1 =	vld [tilespmem:$0x1F780];
	_ =	sdelay $0x3  }
0x186: {  	v2 =	vld [tilespmem:$0x1F7A0]  }
0x187: {  	[tilespmem:$0x1000] =	vst v31;
	v31 =	vadd.f32 v1, v52;
	v1 =	vld [tilespmem:$0x1F790];
	_ =	sdelay $0x4  }
0x188: {  	v54 =	vadd.f32 v2, v1;
	v1 =	vld [tilespmem:$0x1F7B0];
	_ =	sdelay $0x3  }
0x189: {  	v2 =	vld [tilespmem:$0x1F7D0]  }
0x18a: {  	v32 =	vadd.f32 v1, v53;
	v1 =	vld [tilespmem:$0x1F7C0];
	_ =	sdelay $0x4  }
0x18b: {  	v55 =	vadd.f32 v2, v1;
	v1 =	vld [tilespmem:$0x1F7E0];
	_ =	sdelay $0x3  }
0x18c: {  	v2 =	vld [tilespmem:$0x1F800]  }
0x18d: {  	v56 =	vadd.f32 v1, v54;
	v1 =	vld [tilespmem:$0x1F7F0];
	_ =	sdelay $0x4  }
0x18e: {  	v57 =	vadd.f32 v2, v1;
	v1 =	vld [tilespmem:$0x1F810];
	_ =	sdelay $0x3  }
0x18f: {  	v2 =	vld [tilespmem:$0x1F830]  }
0x190: {  	[tilespmem:$0x1080] =	vst v34;
	v34 =	vadd.f32 v1, v55;
	v1 =	vld [tilespmem:$0x1F820];
	_ =	sdelay $0x4  }
0x191: {  	v58 =	vadd.f32 v2, v1;
	v1 =	vld [tilespmem:$0x1F840];
	_ =	sdelay $0x3  }
0x192: {  	v2 =	vld [tilespmem:$0x1F860]  }
0x193: {  	v59 =	vadd.f32 v1, v57;
	v1 =	vld [tilespmem:$0x1F850];
	_ =	sdelay $0x4  }
0x194: {  	v60 =	vadd.f32 v2, v1;
	v1 =	vld [tilespmem:$0x1F870];
	_ =	sdelay $0x3  }
0x195: {  	v2 =	vld [tilespmem:$0x1F890]  }
0x196: {  	[tilespmem:$0x1100] =	vst v37;
	v37 =	vadd.f32 v1, v58;
	v1 =	vld [tilespmem:$0x1F880];
	_ =	sdelay $0x4  }
0x197: {  	v61 =	vadd.f32 v2, v1;
	v1 =	vld [tilespmem:$0x1F8A0];
	_ =	sdelay $0x3  }
0x198: {  	v2 =	vld [tilespmem:$0x1F8C0]  }
0x199: {  	v62 =	vadd.f32 v1, v60;
	v1 =	vld [tilespmem:$0x1F8B0];
	_ =	sdelay $0x4  }
0x19a: {  	v63 =	vadd.f32 v2, v1;
	v1 =	vld [tilespmem:$0x1F8D0];
	_ =	sdelay $0x3  }
0x19b: {  	v2 =	vld [tilespmem:$0x1F8F0]  }
0x19c: {  	v38 =	vadd.f32 v1, v61;
	v1 =	vld [tilespmem:$0x1F8E0];
	_ =	sdelay $0x4  }
0x19d: {  	v4 =	vadd.f32 v2, v1;
	v1 =	vld [tilespmem:$0x1F900];
	_ =	sdelay $0x3  }
0x19e: {  	v2 =	vld [tilespmem:$0x1F920]  }
0x19f: {  	v40 =	vadd.f32 v1, v63;
	v1 =	vld [tilespmem:$0x1F910];
	_ =	sdelay $0x4  }
0x1a0: {  	[tilespmem:$0xE00] =	vst v5;
	v5 =	vadd.f32 v2, v1;
	v1 =	vld [tilespmem:$0x1F930];
	_ =	sdelay $0x3  }
0x1a1: {  	v2 =	vld [tilespmem:$0x1F950]  }
0x1a2: {  	v41 =	vadd.f32 v1, v4;
	v1 =	vld [tilespmem:$0x1F940];
	_ =	sdelay $0x4  }
0x1a3: {  	[tilespmem:$0x900] =	vst v6;
	v6 =	vadd.f32 v2, v1;
	v1 =	vld [tilespmem:$0x1F960];
	_ =	sdelay $0x2  }
0x1a4: {  	v8 =	vld [tilespmem:$0x810]  }
0x1a5: {  	v2 =	vld [tilespmem:$0x1F980]  }
0x1a6: {  	v42 =	vadd.f32 v1, v5;
	v1 =	vld [tilespmem:$0x1F970];
	_ =	sdelay $0x4  }
0x1a7: {  	[tilespmem:$0x1FF10] =	vst v8;
	v8 =	vadd.f32 v2, v1;
	v1 =	vld [tilespmem:$0x1F990];
	_ =	sdelay $0x3  }
0x1a8: {  	v2 =	vld [tilespmem:$0x1F9B0]  }
0x1a9: {  	[tilespmem:$0xF10] =	vst v9;
	v9 =	vadd.f32 v1, v6;
	v1 =	vld [tilespmem:$0x1F9A0];
	_ =	sdelay $0x4  }
0x1aa: {  	[tilespmem:$0xF00] =	vst v11;
	v11 =	vadd.f32 v2, v1;
	v1 =	vld [tilespmem:$0x1F9C0];
	_ =	sdelay $0x2  }
0x1ab: {  	v12 =	vld [tilespmem:$0x580]  }
0x1ac: {  	v2 =	vld [tilespmem:$0x1F9E0]  }
0x1ad: {  	v44 =	vadd.f32 v1, v8;
	v1 =	vld [tilespmem:$0x1F9D0];
	_ =	sdelay $0x4  }
0x1ae: {  	[tilespmem:$0x1FF00] =	vst v12;
	v12 =	vadd.f32 v2, v1;
	v1 =	vld [tilespmem:$0x1F9F0];
	_ =	sdelay $0x3  }
0x1af: {  	v2 =	vld [tilespmem:$0x1FA10]  }
0x1b0: {  	[tilespmem:$0xF80] =	vst v13;
	v13 =	vadd.f32 v1, v11;
	v1 =	vld [tilespmem:$0x1FA00];
	_ =	sdelay $0x4  }
0x1b1: {  	[tilespmem:$0xF90] =	vst v14;
	v14 =	vadd.f32 v2, v1;
	v1 =	vld [tilespmem:$0x1FA20];
	_ =	sdelay $0x3  }
0x1b2: {  	v2 =	vld [tilespmem:$0x1FA40]  }
0x1b3: {  	v52 =	vadd.f32 v1, v12;
	v1 =	vld [tilespmem:$0x1FA30];
	_ =	sdelay $0x4  }
0x1b4: {  	v53 =	vadd.f32 v2, v1;
	v1 =	vld [tilespmem:$0x1FA50];
	_ =	sdelay $0x3  }
0x1b5: {  	v2 =	vld [tilespmem:$0x1FA70]  }
0x1b6: {  	v54 =	vadd.f32 v1, v14;
	v1 =	vld [tilespmem:$0x1FA60];
	_ =	sdelay $0x4  }
0x1b7: {  	v55 =	vadd.f32 v2, v1;
	v1 =	vld [tilespmem:$0x1FA80];
	_ =	sdelay $0x3  }
0x1b8: {  	v2 =	vld [tilespmem:$0x1FAA0]  }
0x1b9: {  	[tilespmem:$0x1300] =	vst v48;
	v48 =	vadd.f32 v1, v53;
	v1 =	vld [tilespmem:$0x1FA90];
	_ =	sdelay $0x4  }
0x1ba: {  	[tilespmem:$0x1480] =	vst v56;
	v56 =	vadd.f32 v2, v1;
	v1 =	vld [tilespmem:$0x1FAB0];
	_ =	sdelay $0x3  }
0x1bb: {  	v2 =	vld [tilespmem:$0x1FAD0]  }
0x1bc: {  	v47 =	vadd.f32 v1, v55;
	v1 =	vld [tilespmem:$0x1FAC0];
	_ =	sdelay $0x4  }
0x1bd: {  	v57 =	vadd.f32 v2, v1;
	v1 =	vld [tilespmem:$0x1FAE0];
	_ =	sdelay $0x3  }
0x1be: {  	v2 =	vld [tilespmem:$0x1FB00]  }
0x1bf: {  	v49 =	vadd.f32 v1, v56;
	v1 =	vld [tilespmem:$0x1FAF0];
	_ =	sdelay $0x4  }
0x1c0: {  	v58 =	vadd.f32 v2, v1;
	v1 =	vld [tilespmem:$0x1FB10];
	_ =	sdelay $0x3  }
0x1c1: {  	v2 =	vld [tilespmem:$0x1FB30]  }
0x1c2: {  	[tilespmem:$0x1310] =	vst v50;
	v50 =	vadd.f32 v1, v57;
	v1 =	vld [tilespmem:$0x1FB20];
	_ =	sdelay $0x4  }
0x1c3: {  	[tilespmem:$0x1500] =	vst v59;
	v59 =	vadd.f32 v2, v1;
	v1 =	vld [tilespmem:$0x1FB40];
	_ =	sdelay $0x3  }
0x1c4: {  	v2 =	vld [tilespmem:$0x1FB60]  }
0x1c5: {  	v60 =	vadd.f32 v1, v58;
	v1 =	vld [tilespmem:$0x1FB50];
	_ =	sdelay $0x4  }
0x1c6: {  	v61 =	vadd.f32 v2, v1;
	v1 =	vld [tilespmem:$0x1FB70];
	_ =	sdelay $0x3  }
0x1c7: {  	v2 =	vld [tilespmem:$0x1FB90]  }
0x1c8: {  	[tilespmem:$0x1780] =	vst v52;
	v52 =	vadd.f32 v1, v59;
	v1 =	vld [tilespmem:$0x1FB80];
	_ =	sdelay $0x4  }
0x1c9: {  	[tilespmem:$0x1580] =	vst v62;
	v62 =	vadd.f32 v2, v1;
	v1 =	vld [tilespmem:$0x1FBA0];
	_ =	sdelay $0x3  }
0x1ca: {  	v2 =	vld [tilespmem:$0x1FBC0]  }
0x1cb: {  	v63 =	vadd.f32 v1, v61;
	v1 =	vld [tilespmem:$0x1FBB0];
	_ =	sdelay $0x4  }
0x1cc: {  	v4 =	vadd.f32 v2, v1;
	v1 =	vld [tilespmem:$0x1FBD0];
	_ =	sdelay $0x3  }
0x1cd: {  	v2 =	vld [tilespmem:$0x1FBF0]  }
0x1ce: {  	v55 =	vadd.f32 v1, v62;
	v1 =	vld [tilespmem:$0x1FBE0];
	_ =	sdelay $0x4  }
0x1cf: {  	v5 =	vadd.f32 v2, v1;
	v1 =	vld [tilespmem:$0x1FC00];
	_ =	sdelay $0x3  }
0x1d0: {  	v2 =	vld [tilespmem:$0x1FC20]  }
0x1d1: {  	v6 =	vadd.f32 v1, v4;
	v1 =	vld [tilespmem:$0x1FC10];
	_ =	sdelay $0x4  }
0x1d2: {  	v8 =	vadd.f32 v2, v1;
	v1 =	vld [tilespmem:$0x1FC30];
	_ =	sdelay $0x3  }
0x1d3: {  	v2 =	vld [tilespmem:$0x1FC50]  }
0x1d4: {  	v56 =	vadd.f32 v1, v5;
	v1 =	vld [tilespmem:$0x1FC40];
	_ =	sdelay $0x4  }
0x1d5: {  	[tilespmem:$0x1690] =	vst v9;
	v9 =	vadd.f32 v2, v1;
	v1 =	vld [tilespmem:$0x1FC60];
	_ =	sdelay $0x3  }
0x1d6: {  	v2 =	vld [tilespmem:$0x1FC80]  }
0x1d7: {  	v11 =	vadd.f32 v1, v8;
	v1 =	vld [tilespmem:$0x1FC70];
	_ =	sdelay $0x4  }
0x1d8: {  	v12 =	vadd.f32 v2, v1;
	v1 =	vld [tilespmem:$0x1FC90];
	_ =	sdelay $0x3  }
0x1d9: {  	v2 =	vld [tilespmem:$0x1FCB0]  }
0x1da: {  	v59 =	vadd.f32 v1, v9;
	v1 =	vld [tilespmem:$0x1FCA0];
	_ =	sdelay $0x4  }
0x1db: {  	[tilespmem:$0x1710] =	vst v13;
	v13 =	vadd.f32 v2, v1;
	v1 =	vld [tilespmem:$0x1FCC0];
	_ =	sdelay $0x3  }
0x1dc: {  	v2 =	vld [tilespmem:$0x1FCE0]  }
0x1dd: {  	v14 =	vadd.f32 v1, v12;
	v1 =	vld [tilespmem:$0x1FCD0];
	_ =	sdelay $0x4  }
0x1de: {  	v4 =	vadd.f32 v2, v1;
	v1 =	vld [tilespmem:$0x1FCF0];
	_ =	sdelay $0x3  }
0x1df: {  	v2 =	vld [tilespmem:$0x1FD10]  }
0x1e0: {  	v5 =	vadd.f32 v1, v13;
	v1 =	vld [tilespmem:$0x1FD00];
	_ =	sdelay $0x4  }
0x1e1: {  	[tilespmem:$0x1A00] =	vst v6;
	v6 =	vadd.f32 v2, v1;
	v1 =	vld [tilespmem:$0x1FD20];
	_ =	sdelay $0x3  }
0x1e2: {  	v2 =	vld [tilespmem:$0x1FD40]  }
0x1e3: {  	v8 =	vadd.f32 v1, v4;
	v1 =	vld [tilespmem:$0x1FD30];
	_ =	sdelay $0x4  }
0x1e4: {  	v9 =	vadd.f32 v2, v1;
	v1 =	vld [tilespmem:$0x1FD50];
	_ =	sdelay $0x3  }
0x1e5: {  	v2 =	vld [tilespmem:$0x1FD70]  }
0x1e6: {  	[tilespmem:$0x1A80] =	vst v11;
	v11 =	vadd.f32 v1, v6;
	v1 =	vld [tilespmem:$0x1FD60];
	_ =	sdelay $0x4  }
0x1e7: {  	v4 =	vadd.f32 v2, v1;
	v1 =	vld [tilespmem:$0x1FD80];
	_ =	sdelay $0x3  }
0x1e8: {  	v2 =	vld [tilespmem:$0x1FDA0]  }
0x1e9: {  	[tilespmem:$0x1B10] =	vst v5;
	v5 =	vadd.f32 v1, v9;
	v1 =	vld [tilespmem:$0x1FD90];
	_ =	sdelay $0x4  }
0x1ea: {  	v6 =	vadd.f32 v2, v1;
	v1 =	vld [tilespmem:$0x1FDB0];
	_ =	sdelay $0x3  }
0x1eb: {  	v2 =	vld [tilespmem:$0x1FDD0]  }
0x1ec: {  	[tilespmem:$0x1A90] =	vst v59;
	v59 =	vadd.f32 v1, v4;
	v1 =	vld [tilespmem:$0x1FDC0];
	_ =	sdelay $0x4  }
0x1ed: {  	v4 =	vadd.f32 v2, v1;
	v1 =	vld [tilespmem:$0x1FDE0];
	_ =	sdelay $0x1  }
0x1ee: {  	v15 =	vld [tilespmem:$0x190]  }
0x1ef: {  	v18 =	vld [tilespmem:$0x890]  }
0x1f0: {  	v2 =	vld [tilespmem:$0x1FE00]  }
0x1f1: {  	[tilespmem:$0x1C00] =	vst v5;
	v5 =	vadd.f32 v1, v6;
	v1 =	vld [tilespmem:$0x1FDF0]  }
0x1f2: {  	v10 =	vld [tilespmem:$0x190]  }
0x1f3: {  	v7 =	vld [tilespmem:$0x810]  }
0x1f4: {  	[tilespmem:$0x1FF20] =	vst v15;
	v15 =	vld [tilespmem:$0x610]  }
0x1f5: {  	[tilespmem:$0x1FF70] =	vst v18;
	v18 =	vld [tilespmem:$0x680]  }
0x1f6: {  	v6 =	vadd.f32 v2, v1;
	v1 =	vld [tilespmem:$0x1FE10]  }
0x1f7: {  	v3 =	vld [tilespmem:$0x190]  }
0x1f8: {  	[tilespmem:$0xE10] =	vst v21;
	v21 =	vld [tilespmem:$0x690]  }
0x1f9: {  	v17 =	vld [tilespmem:$0x800]  }
0x1fa: {  	[tilespmem:$0xE90] =	vst v25;
	v25 =	vld [tilespmem:$0x190]  }
0x1fb: {  	[tilespmem:$0x1C10] =	vst v59;
	v59 =	vadd.f32 v1, v4;
	v1 =	vld [tilespmem:$0x1FE20]  }
0x1fc: {  	[tilespmem:$0x1010] =	vst v16;
	v16 =	vld [tilespmem:$0x180]  }
0x1fd: {  	v27 =	vld [tilespmem:$0x690]  }
0x1fe: {  	[tilespmem:$0x1090] =	vst v19;
	v19 =	vld [tilespmem:$0x190]  }
0x1ff: {  	v28 =	vld [tilespmem:$0x200]  }
0x200: {  	[tilespmem:$0x1900] =	vst v60;
	v60 =	vadd.f32 v1, v10;
	v1 =	vld [tilespmem:$0x1FE30]  }
0x201: {  	v16 =	vadd.f32 v18, v16;
	v18 =	vld [tilespmem:$0x890]  }
0x202: {  	v33 =	vld [tilespmem:$0x410]  }
0x203: {  	v19 =	vadd.f32 v21, v19;
	v21 =	vld [tilespmem:$0x200]  }
0x204: {  	v2 =	vld [tilespmem:$0x1FE50]  }
0x205: {  	v4 =	vadd.f32 v1, v6;
	v1 =	vld [tilespmem:$0x1FE40]  }
0x206: {  	v35 =	vld [tilespmem:$0x880]  }
0x207: {  	v36 =	vld [tilespmem:$0x400]  }
0x208: {  	[tilespmem:$0x1180] =	vst v22;
	v22 =	vld [tilespmem:$0x180]  }
0x209: {  	[tilespmem:$0x1200] =	vst v24;
	v24 =	vld [tilespmem:$0x680]  }
0x20a: {  	[tilespmem:$0x1C80] =	vst v5;
	v5 =	vadd.f32 v2, v1;
	v1 =	vld [tilespmem:$0x1FE60]  }
0x20b: {  	v2 =	vld [tilespmem:$0x1FE70]  }
0x20c: {  	[tilespmem:$0x1110] =	vst v20;
	v20 =	vld [tilespmem:$0x810]  }
0x20d: {  	v39 =	vld [tilespmem:$0x410]  }
0x20e: {  	[tilespmem:$0x1190] =	vst v23;
	v23 =	vld [tilespmem:$0x880]  }
0x20f: {  	v24 =	vadd.f32 v24, v22;
	v22 =	vld [tilespmem:$0x600]  }
0x210: {  	[tilespmem:$0x1C90] =	vst v59;
	v59 =	vadd.f32 v7, v60;
	v60 =	vadd.f32 v2, v1;
	v1 =	vld [tilespmem:$0x1FE80]  }
0x211: {  	[tilespmem:$0x1210] =	vst v43;
	v43 =	vld [tilespmem:$0x210]  }
0x212: {  	[tilespmem:$0x1280] =	vst v26;
	v26 =	vld [tilespmem:$0x890]  }
0x213: {  	[tilespmem:$0x1290] =	vst v46;
	v46 =	vld [tilespmem:$0x200]  }
0x214: {  	v2 =	vld [tilespmem:$0x1FEA0]  }
0x215: {  	v57 =	vadd.f32 v1, v5;
	v1 =	vld [tilespmem:$0x1FE90]  }
0x216: {  	v45 =	vld [tilespmem:$0x490]  }
0x217: {  	[tilespmem:$0x1380] =	vst v30;
	v30 =	vld [tilespmem:$0x400]  }
0x218: {  	[tilespmem:$0x1390] =	vst v29;
	v29 =	vld [tilespmem:$0x800]  }
0x219: {  	[tilespmem:$0x1400] =	vst v31;
	v31 =	vld [tilespmem:$0x210]  }
0x21a: {  	v58 =	vadd.f32 v2, v1;
	v1 =	vld [tilespmem:$0x1FEB0]  }
0x21b: {  	[tilespmem:$0x1410] =	vst v32;
	v32 =	vld [tilespmem:$0x810]  }
0x21c: {  	[tilespmem:$0x1490] =	vst v34;
	v34 =	vld [tilespmem:$0x200]  }
0x21d: {  	[tilespmem:$0x1510] =	vst v37;
	v37 =	vld [tilespmem:$0x210]  }
0x21e: {  	v28 =	vadd.f32 v30, v28;
	v2 =	vld [tilespmem:$0x1FED0]  }
0x21f: {  	[tilespmem:$0x1D10] =	vst v59;
	v59 =	vadd.f32 v1, v60;
	v1 =	vld [tilespmem:$0x1FEC0]  }
0x220: {  	v51 =	vld [tilespmem:$0x490];
	v31 =	vadd.f32 v33, v31;
	v33 =	vadd.f32 v29, v28  }
0x221: {  	[tilespmem:$0x1590] =	vst v38;
	v38 =	vld [tilespmem:$0x890]  }
0x222: {  	v28 =	vld [tilespmem:$0x880];
	[tilespmem:$0x2100] =	vst v33;
	v33 =	vadd.f32 v45, v43  }
0x223: {  	v45 =	vld [tilespmem:$0x200];
	v34 =	vadd.f32 v36, v34;
	v36 =	vadd.f32 v32, v31  }
0x224: {  	v39 =	vadd.f32 v39, v37;
	v60 =	vadd.f32 v2, v1;
	v1 =	vld [tilespmem:$0x1FEE0]  }
0x225: {  	[tilespmem:$0x2110] =	vst v36;
	v36 =	vld [tilespmem:$0x210]  }
0x226: {  	v32 =	vadd.f32 v38, v39;
	v39 =	vld [tilespmem:$0x610]  }
0x227: {  	[tilespmem:$0x1600] =	vst v40;
	v40 =	vld [tilespmem:$0x200]  }
0x228: {  	v2 =	vld [tilespmem:$0x1FF00]  }
0x229: {  	[tilespmem:$0x1D80] =	vst v57;
	v57 =	vadd.f32 v1, v58;
	v1 =	vld [tilespmem:$0x1FEF0]  }
0x22a: {  	[tilespmem:$0x1610] =	vst v41;
	v41 =	vld [tilespmem:$0x800]  }
0x22b: {  	[tilespmem:$0x1680] =	vst v42;
	v42 =	vld [tilespmem:$0x480]  }
0x22c: {  	[tilespmem:$0x1700] =	vst v44;
	v44 =	vld [tilespmem:$0x810]  }
0x22d: {  	[tilespmem:$0x1790] =	vst v54;
	v54 =	vld [tilespmem:$0x500]  }
0x22e: {  	v58 =	vadd.f32 v2, v1;
	v1 =	vld [tilespmem:$0x1FF10]  }
0x22f: {  	v53 =	vld [tilespmem:$0x800]  }
0x230: {  	[tilespmem:$0x1880] =	vst v49;
	v49 =	vld [tilespmem:$0x210]  }
0x231: {  	[tilespmem:$0x1890] =	vst v50;
	v50 =	vld [tilespmem:$0x890]  }
0x232: {  	v2 =	vld [tilespmem:$0x1FF30]  }
0x233: {  	[tilespmem:$0x1D90] =	vst v59;
	v59 =	vadd.f32 v1, v60;
	v1 =	vld [tilespmem:$0x1FF20]  }
0x234: {  	[tilespmem:$0x1800] =	vst v48;
	v48 =	vld [tilespmem:$0x480]  }
0x235: {  	[tilespmem:$0x1810] =	vst v47;
	v47 =	vld [tilespmem:$0x880];
	v38 =	vadd.f32 v51, v49  }
0x236: {  	v51 =	vld [tilespmem:$0x210]  }
0x237: {  	v43 =	vadd.f32 v50, v38;
	v50 =	vld [tilespmem:$0x800]  }
0x238: {  	v60 =	vadd.f32 v2, v1;
	v1 =	vld [tilespmem:$0x1FF40]  }
0x239: {  	[tilespmem:$0x1910] =	vst v52;
	v52 =	vld [tilespmem:$0x200]  }
0x23a: {  	v61 =	vld [tilespmem:$0x510]  }
0x23b: {  	[tilespmem:$0x1990] =	vst v55;
	v55 =	vld [tilespmem:$0x210]  }
0x23c: {  	v2 =	vld [tilespmem:$0x1FF60]  }
0x23d: {  	[tilespmem:$0x1E00] =	vst v57;
	v57 =	vadd.f32 v1, v58;
	v1 =	vld [tilespmem:$0x1FF50]  }
0x23e: {  	[tilespmem:$0x1980] =	vst v63;
	v63 =	vld [tilespmem:$0x500]  }
0x23f: {  	v62 =	vld [tilespmem:$0x200]  }
0x240: {  	v37 =	vadd.f32 v44, v33;
	v44 =	vadd.f32 v61, v55;
	v55 =	vld [tilespmem:$0x680]  }
0x241: {  	[tilespmem:$0x1A10] =	vst v56;
	v56 =	vld [tilespmem:$0x810]  }
0x242: {  	v58 =	vadd.f32 v2, v1;
	v1 =	vld [tilespmem:$0x1FF70]  }
0x243: {  	v12 =	vld [tilespmem:$0x890]  }
0x244: {  	v13 =	vld [tilespmem:$0x210]  }
0x245: {  	[tilespmem:$0x1B80] =	vst v8;
	v8 =	vld [tilespmem:$0x580]  }
0x246: {  	[tilespmem:$0x1B90] =	vst v11;
	v11 =	vld [tilespmem:$0x510]  }
0x247: {  	[tilespmem:$0x1E10] =	vst v59;
	v59 =	vadd.f32 v1, v60;
	v1 =	vld [tilespmem:$0x1FF80]  }
0x248: {  	v9 =	vld [tilespmem:$0x800]  }
0x249: {  	v10 =	vld [tilespmem:$0x200]  }
0x24a: {  	v7 =	vld [tilespmem:$0x210]  }
0x24b: {  	[tilespmem:$0x1E90] =	vst v59;
	v59 =	vld [tilespmem:$0x1FFC0]  }
0x24c: {  	v60 =	vadd.f32 v1, v3;
	v1 =	vld [tilespmem:$0x1FF90]  }
0x24d: {  	v6 =	vld [tilespmem:$0x810]  }
0x24e: {  	v16 =	vadd.f32 v17, v16;
	[tilespmem:$0x1D00] =	vst v4;
	v4 =	vld [tilespmem:$0x200]  }
0x24f: {  	v5 =	vld [tilespmem:$0x590]  }
0x250: {  	[tilespmem:$0x2000] =	vst v16;
	v59 =	vadd.f32 v59, v60;
	v60 =	vld [tilespmem:$0x1FFD0]  }
0x251: {  	[tilespmem:$0x1E80] =	vst v57;
	v57 =	vadd.f32 v1, v58;
	v1 =	vld [tilespmem:$0x1FFA0]  }
0x252: {  	[tilespmem:$0x2190] =	vst v32;
	v58 =	vld [tilespmem:$0x1FFB0]  }
0x253: {  	[tilespmem:$0x2210] =	vst v37;
	v2 =	vld [tilespmem:$0x580]  }
0x254: {  	v49 =	vadd.f32 v56, v44;
	[tilespmem:$0x1F00] =	vst v57;
	v57 =	vld [tilespmem:$0x1FFE0]  }
0x255: {  	[tilespmem:$0x2290] =	vst v43;
	v11 =	vadd.f32 v11, v13;
	v3 =	vld [tilespmem:$0x880]  }
0x256: {  	[tilespmem:$0x2310] =	vst v49;
	v8 =	vadd.f32 v8, v10;
	v15 =	vadd.f32 v15, v60;
	v60 =	vld [tilespmem:$0x590]  }
0x257: {  	[tilespmem:$0x1B00] =	vst v14;
	v11 =	vadd.f32 v12, v11;
	v58 =	vadd.f32 v58, v1;
	v1 =	vld [tilespmem:$0x210]  }
0x258: {  	v8 =	vadd.f32 v9, v8;
	[tilespmem:$0x1F10] =	vst v59;
	v59 =	vadd.f32 v23, v24;
	v23 =	vld [tilespmem:$0x210]  }
0x259: {  	[tilespmem:$0x2390] =	vst v11;
	v5 =	vadd.f32 v5, v7;
	v57 =	vadd.f32 v57, v58;
	v58 =	vld [tilespmem:$0x1FFF0]  }
0x25a: {  	[tilespmem:$0x2400] =	vst v8;
	v2 =	vadd.f32 v2, v4;
	v24 =	vld [tilespmem:$0x610]  }
0x25b: {  	v14 =	vld [tilespmem:$0x880];
	v5 =	vadd.f32 v6, v5;
	[tilespmem:$0x1F80] =	vst v57;
	v57 =	vadd.f32 v20, v19  }
0x25c: {  	v2 =	vadd.f32 v3, v2;
	[tilespmem:$0x2080] =	vst v59;
	v59 =	vld [tilespmem:$0x600];
	v1 =	vadd.f32 v60, v1  }
0x25d: {  	v20 =	vld [tilespmem:$0x800];
	[tilespmem:$0x2010] =	vst v57;
	v57 =	vadd.f32 v35, v34;
	v35 =	vadd.f32 v48, v46  }
0x25e: {  	[tilespmem:$0x2410] =	vst v5;
	v48 =	vld [tilespmem:$0x680];
	v15 =	vadd.f32 v58, v15;
	v58 =	vadd.f32 v27, v25  }
0x25f: {  	v3 =	vadd.f32 v22, v21;
	[tilespmem:$0x2480] =	vst v2;
	v56 =	vadd.f32 v24, v23;
	v25 =	vld [tilespmem:$0x810]  }
0x260: {  	v1 =	vadd.f32 v18, v1;
	[tilespmem:$0x2180] =	vst v57;
	v57 =	vld [tilespmem:$0x210];
	v30 =	vadd.f32 v26, v58  }
0x261: {  	[tilespmem:$0x1F90] =	vst v15;
	v26 =	vld [tilespmem:$0x200];
	v58 =	vadd.f32 v42, v40;
	v40 =	vadd.f32 v47, v35  }
0x262: {  	v42 =	vld [tilespmem:$0x890];
	v47 =	vadd.f32 v63, v62;
	v2 =	vadd.f32 v20, v3;
	[tilespmem:$0x2490] =	vst v1  }
0x263: {  	[tilespmem:$0x2090] =	vst v30;
	v34 =	vadd.f32 v41, v58;
	v41 =	vadd.f32 v54, v52;
	v52 =	vld [tilespmem:$0x690]  }
0x264: {  	[tilespmem:$0x2280] =	vst v40;
	v54 =	vld [tilespmem:$0x200]  }
0x265: {  	v14 =	vadd.f32 v14, v47;
	v58 =	vld [tilespmem:$0x690];
	[tilespmem:$0x2500] =	vst v2;
	v1 =	vadd.f32 v25, v56  }
0x266: {  	[tilespmem:$0x2200] =	vst v34;
	v46 =	vadd.f32 v53, v41;
	v53 =	vld [tilespmem:$0x810];
	v3 =	vadd.f32 v59, v26  }
0x267: {  	v60 =	vld [tilespmem:$0x880];
	[tilespmem:$0x2380] =	vst v14;
	v59 =	vadd.f32 v39, v36  }
0x268: {  	v61 =	vld [tilespmem:$0x890];
	[tilespmem:$0x2510] =	vst v1;
	v2 =	vadd.f32 v28, v3;
	v3 =	vadd.f32 v48, v45  }
0x269: {  	[tilespmem:$0x2300] =	vst v46;
	v1 =	vadd.f32 v42, v59;
	v62 =	vadd.f32 v52, v51  }
0x26a: {  	[tilespmem:$0x2580] =	vst v2;
	v2 =	vadd.f32 v50, v3;
	v3 =	vadd.f32 v55, v54  }
0x26b: {  	v63 =	vadd.f32 v58, v57;
	[tilespmem:$0x2590] =	vst v1;
	v1 =	vadd.f32 v53, v62  }
0x26c: {  	[tilespmem:$0x2600] =	vst v2;
	v2 =	vadd.f32 v60, v3  }
0x26d: {  	[tilespmem:$0x2610] =	vst v1;
	v1 =	vadd.f32 v61, v63  }
0x26e: {  	[tilespmem:$0x2680] =	vst v2  }
0x26f: {  	s17 =	simm.s32 $0x0;
	[tilespmem:$0x2690] =	vst v1  }
.LBB2_2:
0x270: {  	s18 =	smul.u32 $0x190, s17  }
0x271: {  	s19 =	simm.s32 $0x0  }
0x272: {  	v1 =	vmov s19;
	s18 =	sadd.s32 s8, s18  }
0x273: {  	v1 =	vshll.u32 v1, $0x7;
	s18 =	sshll.u32 s18, $0x4  }
0x274: {  	v2 =	vor.u32 v0, v1;
	s20 =	sadd.s32 s6, s18  }
0x275: {  	[tilespmem:s13], [sflag:$0x1] =	stream.linear.gather [hbm4b:s20+s19], $0xC800, $0x38;
	[tilespmem:$0x1B900] =	vst v63  }
0x276: {  	v1 =	vor.u32 $0x1, v2;
	_ =	swait.ge [sflag:s10], $0xC800  }
0x277: {  	v3 =	vor.u32 $0x2, v2;
	[sflag:s10] =	ssyncset.done $0x0  }
0x278: {  	[sflag:s10] =	ssyncadd.s32 $0xFFFF3800  }
0x279: {  	v4 =	vld.idx.msk [tilespmem:v2+s13+$0x0], $0xffff;
	_ =	sdelay $0x1  }
0x27a: {  	v5 =	vld.idx.msk [tilespmem:v1+s13+$0x0], $0xffff  }
0x27b: {  	v6 =	vld.idx.msk [tilespmem:v3+s13+$0x0], $0xffff;
	_ =	sdelay $0x1  }
0x27c: {  	v4 =	vmul.u32 $0x6, v4;
	_ =	sdelay $0x1  }
0x27d: {  	v4 =	vadd.s32 v5, v4  }
0x27e: {  	v5 =	vshll.u32 v6, $0x7;
	v4 =	vshll.u32 v4, $0x8  }
0x27f: {  	v4 =	vadd.s32 v5, v4;
	_ =	sdelay $0x4  }
0x280: {  	v5 =	vld.idx.msk [tilespmem:v4+s14+$0x0], $0xffff  }
0x281: {  	v6 =	vor.u32 $0x1, v4;
	_ =	sdelay $0x3  }
0x282: {  	[tilespmem:v2+s15+$0x0] =	vst.idx.msk $0xffff, v5  }
0x283: {  	v5 =	vld.idx.msk [tilespmem:v6+s14+$0x0], $0xffff  }
0x284: {  	v6 =	vor.u32 $0x2, v4;
	_ =	sdelay $0x3  }
0x285: {  	[tilespmem:v1+s15+$0x0] =	vst.idx.msk $0xffff, v5  }
0x286: {  	v1 =	vld.idx.msk [tilespmem:v6+s14+$0x0], $0xffff  }
0x287: {  	v5 =	vor.u32 $0x3, v4;
	_ =	sdelay $0x3  }
0x288: {  	[tilespmem:v3+s15+$0x0] =	vst.idx.msk $0xffff, v1  }
0x289: {  	v3 =	vor.u32 $0x3, v2;
	v1 =	vld.idx.msk [tilespmem:v5+s14+$0x0], $0xffff  }
0x28a: {  	v5 =	vor.u32 $0x4, v4;
	_ =	sdelay $0x3  }
0x28b: {  	[tilespmem:v3+s15+$0x0] =	vst.idx.msk $0xffff, v1  }
0x28c: {  	v3 =	vor.u32 $0x4, v2;
	v1 =	vld.idx.msk [tilespmem:v5+s14+$0x0], $0xffff  }
0x28d: {  	v5 =	vor.u32 $0x5, v4;
	_ =	sdelay $0x3  }
0x28e: {  	[tilespmem:v3+s15+$0x0] =	vst.idx.msk $0xffff, v1  }
0x28f: {  	v3 =	vor.u32 $0x5, v2;
	v1 =	vld.idx.msk [tilespmem:v5+s14+$0x0], $0xffff  }
0x290: {  	v5 =	vor.u32 $0x6, v4;
	_ =	sdelay $0x3  }
0x291: {  	[tilespmem:v3+s15+$0x0] =	vst.idx.msk $0xffff, v1  }
0x292: {  	v3 =	vor.u32 $0x6, v2;
	v1 =	vld.idx.msk [tilespmem:v5+s14+$0x0], $0xffff  }
0x293: {  	v5 =	vor.u32 $0x7, v4;
	_ =	sdelay $0x3  }
0x294: {  	[tilespmem:v3+s15+$0x0] =	vst.idx.msk $0xffff, v1  }
0x295: {  	v3 =	vor.u32 $0x7, v2;
	v1 =	vld.idx.msk [tilespmem:v5+s14+$0x0], $0xffff  }
0x296: {  	v5 =	vor.u32 $0x8, v4;
	_ =	sdelay $0x3  }
0x297: {  	[tilespmem:v3+s15+$0x0] =	vst.idx.msk $0xffff, v1  }
0x298: {  	v3 =	vor.u32 $0x8, v2;
	v1 =	vld.idx.msk [tilespmem:v5+s14+$0x0], $0xffff  }
0x299: {  	v5 =	vor.u32 $0x9, v4;
	_ =	sdelay $0x3  }
0x29a: {  	[tilespmem:v3+s15+$0x0] =	vst.idx.msk $0xffff, v1  }
0x29b: {  	v3 =	vor.u32 $0x9, v2;
	v1 =	vld.idx.msk [tilespmem:v5+s14+$0x0], $0xffff  }
0x29c: {  	v5 =	vor.u32 $0xA, v4;
	_ =	sdelay $0x3  }
0x29d: {  	[tilespmem:v3+s15+$0x0] =	vst.idx.msk $0xffff, v1  }
0x29e: {  	v3 =	vor.u32 $0xA, v2;
	v1 =	vld.idx.msk [tilespmem:v5+s14+$0x0], $0xffff  }
0x29f: {  	v5 =	vor.u32 $0xB, v4;
	_ =	sdelay $0x3  }
0x2a0: {  	[tilespmem:v3+s15+$0x0] =	vst.idx.msk $0xffff, v1  }
0x2a1: {  	v3 =	vor.u32 $0xB, v2;
	v1 =	vld.idx.msk [tilespmem:v5+s14+$0x0], $0xffff  }
0x2a2: {  	v5 =	vor.u32 $0xC, v4;
	_ =	sdelay $0x3  }
0x2a3: {  	[tilespmem:v3+s15+$0x0] =	vst.idx.msk $0xffff, v1  }
0x2a4: {  	v3 =	vor.u32 $0xC, v2;
	v1 =	vld.idx.msk [tilespmem:v5+s14+$0x0], $0xffff  }
0x2a5: {  	v5 =	vor.u32 $0xD, v4;
	_ =	sdelay $0x3  }
0x2a6: {  	[tilespmem:v3+s15+$0x0] =	vst.idx.msk $0xffff, v1  }
0x2a7: {  	v3 =	vor.u32 $0xD, v2;
	v1 =	vld.idx.msk [tilespmem:v5+s14+$0x0], $0xffff  }
0x2a8: {  	v5 =	vor.u32 $0xE, v4;
	_ =	sdelay $0x3  }
0x2a9: {  	[tilespmem:v3+s15+$0x0] =	vst.idx.msk $0xffff, v1  }
0x2aa: {  	v3 =	vor.u32 $0xE, v2;
	v1 =	vld.idx.msk [tilespmem:v5+s14+$0x0], $0xffff  }
0x2ab: {  	v5 =	vor.u32 $0xF, v4;
	_ =	sdelay $0x3  }
0x2ac: {  	[tilespmem:v3+s15+$0x0] =	vst.idx.msk $0xffff, v1  }
0x2ad: {  	v3 =	vor.u32 $0xF, v2;
	v1 =	vld.idx.msk [tilespmem:v5+s14+$0x0], $0xffff  }
0x2ae: {  	v5 =	vor.u32 $0x10, v4;
	_ =	sdelay $0x3  }
0x2af: {  	[tilespmem:v3+s15+$0x0] =	vst.idx.msk $0xffff, v1  }
0x2b0: {  	v3 =	vor.u32 $0x10, v2;
	v1 =	vld.idx.msk [tilespmem:v5+s14+$0x0], $0xffff  }
0x2b1: {  	v5 =	vor.u32 $0x11, v4;
	_ =	sdelay $0x3  }
0x2b2: {  	[tilespmem:v3+s15+$0x0] =	vst.idx.msk $0xffff, v1  }
0x2b3: {  	v3 =	vor.u32 $0x11, v2;
	v1 =	vld.idx.msk [tilespmem:v5+s14+$0x0], $0xffff  }
0x2b4: {  	v5 =	vor.u32 $0x12, v4;
	_ =	sdelay $0x3  }
0x2b5: {  	[tilespmem:v3+s15+$0x0] =	vst.idx.msk $0xffff, v1  }
0x2b6: {  	v3 =	vor.u32 $0x12, v2;
	v1 =	vld.idx.msk [tilespmem:v5+s14+$0x0], $0xffff  }
0x2b7: {  	v5 =	vor.u32 $0x13, v4;
	_ =	sdelay $0x3  }
0x2b8: {  	[tilespmem:v3+s15+$0x0] =	vst.idx.msk $0xffff, v1  }
0x2b9: {  	v3 =	vor.u32 $0x13, v2;
	v1 =	vld.idx.msk [tilespmem:v5+s14+$0x0], $0xffff  }
0x2ba: {  	v5 =	vor.u32 $0x14, v4;
	_ =	sdelay $0x3  }
0x2bb: {  	[tilespmem:v3+s15+$0x0] =	vst.idx.msk $0xffff, v1  }
0x2bc: {  	v3 =	vor.u32 $0x14, v2;
	v1 =	vld.idx.msk [tilespmem:v5+s14+$0x0], $0xffff  }
0x2bd: {  	v5 =	vor.u32 $0x15, v4;
	_ =	sdelay $0x3  }
0x2be: {  	[tilespmem:v3+s15+$0x0] =	vst.idx.msk $0xffff, v1  }
0x2bf: {  	v3 =	vor.u32 $0x15, v2;
	v1 =	vld.idx.msk [tilespmem:v5+s14+$0x0], $0xffff  }
0x2c0: {  	v5 =	vor.u32 $0x16, v4;
	_ =	sdelay $0x3  }
0x2c1: {  	[tilespmem:v3+s15+$0x0] =	vst.idx.msk $0xffff, v1  }
0x2c2: {  	v3 =	vor.u32 $0x16, v2;
	v1 =	vld.idx.msk [tilespmem:v5+s14+$0x0], $0xffff  }
0x2c3: {  	v5 =	vor.u32 $0x17, v4;
	_ =	sdelay $0x3  }
0x2c4: {  	[tilespmem:v3+s15+$0x0] =	vst.idx.msk $0xffff, v1  }
0x2c5: {  	v3 =	vor.u32 $0x17, v2;
	v1 =	vld.idx.msk [tilespmem:v5+s14+$0x0], $0xffff  }
0x2c6: {  	v5 =	vor.u32 $0x18, v4;
	_ =	sdelay $0x3  }
0x2c7: {  	[tilespmem:v3+s15+$0x0] =	vst.idx.msk $0xffff, v1  }
0x2c8: {  	v3 =	vor.u32 $0x18, v2;
	v1 =	vld.idx.msk [tilespmem:v5+s14+$0x0], $0xffff  }
0x2c9: {  	v5 =	vor.u32 $0x19, v4;
	_ =	sdelay $0x3  }
0x2ca: {  	[tilespmem:v3+s15+$0x0] =	vst.idx.msk $0xffff, v1  }
0x2cb: {  	v3 =	vor.u32 $0x19, v2;
	v1 =	vld.idx.msk [tilespmem:v5+s14+$0x0], $0xffff  }
0x2cc: {  	v5 =	vor.u32 $0x1A, v4;
	_ =	sdelay $0x3  }
0x2cd: {  	[tilespmem:v3+s15+$0x0] =	vst.idx.msk $0xffff, v1  }
0x2ce: {  	v3 =	vor.u32 $0x1A, v2;
	v1 =	vld.idx.msk [tilespmem:v5+s14+$0x0], $0xffff  }
0x2cf: {  	v5 =	vor.u32 $0x1B, v4;
	_ =	sdelay $0x3  }
0x2d0: {  	[tilespmem:v3+s15+$0x0] =	vst.idx.msk $0xffff, v1  }
0x2d1: {  	v3 =	vor.u32 $0x1B, v2;
	v1 =	vld.idx.msk [tilespmem:v5+s14+$0x0], $0xffff  }
0x2d2: {  	v5 =	vor.u32 $0x1C, v4;
	_ =	sdelay $0x3  }
0x2d3: {  	[tilespmem:v3+s15+$0x0] =	vst.idx.msk $0xffff, v1  }
0x2d4: {  	v3 =	vor.u32 $0x1C, v2;
	v1 =	vld.idx.msk [tilespmem:v5+s14+$0x0], $0xffff  }
0x2d5: {  	v5 =	vor.u32 $0x1D, v4;
	_ =	sdelay $0x3  }
0x2d6: {  	[tilespmem:v3+s15+$0x0] =	vst.idx.msk $0xffff, v1  }
0x2d7: {  	v3 =	vor.u32 $0x1D, v2;
	v1 =	vld.idx.msk [tilespmem:v5+s14+$0x0], $0xffff  }
0x2d8: {  	v5 =	vor.u32 $0x1E, v4;
	_ =	sdelay $0x3  }
0x2d9: {  	[tilespmem:v3+s15+$0x0] =	vst.idx.msk $0xffff, v1  }
0x2da: {  	v3 =	vor.u32 $0x1E, v2;
	v1 =	vld.idx.msk [tilespmem:v5+s14+$0x0], $0xffff  }
0x2db: {  	v4 =	vor.u32 $0x1F, v4;
	_ =	sdelay $0x1  }
0x2dc: {  	s31 =	simm.s32 $0x10  }
0x2dd: {  	v5 =	vmov s31  }
0x2de: {  	v5 =	vshll.u32 v5, $0x7;
	[tilespmem:v3+s15+$0x0] =	vst.idx.msk $0xffff, v1  }
0x2df: {  	v2 =	vor.u32 $0x1F, v2;
	v1 =	vor.u32 v0, v5;
	v5 =	vld.idx.msk [tilespmem:v4+s14+$0x0], $0xffff;
	_ =	sdelay $0x2  }
0x2e0: {  	v4 =	vor.u32 $0x1, v1  }
0x2e1: {  	s19 =	simm.s32 $0x20;
	v3 =	vor.u32 $0x2, v1  }
.LBB2_3:
0x2e2: {  	p0 =	sne.s32 s19, $0x180;
	[tilespmem:v2+s15+$0x0] =	vst.idx.msk $0xffff, v5;
	s20 =	smov.u32 s19;
	s19 =	sadd.s32 $0x10, s19  }
0x2e3: {  	v2 =	vld.idx.msk [tilespmem:v1+s13+$0x0], $0xffff;
	_ =	sdelay $0x1  }
0x2e4: {  	v5 =	vld.idx.msk [tilespmem:v4+s13+$0x0], $0xffff  }
0x2e5: {  	v6 =	vld.idx.msk [tilespmem:v3+s13+$0x0], $0xffff;
	_ =	sdelay $0x2  }
0x2e6: {  	v2 =	vmul.u32 $0x6, v2;
	_ =	sdelay $0x1  }
0x2e7: {  	v2 =	vadd.s32 v5, v2  }
0x2e8: {  	v2 =	vshll.u32 v2, $0x8;
	v5 =	vshll.u32 v6, $0x7  }
0x2e9: {  	v2 =	vadd.s32 v5, v2;
	_ =	sdelay $0x4  }
0x2ea: {  	v5 =	vld.idx.msk [tilespmem:v2+s14+$0x0], $0xffff;
	_ =	sdelay $0x1  }
0x2eb: {  	v6 =	vor.u32 $0x1, v2;
	_ =	sdelay $0x3  }
0x2ec: {  	[tilespmem:v1+s15+$0x0] =	vst.idx.msk $0xffff, v5  }
0x2ed: {  	v5 =	vld.idx.msk [tilespmem:v6+s14+$0x0], $0xffff;
	_ =	sdelay $0x1  }
0x2ee: {  	v6 =	vor.u32 $0x2, v2;
	_ =	sdelay $0x3  }
0x2ef: {  	[tilespmem:v4+s15+$0x0] =	vst.idx.msk $0xffff, v5  }
0x2f0: {  	v4 =	vld.idx.msk [tilespmem:v6+s14+$0x0], $0xffff;
	_ =	sdelay $0x1  }
0x2f1: {  	v5 =	vor.u32 $0x3, v2;
	_ =	sdelay $0x3  }
0x2f2: {  	[tilespmem:v3+s15+$0x0] =	vst.idx.msk $0xffff, v4  }
0x2f3: {  	v3 =	vld.idx.msk [tilespmem:v5+s14+$0x0], $0xffff  }
0x2f4: {  	v4 =	vor.u32 $0x3, v1  }
0x2f5: {  	v5 =	vor.u32 $0x4, v2;
	_ =	sdelay $0x3  }
0x2f6: {  	[tilespmem:v4+s15+$0x0] =	vst.idx.msk $0xffff, v3  }
0x2f7: {  	v3 =	vld.idx.msk [tilespmem:v5+s14+$0x0], $0xffff  }
0x2f8: {  	v4 =	vor.u32 $0x4, v1  }
0x2f9: {  	v5 =	vor.u32 $0x5, v2;
	_ =	sdelay $0x3  }
0x2fa: {  	[tilespmem:v4+s15+$0x0] =	vst.idx.msk $0xffff, v3  }
0x2fb: {  	v3 =	vld.idx.msk [tilespmem:v5+s14+$0x0], $0xffff  }
0x2fc: {  	v4 =	vor.u32 $0x5, v1  }
0x2fd: {  	v5 =	vor.u32 $0x6, v2;
	_ =	sdelay $0x3  }
0x2fe: {  	[tilespmem:v4+s15+$0x0] =	vst.idx.msk $0xffff, v3  }
0x2ff: {  	v3 =	vld.idx.msk [tilespmem:v5+s14+$0x0], $0xffff  }
0x300: {  	v4 =	vor.u32 $0x6, v1  }
0x301: {  	v5 =	vor.u32 $0x7, v2;
	_ =	sdelay $0x3  }
0x302: {  	[tilespmem:v4+s15+$0x0] =	vst.idx.msk $0xffff, v3  }
0x303: {  	v3 =	vld.idx.msk [tilespmem:v5+s14+$0x0], $0xffff  }
0x304: {  	v4 =	vor.u32 $0x7, v1  }
0x305: {  	v5 =	vor.u32 $0x8, v2;
	_ =	sdelay $0x3  }
0x306: {  	[tilespmem:v4+s15+$0x0] =	vst.idx.msk $0xffff, v3  }
0x307: {  	v3 =	vld.idx.msk [tilespmem:v5+s14+$0x0], $0xffff  }
0x308: {  	v4 =	vor.u32 $0x8, v1  }
0x309: {  	v5 =	vor.u32 $0x9, v2;
	_ =	sdelay $0x3  }
0x30a: {  	[tilespmem:v4+s15+$0x0] =	vst.idx.msk $0xffff, v3  }
0x30b: {  	v3 =	vld.idx.msk [tilespmem:v5+s14+$0x0], $0xffff  }
0x30c: {  	v4 =	vor.u32 $0x9, v1  }
0x30d: {  	v5 =	vor.u32 $0xA, v2;
	_ =	sdelay $0x3  }
0x30e: {  	[tilespmem:v4+s15+$0x0] =	vst.idx.msk $0xffff, v3  }
0x30f: {  	v3 =	vld.idx.msk [tilespmem:v5+s14+$0x0], $0xffff  }
0x310: {  	v4 =	vor.u32 $0xA, v1  }
0x311: {  	v5 =	vor.u32 $0xB, v2;
	_ =	sdelay $0x3  }
0x312: {  	[tilespmem:v4+s15+$0x0] =	vst.idx.msk $0xffff, v3  }
0x313: {  	v3 =	vld.idx.msk [tilespmem:v5+s14+$0x0], $0xffff  }
0x314: {  	v4 =	vor.u32 $0xB, v1  }
0x315: {  	v5 =	vor.u32 $0xC, v2;
	_ =	sdelay $0x3  }
0x316: {  	[tilespmem:v4+s15+$0x0] =	vst.idx.msk $0xffff, v3  }
0x317: {  	v3 =	vld.idx.msk [tilespmem:v5+s14+$0x0], $0xffff  }
0x318: {  	v4 =	vor.u32 $0xC, v1  }
0x319: {  	v5 =	vor.u32 $0xD, v2;
	_ =	sdelay $0x3  }
0x31a: {  	[tilespmem:v4+s15+$0x0] =	vst.idx.msk $0xffff, v3  }
0x31b: {  	v3 =	vld.idx.msk [tilespmem:v5+s14+$0x0], $0xffff  }
0x31c: {  	v4 =	vor.u32 $0xD, v1  }
0x31d: {  	v5 =	vor.u32 $0xE, v2;
	_ =	sdelay $0x3  }
0x31e: {  	[tilespmem:v4+s15+$0x0] =	vst.idx.msk $0xffff, v3  }
0x31f: {  	v3 =	vld.idx.msk [tilespmem:v5+s14+$0x0], $0xffff  }
0x320: {  	v4 =	vor.u32 $0xE, v1  }
0x321: {  	v5 =	vor.u32 $0xF, v2;
	_ =	sdelay $0x3  }
0x322: {  	[tilespmem:v4+s15+$0x0] =	vst.idx.msk $0xffff, v3  }
0x323: {  	v3 =	vld.idx.msk [tilespmem:v5+s14+$0x0], $0xffff  }
0x324: {  	v4 =	vor.u32 $0xF, v1  }
0x325: {  	v5 =	vor.u32 $0x10, v2;
	_ =	sdelay $0x3  }
0x326: {  	[tilespmem:v4+s15+$0x0] =	vst.idx.msk $0xffff, v3  }
0x327: {  	v3 =	vld.idx.msk [tilespmem:v5+s14+$0x0], $0xffff  }
0x328: {  	v4 =	vor.u32 $0x10, v1  }
0x329: {  	v5 =	vor.u32 $0x11, v2;
	_ =	sdelay $0x3  }
0x32a: {  	[tilespmem:v4+s15+$0x0] =	vst.idx.msk $0xffff, v3  }
0x32b: {  	v3 =	vld.idx.msk [tilespmem:v5+s14+$0x0], $0xffff  }
0x32c: {  	v4 =	vor.u32 $0x11, v1  }
0x32d: {  	v5 =	vor.u32 $0x12, v2;
	_ =	sdelay $0x3  }
0x32e: {  	[tilespmem:v4+s15+$0x0] =	vst.idx.msk $0xffff, v3  }
0x32f: {  	v3 =	vld.idx.msk [tilespmem:v5+s14+$0x0], $0xffff  }
0x330: {  	v4 =	vor.u32 $0x12, v1  }
0x331: {  	v5 =	vor.u32 $0x13, v2;
	_ =	sdelay $0x3  }
0x332: {  	[tilespmem:v4+s15+$0x0] =	vst.idx.msk $0xffff, v3  }
0x333: {  	v3 =	vld.idx.msk [tilespmem:v5+s14+$0x0], $0xffff  }
0x334: {  	v4 =	vor.u32 $0x13, v1  }
0x335: {  	v5 =	vor.u32 $0x14, v2;
	_ =	sdelay $0x3  }
0x336: {  	[tilespmem:v4+s15+$0x0] =	vst.idx.msk $0xffff, v3  }
0x337: {  	v3 =	vld.idx.msk [tilespmem:v5+s14+$0x0], $0xffff  }
0x338: {  	v4 =	vor.u32 $0x14, v1  }
0x339: {  	v5 =	vor.u32 $0x15, v2;
	_ =	sdelay $0x3  }
0x33a: {  	[tilespmem:v4+s15+$0x0] =	vst.idx.msk $0xffff, v3  }
0x33b: {  	v3 =	vld.idx.msk [tilespmem:v5+s14+$0x0], $0xffff  }
0x33c: {  	v4 =	vor.u32 $0x15, v1  }
0x33d: {  	v5 =	vor.u32 $0x16, v2;
	_ =	sdelay $0x3  }
0x33e: {  	[tilespmem:v4+s15+$0x0] =	vst.idx.msk $0xffff, v3  }
0x33f: {  	v3 =	vld.idx.msk [tilespmem:v5+s14+$0x0], $0xffff  }
0x340: {  	v4 =	vor.u32 $0x16, v1  }
0x341: {  	v5 =	vor.u32 $0x17, v2;
	_ =	sdelay $0x3  }
0x342: {  	[tilespmem:v4+s15+$0x0] =	vst.idx.msk $0xffff, v3  }
0x343: {  	v3 =	vld.idx.msk [tilespmem:v5+s14+$0x0], $0xffff  }
0x344: {  	v4 =	vor.u32 $0x17, v1  }
0x345: {  	v5 =	vor.u32 $0x18, v2;
	_ =	sdelay $0x3  }
0x346: {  	[tilespmem:v4+s15+$0x0] =	vst.idx.msk $0xffff, v3  }
0x347: {  	v3 =	vld.idx.msk [tilespmem:v5+s14+$0x0], $0xffff  }
0x348: {  	v4 =	vor.u32 $0x18, v1  }
0x349: {  	v5 =	vor.u32 $0x19, v2;
	_ =	sdelay $0x3  }
0x34a: {  	[tilespmem:v4+s15+$0x0] =	vst.idx.msk $0xffff, v3  }
0x34b: {  	v3 =	vld.idx.msk [tilespmem:v5+s14+$0x0], $0xffff  }
0x34c: {  	v4 =	vor.u32 $0x19, v1  }
0x34d: {  	v5 =	vor.u32 $0x1A, v2;
	_ =	sdelay $0x3  }
0x34e: {  	[tilespmem:v4+s15+$0x0] =	vst.idx.msk $0xffff, v3  }
0x34f: {  	v3 =	vld.idx.msk [tilespmem:v5+s14+$0x0], $0xffff  }
0x350: {  	v4 =	vor.u32 $0x1A, v1  }
0x351: {  	v5 =	vor.u32 $0x1B, v2;
	_ =	sdelay $0x3  }
0x352: {  	[tilespmem:v4+s15+$0x0] =	vst.idx.msk $0xffff, v3  }
0x353: {  	v3 =	vld.idx.msk [tilespmem:v5+s14+$0x0], $0xffff  }
0x354: {  	v4 =	vor.u32 $0x1B, v1  }
0x355: {  	v5 =	vor.u32 $0x1C, v2;
	_ =	sdelay $0x3  }
0x356: {  	[tilespmem:v4+s15+$0x0] =	vst.idx.msk $0xffff, v3  }
0x357: {  	v3 =	vld.idx.msk [tilespmem:v5+s14+$0x0], $0xffff  }
0x358: {  	v4 =	vor.u32 $0x1C, v1  }
0x359: {  	v5 =	vor.u32 $0x1D, v2;
	_ =	sdelay $0x3  }
0x35a: {  	[tilespmem:v4+s15+$0x0] =	vst.idx.msk $0xffff, v3  }
0x35b: {  	v3 =	vld.idx.msk [tilespmem:v5+s14+$0x0], $0xffff  }
0x35c: {  	v4 =	vor.u32 $0x1D, v1  }
0x35d: {  	v5 =	vor.u32 $0x1E, v2;
	_ =	sdelay $0x3  }
0x35e: {  	[tilespmem:v4+s15+$0x0] =	vst.idx.msk $0xffff, v3  }
0x35f: {  	v3 =	vld.idx.msk [tilespmem:v5+s14+$0x0], $0xffff  }
0x360: {  	v4 =	vor.u32 $0x1E, v1  }
0x361: {  	v2 =	vor.u32 $0x1F, v2;
	_ =	sdelay $0x3  }
0x362: {  	[tilespmem:v4+s15+$0x0] =	vst.idx.msk $0xffff, v3  }
0x363: {  	v3 =	vmov s20;
	v5 =	vld.idx.msk [tilespmem:v2+s14+$0x0], $0xffff  }
.Ltmp0:
0x364: {  	v3 =	vshll.u32 v3, $0x7;
	v2 =	vor.u32 $0x1F, v1;
	(pc) =	sbr.rel @p0 .LBB2_3-.Ltmp0, $3  }
0x365: {  	v1 =	vor.u32 v0, v3;
	_ =	sdelay $0x1  }
0x366: {  	v4 =	vor.u32 $0x1, v1  }
0x367: {  	v3 =	vor.u32 $0x2, v1  }
0x368: {  	_ =	sdelay $0x3  }
0x369: {  	[tilespmem:v2+s15+$0x0] =	vst.idx.msk $0xffff, v5  }
0x36a: {  	v2 =	vld.idx.msk [tilespmem:v1+s13+$0x0], $0xffff;
	_ =	sdelay $0x1  }
0x36b: {  	v5 =	vld.idx.msk [tilespmem:v4+s13+$0x0], $0xffff  }
0x36c: {  	v6 =	vld.idx.msk [tilespmem:v3+s13+$0x0], $0xffff;
	_ =	sdelay $0x1  }
0x36d: {  	v2 =	vmul.u32 $0x6, v2;
	_ =	sdelay $0x1  }
0x36e: {  	v2 =	vadd.s32 v5, v2  }
0x36f: {  	v61 =	vshll.u32 v6, $0x7;
	v2 =	vshll.u32 v2, $0x8  }
0x370: {  	v2 =	vadd.s32 v61, v2;
	_ =	sdelay $0x4  }
0x371: {  	v5 =	vld.idx.msk [tilespmem:v2+s14+$0x0], $0xffff  }
0x372: {  	v62 =	vor.u32 $0x1, v2;
	_ =	sdelay $0x3  }
0x373: {  	[tilespmem:v1+s15+$0x0] =	vst.idx.msk $0xffff, v5  }
0x374: {  	v5 =	vld.idx.msk [tilespmem:v62+s14+$0x0], $0xffff  }
0x375: {  	v63 =	vor.u32 $0x2, v2;
	_ =	sdelay $0x3  }
0x376: {  	[tilespmem:v4+s15+$0x0] =	vst.idx.msk $0xffff, v5  }
0x377: {  	v4 =	vld.idx.msk [tilespmem:v63+s14+$0x0], $0xffff  }
0x378: {  	v8 =	vor.u32 $0x3, v2;
	_ =	sdelay $0x3  }
0x379: {  	[tilespmem:v3+s15+$0x0] =	vst.idx.msk $0xffff, v4  }
0x37a: {  	v9 =	vor.u32 $0x3, v1;
	v3 =	vld.idx.msk [tilespmem:v8+s14+$0x0], $0xffff  }
0x37b: {  	v10 =	vor.u32 $0x4, v2;
	_ =	sdelay $0x3  }
0x37c: {  	[tilespmem:v9+s15+$0x0] =	vst.idx.msk $0xffff, v3  }
0x37d: {  	v11 =	vor.u32 $0x4, v1;
	v3 =	vld.idx.msk [tilespmem:v10+s14+$0x0], $0xffff  }
0x37e: {  	v12 =	vor.u32 $0x5, v2;
	_ =	sdelay $0x3  }
0x37f: {  	[tilespmem:v11+s15+$0x0] =	vst.idx.msk $0xffff, v3  }
0x380: {  	v13 =	vor.u32 $0x5, v1;
	v3 =	vld.idx.msk [tilespmem:v12+s14+$0x0], $0xffff  }
0x381: {  	v14 =	vor.u32 $0x6, v2;
	_ =	sdelay $0x3  }
0x382: {  	[tilespmem:v13+s15+$0x0] =	vst.idx.msk $0xffff, v3  }
0x383: {  	v15 =	vor.u32 $0x6, v1;
	v3 =	vld.idx.msk [tilespmem:v14+s14+$0x0], $0xffff  }
0x384: {  	v16 =	vor.u32 $0x7, v2;
	_ =	sdelay $0x3  }
0x385: {  	[tilespmem:v15+s15+$0x0] =	vst.idx.msk $0xffff, v3  }
0x386: {  	v17 =	vor.u32 $0x7, v1;
	v3 =	vld.idx.msk [tilespmem:v16+s14+$0x0], $0xffff  }
0x387: {  	v18 =	vor.u32 $0x8, v2;
	_ =	sdelay $0x3  }
0x388: {  	[tilespmem:v17+s15+$0x0] =	vst.idx.msk $0xffff, v3  }
0x389: {  	v19 =	vor.u32 $0x8, v1;
	v3 =	vld.idx.msk [tilespmem:v18+s14+$0x0], $0xffff  }
0x38a: {  	v20 =	vor.u32 $0x9, v2;
	_ =	sdelay $0x3  }
0x38b: {  	[tilespmem:v19+s15+$0x0] =	vst.idx.msk $0xffff, v3  }
0x38c: {  	v21 =	vor.u32 $0x9, v1;
	v3 =	vld.idx.msk [tilespmem:v20+s14+$0x0], $0xffff  }
0x38d: {  	v22 =	vor.u32 $0xA, v2;
	_ =	sdelay $0x3  }
0x38e: {  	[tilespmem:v21+s15+$0x0] =	vst.idx.msk $0xffff, v3  }
0x38f: {  	v23 =	vor.u32 $0xA, v1;
	v3 =	vld.idx.msk [tilespmem:v22+s14+$0x0], $0xffff  }
0x390: {  	v24 =	vor.u32 $0xB, v2;
	_ =	sdelay $0x3  }
0x391: {  	[tilespmem:v23+s15+$0x0] =	vst.idx.msk $0xffff, v3  }
0x392: {  	v25 =	vor.u32 $0xB, v1;
	v3 =	vld.idx.msk [tilespmem:v24+s14+$0x0], $0xffff  }
0x393: {  	v26 =	vor.u32 $0xC, v2;
	_ =	sdelay $0x3  }
0x394: {  	[tilespmem:v25+s15+$0x0] =	vst.idx.msk $0xffff, v3  }
0x395: {  	v27 =	vor.u32 $0xC, v1;
	v3 =	vld.idx.msk [tilespmem:v26+s14+$0x0], $0xffff  }
0x396: {  	v28 =	vor.u32 $0xD, v2;
	_ =	sdelay $0x3  }
0x397: {  	[tilespmem:v27+s15+$0x0] =	vst.idx.msk $0xffff, v3  }
0x398: {  	v29 =	vor.u32 $0xD, v1;
	v3 =	vld.idx.msk [tilespmem:v28+s14+$0x0], $0xffff  }
0x399: {  	v30 =	vor.u32 $0xE, v2;
	_ =	sdelay $0x3  }
0x39a: {  	[tilespmem:v29+s15+$0x0] =	vst.idx.msk $0xffff, v3  }
0x39b: {  	v31 =	vor.u32 $0xE, v1;
	v3 =	vld.idx.msk [tilespmem:v30+s14+$0x0], $0xffff  }
0x39c: {  	v32 =	vor.u32 $0xF, v2;
	_ =	sdelay $0x3  }
0x39d: {  	[tilespmem:v31+s15+$0x0] =	vst.idx.msk $0xffff, v3  }
0x39e: {  	v33 =	vor.u32 $0xF, v1;
	v3 =	vld.idx.msk [tilespmem:v32+s14+$0x0], $0xffff  }
0x39f: {  	v34 =	vor.u32 $0x10, v2;
	_ =	sdelay $0x3  }
0x3a0: {  	[tilespmem:v33+s15+$0x0] =	vst.idx.msk $0xffff, v3  }
0x3a1: {  	v35 =	vor.u32 $0x10, v1;
	v3 =	vld.idx.msk [tilespmem:v34+s14+$0x0], $0xffff  }
0x3a2: {  	v36 =	vor.u32 $0x11, v2;
	_ =	sdelay $0x3  }
0x3a3: {  	[tilespmem:v35+s15+$0x0] =	vst.idx.msk $0xffff, v3  }
0x3a4: {  	v37 =	vor.u32 $0x11, v1;
	v3 =	vld.idx.msk [tilespmem:v36+s14+$0x0], $0xffff  }
0x3a5: {  	v38 =	vor.u32 $0x12, v2;
	_ =	sdelay $0x3  }
0x3a6: {  	[tilespmem:v37+s15+$0x0] =	vst.idx.msk $0xffff, v3  }
0x3a7: {  	v39 =	vor.u32 $0x12, v1;
	v3 =	vld.idx.msk [tilespmem:v38+s14+$0x0], $0xffff  }
0x3a8: {  	v40 =	vor.u32 $0x13, v2;
	_ =	sdelay $0x3  }
0x3a9: {  	[tilespmem:v39+s15+$0x0] =	vst.idx.msk $0xffff, v3  }
0x3aa: {  	v41 =	vor.u32 $0x13, v1;
	v3 =	vld.idx.msk [tilespmem:v40+s14+$0x0], $0xffff  }
0x3ab: {  	v42 =	vor.u32 $0x14, v2;
	_ =	sdelay $0x3  }
0x3ac: {  	[tilespmem:v41+s15+$0x0] =	vst.idx.msk $0xffff, v3  }
0x3ad: {  	v43 =	vor.u32 $0x14, v1;
	v3 =	vld.idx.msk [tilespmem:v42+s14+$0x0], $0xffff  }
0x3ae: {  	v44 =	vor.u32 $0x15, v2;
	_ =	sdelay $0x3  }
0x3af: {  	[tilespmem:v43+s15+$0x0] =	vst.idx.msk $0xffff, v3  }
0x3b0: {  	v45 =	vor.u32 $0x15, v1;
	v3 =	vld.idx.msk [tilespmem:v44+s14+$0x0], $0xffff  }
0x3b1: {  	v46 =	vor.u32 $0x16, v2;
	_ =	sdelay $0x3  }
0x3b2: {  	[tilespmem:v45+s15+$0x0] =	vst.idx.msk $0xffff, v3  }
0x3b3: {  	v47 =	vor.u32 $0x16, v1;
	v3 =	vld.idx.msk [tilespmem:v46+s14+$0x0], $0xffff  }
0x3b4: {  	v48 =	vor.u32 $0x17, v2;
	_ =	sdelay $0x3  }
0x3b5: {  	[tilespmem:v47+s15+$0x0] =	vst.idx.msk $0xffff, v3  }
0x3b6: {  	v49 =	vor.u32 $0x17, v1;
	v3 =	vld.idx.msk [tilespmem:v48+s14+$0x0], $0xffff  }
0x3b7: {  	v50 =	vor.u32 $0x18, v2;
	_ =	sdelay $0x3  }
0x3b8: {  	[tilespmem:v49+s15+$0x0] =	vst.idx.msk $0xffff, v3  }
0x3b9: {  	v51 =	vor.u32 $0x18, v1;
	v3 =	vld.idx.msk [tilespmem:v50+s14+$0x0], $0xffff  }
0x3ba: {  	v52 =	vor.u32 $0x19, v2;
	_ =	sdelay $0x3  }
0x3bb: {  	[tilespmem:v51+s15+$0x0] =	vst.idx.msk $0xffff, v3  }
0x3bc: {  	v53 =	vor.u32 $0x19, v1;
	v3 =	vld.idx.msk [tilespmem:v52+s14+$0x0], $0xffff  }
0x3bd: {  	v54 =	vor.u32 $0x1A, v2;
	_ =	sdelay $0x3  }
0x3be: {  	[tilespmem:v53+s15+$0x0] =	vst.idx.msk $0xffff, v3  }
0x3bf: {  	v55 =	vor.u32 $0x1A, v1;
	v3 =	vld.idx.msk [tilespmem:v54+s14+$0x0], $0xffff  }
0x3c0: {  	v56 =	vor.u32 $0x1B, v2;
	_ =	sdelay $0x3  }
0x3c1: {  	[tilespmem:v55+s15+$0x0] =	vst.idx.msk $0xffff, v3  }
0x3c2: {  	v57 =	vor.u32 $0x1B, v1;
	v3 =	vld.idx.msk [tilespmem:v56+s14+$0x0], $0xffff  }
0x3c3: {  	v58 =	vor.u32 $0x1C, v2;
	_ =	sdelay $0x3  }
0x3c4: {  	[tilespmem:v57+s15+$0x0] =	vst.idx.msk $0xffff, v3  }
0x3c5: {  	v59 =	vor.u32 $0x1C, v1;
	v3 =	vld.idx.msk [tilespmem:v58+s14+$0x0], $0xffff  }
0x3c6: {  	v60 =	vor.u32 $0x1D, v2;
	_ =	sdelay $0x3  }
0x3c7: {  	[tilespmem:v59+s15+$0x0] =	vst.idx.msk $0xffff, v3  }
0x3c8: {  	v61 =	vor.u32 $0x1D, v1;
	v3 =	vld.idx.msk [tilespmem:v60+s14+$0x0], $0xffff  }
0x3c9: {  	v62 =	vor.u32 $0x1E, v2;
	_ =	sdelay $0x3  }
0x3ca: {  	[tilespmem:v61+s15+$0x0] =	vst.idx.msk $0xffff, v3  }
0x3cb: {  	v63 =	vor.u32 $0x1E, v1;
	v3 =	vld.idx.msk [tilespmem:v62+s14+$0x0], $0xffff  }
0x3cc: {  	v2 =	vor.u32 $0x1F, v2;
	_ =	sdelay $0x3  }
0x3cd: {  	[tilespmem:v63+s15+$0x0] =	vst.idx.msk $0xffff, v3  }
0x3ce: {  	v1 =	vor.u32 $0x1F, v1;
	v2 =	vld.idx.msk [tilespmem:v2+s14+$0x0], $0xffff;
	_ =	sdelay $0x2  }
0x3cf: {  	s17 =	sadd.s32 $0x1, s17  }
0x3d0: {  	p0 =	sne.s32 s17, $0x7D  }
.Ltmp1:
0x3d1: {  	s18 =	sadd.s32 s7, s18;
	[tilespmem:v1+s15+$0x0] =	vst.idx.msk $0xffff, v2;
	(pc) =	sbr.rel @p0 .LBB2_2-.Ltmp1, $4  }
0x3d2: {  	[hbm4b:s18+s4] =	stream.linear.scatter [tilespmem:s15], [sflag:$0x1], $0xC800, $0x38;
	[tilespmem:$0x1B900] =	vst v63  }
0x3d3: {  	_ =	swait.ge [sflag:s10], $0xC800  }
0x3d4: {  	[sflag:s10] =	ssyncset.done $0x0  }
0x3d5: {  	[sflag:s10] =	ssyncadd.s32 $0xFFFF3800  }
0x3d6: {  	s16 =	sadd.s32 $0x1, s16  }
0x3d7: {  	p0 =	sne.s32 s16, s9  }
.Ltmp2:
0x3d8: {  	_ = 	snop;
	(pc) =	sbr.rel @p0 .LBB2_1-.Ltmp2, $1  }
0x3d9: {  	_ =	sdelay $0x3  }
0x3da: {  	_ =	sfence.sel $0x180000  }
0x3db: {  	[bflag:$0x0] =	sbarrier.arrive $0xFFFF  }
0x3dc: {  	p0 =	sne.s32 s5, $0x0;
	_ =	strace $0x90000047  }
0x3dd: {  	s0 =	sadd.s32 @!p0 $0x100000, s0;
	[bflag:$0x2] =	sbarrier.arrive $0xFFFF  }
0x3de: {  	[sflag:s0] =	ssyncadd.tile.s32 @!p0 $0x1;
	_ =	shalt  }
.Lfunc_end2:
_tile_overlayer_lowered:
.L_overlay_start_2:
0x3df: {  	(tag) =	ssettag $0x2  }
0x3e0: {  	s0 =	rddreg [dreg:$0x0];
	s2 =	stileid.u32  }
0x3e1: {  	s1 =	rddreg [dreg:$0x1];
	p0 =	sne.s32 s2, $0x0  }
0x3e2: {  	s3 =	rddreg [dreg:$0x2];
	[bflag:$0x3] =	sbarrier.arrive $0xFFFF;
	s2 =	simm.s32 @!p0 $0x1C01  }
0x3e3: {  	[timem:s3], [sflag:s2] =	dma.local @!p0 [hbm:s0], s1  }
0x3e4: {  	s0 =	simm.s32 @!p0 $0x1  }
0x3e5: {  	_ =	swait.ge @!p0 [sflag:s0], s1  }
0x3e6: {  	s1 =	ssub.s32 @!p0 $0x0, s1;
	[sflag:s0] =	ssyncset.done @!p0 $0x0  }
0x3e7: {  	[sflag:s0] =	ssyncadd.s32 @!p0 s1  }
0x3e8: {  	[bflag:$0x3] =	sbarrier.arrive $0xFFFF  }
0x3e9: {  	_ =	shalt  }

</sc_bundles>
